<compile_context>
chip_gen: v7x
topology: tpu7x:2x2x1
jax: 0.10.2.dev20260603
libtpu: 0.0.44.dev20260713+nightly
codegen_flags: <defaults>
</compile_context>

<pallas_src>
import functools

import jax
import jax.numpy as jnp
from jax import lax
from jax.experimental import pallas as pl
from jax.experimental.pallas import tpu as pltpu
from jax.experimental.pallas import tpu_sc as plsc

N = 10000
E = 320000
DIN = 128
DH = 128
DOUT = 128
H = 3
DE = 16
G = 16

NC = 2
NS = 16
NT = NC * NS
EPT = E // NT
B1 = 400
B2 = 80
NP3 = 30720
SL = NP3 // NS
NACC = 10240
RPT = NACC // NS
NB = 400
NSTEP = N // NB
EB = E // NSTEP

_f32 = jnp.float32
_i32 = jnp.int32


def _tc_pre_body(x_ref, w1_ref, b1_ref, ws_ref, a3_ref, wd3_ref, ea_ref,
                 v3_ref, h_ref, xs_ref, asrc_ref, adst_ref, ae_ref):
    h = x_ref[...] @ w1_ref[...] + b1_ref[...]
    h = jnp.where(h >= 0, h, h * 0.01)
    h_ref[...] = h
    xs = jnp.dot(h, ws_ref[...], preferred_element_type=_f32)
    xs_ref[...] = xs
    asrc_ref[...] = jnp.dot(xs, a3_ref[...], preferred_element_type=_f32)
    adst_ref[...] = jnp.dot(h, wd3_ref[...], preferred_element_type=_f32)
    ae_ref[...] = jnp.dot(ea_ref[...], v3_ref[...], preferred_element_type=_f32)


def _tc_pre(X, W1, b1r, W_src, A3, Wd3, ea, V3):
    return pl.pallas_call(
        _tc_pre_body,
        grid=(NSTEP,),
        in_specs=[
            pl.BlockSpec((NB, DIN), lambda i: (i, 0)),
            pl.BlockSpec((DIN, DH), lambda i: (0, 0)),
            pl.BlockSpec((1, DH), lambda i: (0, 0)),
            pl.BlockSpec((DH, H * DH), lambda i: (0, 0)),
            pl.BlockSpec((H * DH, H), lambda i: (0, 0)),
            pl.BlockSpec((DH, H), lambda i: (0, 0)),
            pl.BlockSpec((EB, DE), lambda i: (i, 0)),
            pl.BlockSpec((DE, H), lambda i: (0, 0)),
        ],
        out_specs=[
            pl.BlockSpec((NB, DH), lambda i: (i, 0)),
            pl.BlockSpec((NB, H * DH), lambda i: (i, 0)),
            pl.BlockSpec((NB, H), lambda i: (i, 0)),
            pl.BlockSpec((NB, H), lambda i: (i, 0)),
            pl.BlockSpec((EB, H), lambda i: (i, 0)),
        ],
        out_shape=[
            jax.ShapeDtypeStruct((N, DH), _f32),
            jax.ShapeDtypeStruct((N, H * DH), _f32),
            jax.ShapeDtypeStruct((N, H), _f32),
            jax.ShapeDtypeStruct((N, H), _f32),
            jax.ShapeDtypeStruct((E, H), _f32),
        ],
    )(X, W1, b1r, W_src, A3, Wd3, ea, V3)


def _sc_pass1_body(src_h, dst_h, ae_h, asrc_h, adst_h, ex_h, den_h,
                   asrc_t, adst_t, dacc, src_v, dst_v, ae_v, ex_v,
                   shred, tmp_v, racc_v):
    c = lax.axis_index("c")
    s = lax.axis_index("s")
    wid = s * NC + c
    base = wid * EPT
    pltpu.sync_copy(asrc_h, asrc_t)
    pltpu.sync_copy(adst_h, adst_t)

    def _zero(i, _):
        dacc[pl.ds(i * 16, 16)] = jnp.zeros((16,), _f32)
        return 0
    lax.fori_loop(0, NP3 // 16, _zero, 0)

    lane = lax.iota(_i32, 16)

    def _blk(b, _):
        e0 = base + b * B1
        pltpu.sync_copy(src_h.at[pl.ds(e0, B1)], src_v)
        pltpu.sync_copy(dst_h.at[pl.ds(e0, B1)], dst_v)
        pltpu.sync_copy(ae_h.at[pl.ds(e0 * 3, B1 * 3)], ae_v)

        def _grp(g, _):
            off = g * 16
            sv = src_v[pl.ds(off, 16)]
            dv = dst_v[pl.ds(off, 16)]
            s3 = sv * 3
            d3 = dv * 3
            l3 = (off + lane) * 3
            for hh in range(H):
                a = (plsc.load_gather(asrc_t, [s3 + hh])
                     + plsc.load_gather(adst_t, [d3 + hh])
                     + plsc.load_gather(ae_v, [l3 + hh]))
                a = jnp.where(a >= 0, a, a * 0.2)
                exh = jnp.exp(a)
                plsc.store_scatter(ex_v, [l3 + hh], exh)
                plsc.addupdate_scatter(dacc, [d3 + hh], exh)
            return 0
        lax.fori_loop(0, B1 // 16, _grp, 0)
        pltpu.sync_copy(ex_v, ex_h.at[pl.ds(e0 * 3, B1 * 3)])
        return 0
    lax.fori_loop(0, EPT // B1, _blk, 0)

    pltpu.sync_copy(dacc, shred.at[s])
    plsc.subcore_barrier()
    pltpu.sync_copy(shred.at[0, pl.ds(s * SL, SL)], racc_v)

    def _red(j, _):
        pltpu.sync_copy(shred.at[j, pl.ds(s * SL, SL)], tmp_v)

        def _addv(i, _):
            racc_v[pl.ds(i * 16, 16)] = (racc_v[pl.ds(i * 16, 16)]
                                         + tmp_v[pl.ds(i * 16, 16)])
            return 0
        lax.fori_loop(0, SL // 16, _addv, 0)
        return 0
    lax.fori_loop(1, NS, _red, 0)
    pltpu.sync_copy(racc_v, den_h.at[c, pl.ds(s * SL, SL)])


def _sc_pass1(src, dst, ae3, asrc3, adst3):
    mesh = plsc.VectorSubcoreMesh(core_axis_name="c", subcore_axis_name="s")
    return pl.kernel(
        _sc_pass1_body,
        out_type=(
            jax.ShapeDtypeStruct((E * 3,), _f32),
            jax.ShapeDtypeStruct((NC, NP3), _f32),
        ),
        mesh=mesh,
        compiler_params=pltpu.CompilerParams(needs_layout_passes=False),
        scratch_types=[
            pltpu.VMEM((N * 3,), _f32),
            pltpu.VMEM((N * 3,), _f32),
            pltpu.VMEM((NP3,), _f32),
            pltpu.VMEM((B1,), _i32),
            pltpu.VMEM((B1,), _i32),
            pltpu.VMEM((B1 * 3,), _f32),
            pltpu.VMEM((B1 * 3,), _f32),
            pltpu.VMEM_SHARED((NS, NP3), _f32),
            pltpu.VMEM((SL,), _f32),
            pltpu.VMEM((SL,), _f32),
        ],
    )(src, dst, ae3, asrc3, adst3)


def _tc_combine_body(den_ref, rd_ref):
    d = den_ref[...]
    rd_ref[...] = 1.0 / (3.0 * (d[0] + d[1]) + 3e-16)


def _tc_combine(den):
    return pl.pallas_call(
        _tc_combine_body,
        out_shape=jax.ShapeDtypeStruct((NP3 // 128, 128), _f32),
    )(den.reshape(NC, NP3 // 128, 128))


B15 = 400


def _sc_attn_body(dst_h, ex_h, rd_h, attn_h, w_h, rd_t, dst_v, ex_v, attn_st):
    c = lax.axis_index("c")
    s = lax.axis_index("s")
    wid = s * NC + c
    base = wid * EPT
    pltpu.sync_copy(rd_h, rd_t)
    lane = lax.iota(_i32, 16)
    chh = [jnp.full((16,), hh, _i32) for hh in range(H)]

    def _blk(b, _):
        e0 = base + b * B15
        pltpu.sync_copy(dst_h.at[pl.ds(e0, B15)], dst_v)
        pltpu.sync_copy(ex_h.at[pl.ds(e0 * 3, B15 * 3)], ex_v)

        def _grp(g, _):
            off = g * 16
            dv = dst_v[pl.ds(off, 16)]
            d3 = dv * 3
            l3 = (off + lane) * 3
            for hh in range(H):
                exh = plsc.load_gather(ex_v, [l3 + hh])
                rd = plsc.load_gather(rd_t, [d3 + hh])
                w = exh * rd
                plsc.store_scatter(ex_v, [l3 + hh], w)
                plsc.store_scatter(attn_st, [off + lane, chh[hh]], w * 3.0)
            return 0
        lax.fori_loop(0, B15 // 16, _grp, 0)
        pltpu.sync_copy(attn_st, attn_h.at[pl.ds(e0, B15)])
        pltpu.sync_copy(ex_v, w_h.at[pl.ds(e0 * 3, B15 * 3)])
        return 0
    lax.fori_loop(0, EPT // B15, _blk, 0)


def _sc_attn(dst, ex3, rdenom):
    mesh = plsc.VectorSubcoreMesh(core_axis_name="c", subcore_axis_name="s")
    return pl.kernel(
        _sc_attn_body,
        out_type=(
            jax.ShapeDtypeStruct((E, H), _f32),
            jax.ShapeDtypeStruct((E * 3,), _f32),
        ),
        mesh=mesh,
        compiler_params=pltpu.CompilerParams(needs_layout_passes=False),
        scratch_types=[
            pltpu.VMEM((NP3,), _f32),
            pltpu.VMEM((B15,), _i32),
            pltpu.VMEM((B15 * 3,), _f32),
            pltpu.VMEM((B15, H), _f32),
        ],
    )(dst, ex3, rdenom)


def _sc_pass2_body(src_h, dst_h, w_h, xs_h, out_h,
                   src_v, dst_v, w_v, rows_v, y_v, zbuf, acc, gsem):
    c = lax.axis_index("c")
    s = lax.axis_index("s")
    wid = s * NC + c
    base = wid * EPT

    lane = lax.iota(_i32, 16)
    zero16 = jnp.zeros((16,), _f32)

    def _zrow(i, _):
        for j in range(8):
            plsc.store_scatter(zbuf, [jnp.full((16,), i, _i32), lane + j * 16],
                               zero16)
        return 0
    lax.fori_loop(0, 5, _zrow, 0)

    def _zacc(q, _):
        pltpu.sync_copy(zbuf, acc.at[pl.ds(s * RPT + q * 5, 5)])
        return 0
    lax.fori_loop(0, RPT // 5, _zacc, 0)
    plsc.subcore_barrier()

    cols = [lane + j * 16 for j in range(8)]

    def _blk(b, _):
        e0 = base + b * B2
        pltpu.sync_copy(src_h.at[pl.ds(e0, B2)], src_v)
        pltpu.sync_copy(dst_h.at[pl.ds(e0, B2)], dst_v)
        pltpu.sync_copy(w_h.at[pl.ds(e0 * 3, B2 * 3)], w_v.at[pl.ds(0, B2 * 3)])
        pltpu.async_copy(xs_h.at[src_v], rows_v, gsem).wait()

        def _edge(e, _):
            wv = w_v[pl.ds(e * 3, 16)]
            w0 = wv[0]
            w1 = wv[1]
            w2 = wv[2]
            er = jnp.full((16,), e, _i32)
            for j in range(8):
                v = (plsc.load_gather(rows_v, [er, cols[j]]) * w0
                     + plsc.load_gather(rows_v, [er, cols[j] + 128]) * w1
                     + plsc.load_gather(rows_v, [er, cols[j] + 256]) * w2)
                plsc.store_scatter(y_v, [er, cols[j]], v)
            return 0
        lax.fori_loop(0, B2, _edge, 0)
        pltpu.sync_copy(y_v, acc.at[dst_v], add=True)
        return 0
    lax.fori_loop(0, EPT // B2, _blk, 0)

    plsc.subcore_barrier()

    def _wb(k, _):
        r0 = s * RPT + k * B2
        pltpu.sync_copy(acc.at[pl.ds(r0, B2)], y_v)
        pltpu.sync_copy(y_v, out_h.at[c, pl.ds(r0, B2)])
        return 0
    lax.fori_loop(0, RPT // B2, _wb, 0)


def _sc_pass2(src, dst, w3, xs):
    mesh = plsc.VectorSubcoreMesh(core_axis_name="c", subcore_axis_name="s")
    return pl.kernel(
        _sc_pass2_body,
        out_type=jax.ShapeDtypeStruct((NC, NACC, DH), _f32),
        mesh=mesh,
        compiler_params=pltpu.CompilerParams(needs_layout_passes=False),
        scratch_types=[
            pltpu.VMEM((B2,), _i32),
            pltpu.VMEM((B2,), _i32),
            pltpu.VMEM((B2 * 3 + 16,), _f32),
            pltpu.VMEM((B2, H * DH), _f32),
            pltpu.VMEM((B2, DH), _f32),
            pltpu.VMEM((5, DH), _f32),
            pltpu.VMEM_SHARED((NACC, DH), _f32),
            pltpu.SemaphoreType.DMA,
        ],
    )(src, dst, w3, xs)


def _tc_post_body(h_ref, a0_ref, a1_ref, bg_ref, wf_ref, bf_ref, ptr_ref,
                  pooled_ref):
    i = pl.program_id(0)
    out = a0_ref[...] + a1_ref[...] + bg_ref[...]
    cat = jnp.concatenate([h_ref[...], out], axis=1)
    cat = jnp.where(cat >= 0, cat, cat * 0.01)
    y = jnp.dot(cat, wf_ref[...], preferred_element_type=_f32) + bf_ref[...]
    ids = lax.broadcasted_iota(_i32, (G, NB), 1) + i * NB
    lo = jnp.stack([ptr_ref[g] for g in range(G)])
    hi = jnp.stack([ptr_ref[g + 1] for g in range(G)])
    m = ((ids >= lo[:, None]) & (ids < hi[:, None])).astype(_f32)
    part = jnp.dot(m, y, preferred_element_type=_f32)

    @pl.when(i == 0)
    def _():
        pooled_ref[...] = jnp.zeros_like(pooled_ref)

    pooled_ref[...] += part

    @pl.when(i == NSTEP - 1)
    def _():
        cnt = jnp.maximum((hi - lo).astype(_f32), 1.0)
        pooled_ref[...] = pooled_ref[...] / cnt[:, None]


def _tc_post(h, a0, a1, bgr, Wf, bfr, ptr):
    return pl.pallas_call(
        _tc_post_body,
        grid=(NSTEP,),
        in_specs=[
            pl.BlockSpec((NB, DH), lambda i: (i, 0)),
            pl.BlockSpec((NB, DH), lambda i: (i, 0)),
            pl.BlockSpec((NB, DH), lambda i: (i, 0)),
            pl.BlockSpec((1, DH), lambda i: (0, 0)),
            pl.BlockSpec((2 * DH, DOUT), lambda i: (0, 0)),
            pl.BlockSpec((1, DOUT), lambda i: (0, 0)),
            pl.BlockSpec(memory_space=pltpu.SMEM),
        ],
        out_specs=pl.BlockSpec((G, DOUT), lambda i: (0, 0)),
        out_shape=jax.ShapeDtypeStruct((G, DOUT), _f32),
    )(h, a0, a1, bgr, Wf, bfr, ptr)


def kernel(X, edge_index, ptr, edge_attr, W1, b1, W_src, W_dst, att_src,
           att_dst, W_edge, att_edge, bias_gat, Wf, bf):
    A3 = jnp.zeros((H * DH, H), _f32)
    for hh in range(H):
        A3 = A3.at[hh * DH:(hh + 1) * DH, hh].set(att_src[hh])
    Wd3 = jnp.einsum("dhk,hk->dh", W_dst.reshape(DH, H, DH), att_dst)
    V3 = jnp.einsum("dhk,hk->dh", W_edge.reshape(DE, H, DH), att_edge)

    src = edge_index[0]
    dst = edge_index[1]

    h, xs, asrc, adst, ae = _tc_pre(X, W1, b1.reshape(1, DH), W_src, A3, Wd3,
                                    edge_attr, V3)
    ex3, den = _sc_pass1(src, dst, ae.reshape(E * 3), asrc.reshape(N * 3),
                         adst.reshape(N * 3))
    rdenom = _tc_combine(den).reshape(NP3)
    attn, w3 = _sc_attn(dst, ex3, rdenom)
    outacc = _sc_pass2(src, dst, w3, xs)

    pooled = _tc_post(h, outacc[0, :N], outacc[1, :N], bias_gat.reshape(1, DH),
                      Wf, bf.reshape(1, DOUT), ptr)
    return (pooled, attn)

# --- scband reference (transcript-rebuilt; emitter-appended) ---
"""Pipeline reference for scband-gatgraph-15822659519254 (READ-ONLY COPY).

The authoritative reference and input builder live on the scoring server;
editing this copy changes nothing except your own understanding.
"""

import jax, jax.numpy as jnp
import numpy as np

N = 10000
E = 320000
DIN = 128
DH = 128
DOUT = 128
H = 3
DE = 16
G = 16

def setup_inputs(seed: int = 0):
    key = jax.random.key(seed)
    ks = jax.random.split(key, 14)
    s = 0.05
    X = jax.random.normal(ks[0], (N, DIN), dtype=jnp.float32)
    edge_index = jax.random.randint(ks[1], (2, E), 0, N, dtype=jnp.int32)
    inner = jnp.sort(jax.random.randint(ks[2], (G - 1,), 0, N, dtype=jnp.int32))
    ptr = jnp.concatenate([jnp.zeros((1,), jnp.int32), inner, jnp.full((1,), N, jnp.int32)])
    edge_attr = jax.random.normal(ks[3], (E, DE), dtype=jnp.float32)
    W1 = jax.random.normal(ks[4], (DIN, DH), dtype=jnp.float32) * s
    b1 = jnp.zeros((DH,), jnp.float32)
    W_src = jax.random.normal(ks[5], (DH, H * DH), dtype=jnp.float32) * s
    W_dst = jax.random.normal(ks[6], (DH, H * DH), dtype=jnp.float32) * s
    att_src = jax.random.normal(ks[7], (H, DH), dtype=jnp.float32) * s
    att_dst = jax.random.normal(ks[8], (H, DH), dtype=jnp.float32) * s
    W_edge = jax.random.normal(ks[9], (DE, H * DH), dtype=jnp.float32) * s
    att_edge = jax.random.normal(ks[10], (H, DH), dtype=jnp.float32) * s
    bias_gat = jnp.zeros((DH,), jnp.float32)
    Wf = jax.random.normal(ks[11], (2 * DH, DOUT), dtype=jnp.float32) * s
    bf = jnp.zeros((DOUT,), jnp.float32)
    return {"X": X, "edge_index": edge_index, "ptr": ptr, "edge_attr": edge_attr,
            "W1": W1, "b1": b1, "W_src": W_src, "W_dst": W_dst,
            "att_src": att_src, "att_dst": att_dst, "W_edge": W_edge, "att_edge": att_edge,
            "bias_gat": bias_gat, "Wf": Wf, "bf": bf}

def reference(X, edge_index, ptr, edge_attr, W1, b1, W_src, W_dst, att_src, att_dst, W_edge, att_edge, bias_gat, Wf, bf):
    # linearSeq: Linear + LeakyReLU(0.01)
    h = jax.nn.leaky_relu(X @ W1 + b1, 0.01)
    # GATConv (heads=3, concat=False, add_self_loops=False, edge_dim=16)
    x_src = (h @ W_src).reshape(N, H, DH)
    x_dst = (h @ W_dst).reshape(N, H, DH)
    a_src = (x_src * att_src[None]).sum(-1)  # [N, H]
    a_dst = (x_dst * att_dst[None]).sum(-1)  # [N, H]
    src = edge_index[0]
    dst = edge_index[1]
    alpha = a_src[src] + a_dst[dst]  # [E, H]
    e = (edge_attr @ W_edge).reshape(E, H, DH)
    alpha = alpha + (e * att_edge[None]).sum(-1)
    alpha = jax.nn.leaky_relu(alpha, 0.2)
    # softmax over incoming edges of each dst node
    amax = jax.ops.segment_max(alpha, dst, num_segments=N)
    amax = jnp.where(jnp.isfinite(amax), amax, 0.0)
    ex = jnp.exp(alpha - amax[dst])
    denom = jax.ops.segment_sum(ex, dst, num_segments=N)
    attn = ex / (denom[dst] + 1e-16)  # [E, H]
    out_nodes = jax.ops.segment_sum(x_src[src] * attn[:, :, None], dst, num_segments=N)  # [N, H, DH]
    out = out_nodes.mean(axis=1) + bias_gat  # concat=False -> mean over heads
    cat = jax.nn.leaky_relu(jnp.concatenate([h, out], axis=1), 0.01)
    y = cat @ Wf + bf  # [N, DOUT]
    # aggregate_using_ptr: mean-pool node outputs per graph delimited by ptr
    seg = jnp.clip(jnp.searchsorted(ptr, jnp.arange(N), side='right') - 1, 0, G - 1)
    sums = jax.ops.segment_sum(y, seg, num_segments=G)
    cnts = jax.ops.segment_sum(jnp.ones((N,), jnp.float32), seg, num_segments=G)
    pooled = sums / jnp.maximum(cnts, 1.0)[:, None]
    return (pooled, attn)

if __name__ == "__main__":
    import jax
    _d = setup_inputs()
    print(jax.jit(kernel)(*tuple(_d.values())))

</pallas_src>

<mosaic_0001>
#map = affine_map<(d0, d1) -> (0)>
#map1 = affine_map<(d0, d1) -> (0, 0)>
module attributes {stable_mosaic.version = 14 : i64} {
  func.func @_sc_attn_body(%arg0: i32, %arg1: i32, %arg2: memref<320000xi32, #tpu.memory_space<hbm>>, %arg3: memref<960000xf32, #tpu.memory_space<hbm>>, %arg4: memref<30720xf32, #tpu.memory_space<hbm>>, %arg5: memref<320000x3xf32, #tpu.memory_space<hbm>>, %arg6: memref<960000xf32, #tpu.memory_space<hbm>>, %arg7: memref<30720xf32, #tpu.memory_space<vmem>>, %arg8: memref<400xi32, #tpu.memory_space<vmem>>, %arg9: memref<1200xf32, #tpu.memory_space<vmem>>, %arg10: memref<400x3xf32, #tpu.memory_space<vmem>>) attributes {dimension_semantics = [#tpu.dimension_semantics<core_parallel>, #tpu.dimension_semantics<subcore_parallel>], iteration_bounds = array<i64: 2, 16>, scalar_prefetch = 0 : i64, scratch_operands = 4 : i64, tpu.core_type = #tpu.core_type<sc_vector_subcore>, window_params = [{transform_indices = #map}, {transform_indices = #map}, {transform_indices = #map}, {transform_indices = #map1}, {transform_indices = #map}]} {
    %mul3A = arith.constant 2 : i32
    %mul3A_0 = arith.muli %arg1, %mul3A : i32
    %add3A = arith.addi %mul3A_0, %arg0 : i32
    %mul3A_1 = arith.constant 10000 : i32
    %mul3A_2 = arith.muli %add3A, %mul3A_1 : i32
    "tpu.region"() ({
      %run_scoped3A = tpu.sem_alloc : memref<!tpu.dma_semaphore, #tpu.memory_space<semaphore_mem>>
      tpu.enqueue_dma source(%arg4 : memref<30720xf32, #tpu.memory_space<hbm>>) target(%arg7 : memref<30720xf32, #tpu.memory_space<vmem>>) target_semaphore(%run_scoped3A : memref<!tpu.dma_semaphore, #tpu.memory_space<semaphore_mem>>)
      tpu.wait_dma2 semaphore(%run_scoped3A : memref<!tpu.dma_semaphore, #tpu.memory_space<semaphore_mem>>) src(%arg4 : memref<30720xf32, #tpu.memory_space<hbm>>) dst(%arg7 : memref<30720xf32, #tpu.memory_space<vmem>>)
      tpu.yield
    }) : () -> ()
    %iota3A = tpu.iota {dimensions = array<i32: 0>} : vector<16xi32>
    %broadcast_in_dim3A = arith.constant 0 : i32
    %broadcast_in_dim3A_3 = vector.broadcast %broadcast_in_dim3A : i32 to vector<16xi32>
    %broadcast_in_dim3A_4 = arith.constant 1 : i32
    %broadcast_in_dim3A_5 = vector.broadcast %broadcast_in_dim3A_4 : i32 to vector<16xi32>
    %broadcast_in_dim3A_6 = arith.constant 2 : i32
    %broadcast_in_dim3A_7 = vector.broadcast %broadcast_in_dim3A_6 : i32 to vector<16xi32>
    %scan3A = arith.constant 0 : i32
    %scan3A_8 = arith.constant 0 : i32
    %scan3A_9 = arith.constant 25 : i32
    %scan3A_10 = arith.addi %scan3A_8, %scan3A_9 : i32
    %scan3A_11 = arith.constant 1 : i32
    %scan3A_12 = scf.for %scan3A_14 = %scan3A_8 to %scan3A_10 step %scan3A_11 iter_args(%scan3A_15 = %scan3A) -> (i32)  : i32 {
      %mul3A_16 = arith.constant 400 : i32
      %mul3A_17 = arith.muli %scan3A_14, %mul3A_16 : i32
      %add3A_18 = arith.addi %mul3A_2, %mul3A_17 : i32
      "tpu.region"() ({
        %run_scoped3A = tpu.sem_alloc : memref<!tpu.dma_semaphore, #tpu.memory_space<semaphore_mem>>
        %dma_start3A = tpu.memref_slice %arg2[%add3A_18] : memref<320000xi32, #tpu.memory_space<hbm>> -> memref<400xi32, #tpu.memory_space<hbm>>
        %dma_start3A_31 = tpu.memref_slice %arg2[%add3A_18] : memref<320000xi32, #tpu.memory_space<hbm>> -> memref<400xi32, #tpu.memory_space<hbm>>
        tpu.enqueue_dma source(%dma_start3A_31 : memref<400xi32, #tpu.memory_space<hbm>>) target(%arg8 : memref<400xi32, #tpu.memory_space<vmem>>) target_semaphore(%run_scoped3A : memref<!tpu.dma_semaphore, #tpu.memory_space<semaphore_mem>>)
        %dma_wait3A = tpu.memref_slice %arg2[%add3A_18] : memref<320000xi32, #tpu.memory_space<hbm>> -> memref<400xi32, #tpu.memory_space<hbm>>
        %dma_wait3A_32 = tpu.memref_slice %arg2[%add3A_18] : memref<320000xi32, #tpu.memory_space<hbm>> -> memref<400xi32, #tpu.memory_space<hbm>>
        tpu.wait_dma2 semaphore(%run_scoped3A : memref<!tpu.dma_semaphore, #tpu.memory_space<semaphore_mem>>) src(%dma_wait3A_32 : memref<400xi32, #tpu.memory_space<hbm>>) dst(%arg8 : memref<400xi32, #tpu.memory_space<vmem>>)
        tpu.yield
      }) : () -> ()
      %mul3A_19 = arith.constant 3 : i32
      %mul3A_20 = arith.muli %add3A_18, %mul3A_19 : i32
      "tpu.region"() ({
        %run_scoped3A = tpu.sem_alloc : memref<!tpu.dma_semaphore, #tpu.memory_space<semaphore_mem>>
        %dma_start3A = tpu.memref_slice %arg3[%mul3A_20] : memref<960000xf32, #tpu.memory_space<hbm>> -> memref<1200xf32, #tpu.memory_space<hbm>>
        %dma_start3A_31 = tpu.memref_slice %arg3[%mul3A_20] : memref<960000xf32, #tpu.memory_space<hbm>> -> memref<1200xf32, #tpu.memory_space<hbm>>
        tpu.enqueue_dma source(%dma_start3A_31 : memref<1200xf32, #tpu.memory_space<hbm>>) target(%arg9 : memref<1200xf32, #tpu.memory_space<vmem>>) target_semaphore(%run_scoped3A : memref<!tpu.dma_semaphore, #tpu.memory_space<semaphore_mem>>)
        %dma_wait3A = tpu.memref_slice %arg3[%mul3A_20] : memref<960000xf32, #tpu.memory_space<hbm>> -> memref<1200xf32, #tpu.memory_space<hbm>>
        %dma_wait3A_32 = tpu.memref_slice %arg3[%mul3A_20] : memref<960000xf32, #tpu.memory_space<hbm>> -> memref<1200xf32, #tpu.memory_space<hbm>>
        tpu.wait_dma2 semaphore(%run_scoped3A : memref<!tpu.dma_semaphore, #tpu.memory_space<semaphore_mem>>) src(%dma_wait3A_32 : memref<1200xf32, #tpu.memory_space<hbm>>) dst(%arg9 : memref<1200xf32, #tpu.memory_space<vmem>>)
        tpu.yield
      }) : () -> ()
      %scan3A_21 = arith.constant 0 : i32
      %scan3A_22 = arith.constant 0 : i32
      %scan3A_23 = arith.constant 25 : i32
      %scan3A_24 = arith.addi %scan3A_22, %scan3A_23 : i32
      %scan3A_25 = arith.constant 1 : i32
      %scan3A_26 = scf.for %scan3A_31 = %scan3A_22 to %scan3A_24 step %scan3A_25 iter_args(%scan3A_32 = %scan3A_21) -> (i32)  : i32 {
        %mul3A_33 = arith.constant 16 : i32
        %mul3A_34 = arith.muli %scan3A_31, %mul3A_33 : i32
        %get3A = arith.index_cast %mul3A_34 : i32 to index
        %get3A_35 = tpu.vector_load %arg8[%get3A] {strides = array<i32>} : memref<400xi32, #tpu.memory_space<vmem>>, vector<16xi32>,
        %mul3A_36 = arith.constant 3 : i32
        %mul3A_37 = vector.broadcast %mul3A_36 : i32 to vector<16xi32>
        %mul3A_38 = arith.muli %get3A_35, %mul3A_37 : vector<16xi32>
        %add3A_39 = vector.broadcast %mul3A_34 : i32 to vector<16xi32>
        %add3A_40 = arith.addi %add3A_39, %iota3A : vector<16xi32>
        %mul3A_41 = arith.constant 3 : i32
        %mul3A_42 = vector.broadcast %mul3A_41 : i32 to vector<16xi32>
        %mul3A_43 = arith.muli %add3A_40, %mul3A_42 : vector<16xi32>
        %add3A_44 = arith.constant 0 : i32
        %add3A_45 = vector.broadcast %add3A_44 : i32 to vector<16xi32>
        %add3A_46 = arith.addi %mul3A_43, %add3A_45 : vector<16xi32>
        %gather3A = tpu.vector_load_idx %arg9[%add3A_46] : memref<1200xf32, #tpu.memory_space<vmem>>[vector<16xi32>], vector<16xf32>,
        %add3A_47 = arith.constant 0 : i32
        %add3A_48 = vector.broadcast %add3A_47 : i32 to vector<16xi32>
        %add3A_49 = arith.addi %mul3A_38, %add3A_48 : vector<16xi32>
        %gather3A_50 = tpu.vector_load_idx %arg7[%add3A_49] : memref<30720xf32, #tpu.memory_space<vmem>>[vector<16xi32>], vector<16xf32>,
        %mul3A_51 = arith.mulf %gather3A, %gather3A_50 : vector<16xf32>
        %add3A_52 = arith.constant 0 : i32
        %add3A_53 = vector.broadcast %add3A_52 : i32 to vector<16xi32>
        %add3A_54 = arith.addi %mul3A_43, %add3A_53 : vector<16xi32>
        tpu.vector_store_idx %arg9[%add3A_54], %mul3A_51 : memref<1200xf32, #tpu.memory_space<vmem>>[vector<16xi32>], vector<16xf32>,
        %add3A_55 = vector.broadcast %mul3A_34 : i32 to vector<16xi32>
        %add3A_56 = arith.addi %add3A_55, %iota3A : vector<16xi32>
        %mul3A_57 = arith.constant 3.000000e+00 : f32
        %mul3A_58 = vector.broadcast %mul3A_57 : f32 to vector<16xf32>
        %mul3A_59 = arith.mulf %mul3A_51, %mul3A_58 : vector<16xf32>
        tpu.vector_store_idx %arg10[%add3A_56, %broadcast_in_dim3A_3], %mul3A_59 : memref<400x3xf32, #tpu.memory_space<vmem>>[vector<16xi32>, vector<16xi32>], vector<16xf32>,
        %add3A_60 = arith.constant 1 : i32
        %add3A_61 = vector.broadcast %add3A_60 : i32 to vector<16xi32>
        %add3A_62 = arith.addi %mul3A_43, %add3A_61 : vector<16xi32>
        %gather3A_63 = tpu.vector_load_idx %arg9[%add3A_62] : memref<1200xf32, #tpu.memory_space<vmem>>[vector<16xi32>], vector<16xf32>,
        %add3A_64 = arith.constant 1 : i32
        %add3A_65 = vector.broadcast %add3A_64 : i32 to vector<16xi32>
        %add3A_66 = arith.addi %mul3A_38, %add3A_65 : vector<16xi32>
        %gather3A_67 = tpu.vector_load_idx %arg7[%add3A_66] : memref<30720xf32, #tpu.memory_space<vmem>>[vector<16xi32>], vector<16xf32>,
        %mul3A_68 = arith.mulf %gather3A_63, %gather3A_67 : vector<16xf32>
        %add3A_69 = arith.constant 1 : i32
        %add3A_70 = vector.broadcast %add3A_69 : i32 to vector<16xi32>
        %add3A_71 = arith.addi %mul3A_43, %add3A_70 : vector<16xi32>
        tpu.vector_store_idx %arg9[%add3A_71], %mul3A_68 : memref<1200xf32, #tpu.memory_space<vmem>>[vector<16xi32>], vector<16xf32>,
        %add3A_72 = vector.broadcast %mul3A_34 : i32 to vector<16xi32>
        %add3A_73 = arith.addi %add3A_72, %iota3A : vector<16xi32>
        %mul3A_74 = arith.constant 3.000000e+00 : f32
        %mul3A_75 = vector.broadcast %mul3A_74 : f32 to vector<16xf32>
        %mul3A_76 = arith.mulf %mul3A_68, %mul3A_75 : vector<16xf32>
        tpu.vector_store_idx %arg10[%add3A_73, %broadcast_in_dim3A_5], %mul3A_76 : memref<400x3xf32, #tpu.memory_space<vmem>>[vector<16xi32>, vector<16xi32>], vector<16xf32>,
        %add3A_77 = arith.constant 2 : i32
        %add3A_78 = vector.broadcast %add3A_77 : i32 to vector<16xi32>
        %add3A_79 = arith.addi %mul3A_43, %add3A_78 : vector<16xi32>
        %gather3A_80 = tpu.vector_load_idx %arg9[%add3A_79] : memref<1200xf32, #tpu.memory_space<vmem>>[vector<16xi32>], vector<16xf32>,
        %add3A_81 = arith.constant 2 : i32
        %add3A_82 = vector.broadcast %add3A_81 : i32 to vector<16xi32>
        %add3A_83 = arith.addi %mul3A_38, %add3A_82 : vector<16xi32>
        %gather3A_84 = tpu.vector_load_idx %arg7[%add3A_83] : memref<30720xf32, #tpu.memory_space<vmem>>[vector<16xi32>], vector<16xf32>,
        %mul3A_85 = arith.mulf %gather3A_80, %gather3A_84 : vector<16xf32>
        %add3A_86 = arith.constant 2 : i32
        %add3A_87 = vector.broadcast %add3A_86 : i32 to vector<16xi32>
        %add3A_88 = arith.addi %mul3A_43, %add3A_87 : vector<16xi32>
        tpu.vector_store_idx %arg9[%add3A_88], %mul3A_85 : memref<1200xf32, #tpu.memory_space<vmem>>[vector<16xi32>], vector<16xf32>,
        %add3A_89 = vector.broadcast %mul3A_34 : i32 to vector<16xi32>
        %add3A_90 = arith.addi %add3A_89, %iota3A : vector<16xi32>
        %mul3A_91 = arith.constant 3.000000e+00 : f32
        %mul3A_92 = vector.broadcast %mul3A_91 : f32 to vector<16xf32>
        %mul3A_93 = arith.mulf %mul3A_85, %mul3A_92 : vector<16xf32>
        tpu.vector_store_idx %arg10[%add3A_90, %broadcast_in_dim3A_7], %mul3A_93 : memref<400x3xf32, #tpu.memory_space<vmem>>[vector<16xi32>, vector<16xi32>], vector<16xf32>,
        %scan3A_94 = arith.constant 0 : i32
        scf.yield %scan3A_94 : i32
      }
      %scan3A_27 = arith.constant 25 : i32
      "tpu.region"() ({
        %run_scoped3A = tpu.sem_alloc : memref<!tpu.dma_semaphore, #tpu.memory_space<semaphore_mem>>
        %dma_start3A = arith.constant 0 : i32
        %dma_start3A_31 = tpu.memref_slice %arg5[%add3A_18, %dma_start3A] : memref<320000x3xf32, #tpu.memory_space<hbm>> -> memref<400x3xf32, #tpu.memory_space<hbm>>
        %dma_start3A_32 = arith.constant 0 : i32
        %dma_start3A_33 = tpu.memref_slice %arg5[%add3A_18, %dma_start3A_32] : memref<320000x3xf32, #tpu.memory_space<hbm>> -> memref<400x3xf32, #tpu.memory_space<hbm>>
        tpu.enqueue_dma source(%arg10 : memref<400x3xf32, #tpu.memory_space<vmem>>) target(%dma_start3A_33 : memref<400x3xf32, #tpu.memory_space<hbm>>) target_semaphore(%run_scoped3A : memref<!tpu.dma_semaphore, #tpu.memory_space<semaphore_mem>>)
        %dma_wait3A = arith.constant 0 : i32
        %dma_wait3A_34 = tpu.memref_slice %arg5[%add3A_18, %dma_wait3A] : memref<320000x3xf32, #tpu.memory_space<hbm>> -> memref<400x3xf32, #tpu.memory_space<hbm>>
        %dma_wait3A_35 = arith.constant 0 : i32
        %dma_wait3A_36 = tpu.memref_slice %arg5[%add3A_18, %dma_wait3A_35] : memref<320000x3xf32, #tpu.memory_space<hbm>> -> memref<400x3xf32, #tpu.memory_space<hbm>>
        tpu.wait_dma2 semaphore(%run_scoped3A : memref<!tpu.dma_semaphore, #tpu.memory_space<semaphore_mem>>) src(%arg10 : memref<400x3xf32, #tpu.memory_space<vmem>>) dst(%dma_wait3A_36 : memref<400x3xf32, #tpu.memory_space<hbm>>)
        tpu.yield
      }) : () -> ()
      %mul3A_28 = arith.constant 3 : i32
      %mul3A_29 = arith.muli %add3A_18, %mul3A_28 : i32
      "tpu.region"() ({
        %run_scoped3A = tpu.sem_alloc : memref<!tpu.dma_semaphore, #tpu.memory_space<semaphore_mem>>
        %dma_start3A = tpu.memref_slice %arg6[%mul3A_29] : memref<960000xf32, #tpu.memory_space<hbm>> -> memref<1200xf32, #tpu.memory_space<hbm>>
        %dma_start3A_31 = tpu.memref_slice %arg6[%mul3A_29] : memref<960000xf32, #tpu.memory_space<hbm>> -> memref<1200xf32, #tpu.memory_space<hbm>>
        tpu.enqueue_dma source(%arg9 : memref<1200xf32, #tpu.memory_space<vmem>>) target(%dma_start3A_31 : memref<1200xf32, #tpu.memory_space<hbm>>) target_semaphore(%run_scoped3A : memref<!tpu.dma_semaphore, #tpu.memory_space<semaphore_mem>>)
        %dma_wait3A = tpu.memref_slice %arg6[%mul3A_29] : memref<960000xf32, #tpu.memory_space<hbm>> -> memref<1200xf32, #tpu.memory_space<hbm>>
        %dma_wait3A_32 = tpu.memref_slice %arg6[%mul3A_29] : memref<960000xf32, #tpu.memory_space<hbm>> -> memref<1200xf32, #tpu.memory_space<hbm>>
        tpu.wait_dma2 semaphore(%run_scoped3A : memref<!tpu.dma_semaphore, #tpu.memory_space<semaphore_mem>>) src(%arg9 : memref<1200xf32, #tpu.memory_space<vmem>>) dst(%dma_wait3A_32 : memref<1200xf32, #tpu.memory_space<hbm>>)
        tpu.yield
      }) : () -> ()
      %scan3A_30 = arith.constant 0 : i32
      scf.yield %scan3A_30 : i32
    }
    %scan3A_13 = arith.constant 25 : i32
    return
  }
}

#map = affine_map<(d0, d1) -> (0)>
#map1 = affine_map<(d0, d1) -> (0, 0)>
#map2 = affine_map<(d0, d1) -> (0, 0, 0)>
module attributes {stable_mosaic.version = 14 : i64} {
  func.func @_sc_pass2_body(%arg0: i32, %arg1: i32, %arg2: memref<320000xi32, #tpu.memory_space<hbm>>, %arg3: memref<320000xi32, #tpu.memory_space<hbm>>, %arg4: memref<960000xf32, #tpu.memory_space<hbm>>, %arg5: memref<10000x384xf32, #tpu.memory_space<hbm>>, %arg6: memref<2x10240x128xf32, #tpu.memory_space<hbm>>, %arg7: memref<80xi32, #tpu.memory_space<vmem>>, %arg8: memref<80xi32, #tpu.memory_space<vmem>>, %arg9: memref<256xf32, #tpu.memory_space<vmem>>, %arg10: memref<80x384xf32, #tpu.memory_space<vmem>>, %arg11: memref<80x128xf32, #tpu.memory_space<vmem>>, %arg12: memref<5x128xf32, #tpu.memory_space<vmem>>, %arg13: memref<10240x128xf32, #tpu.memory_space<vmem_shared>>, %arg14: memref<!tpu.dma_semaphore, #tpu.memory_space<semaphore_mem>>) attributes {dimension_semantics = [#tpu.dimension_semantics<core_parallel>, #tpu.dimension_semantics<subcore_parallel>], iteration_bounds = array<i64: 2, 16>, scalar_prefetch = 0 : i64, scratch_operands = 8 : i64, tpu.core_type = #tpu.core_type<sc_vector_subcore>, window_params = [{transform_indices = #map}, {transform_indices = #map}, {transform_indices = #map}, {transform_indices = #map1}, {transform_indices = #map2}]} {
    %mul3A = arith.constant 2 : i32
    %mul3A_0 = arith.muli %arg1, %mul3A : i32
    %add3A = arith.addi %mul3A_0, %arg0 : i32
    %mul3A_1 = arith.constant 10000 : i32
    %mul3A_2 = arith.muli %add3A, %mul3A_1 : i32
    %iota3A = tpu.iota {dimensions = array<i32: 0>} : vector<16xi32>
    %broadcast_in_dim3A = arith.constant 0.000000e+00 : f32
    %broadcast_in_dim3A_3 = vector.broadcast %broadcast_in_dim3A : f32 to vector<16xf32>
    %scan3A = arith.constant 0 : i32
    %scan3A_4 = arith.constant 0 : i32
    %scan3A_5 = arith.constant 5 : i32
    %scan3A_6 = arith.addi %scan3A_4, %scan3A_5 : i32
    %scan3A_7 = arith.constant 1 : i32
    %scan3A_8 = scf.for %scan3A_56 = %scan3A_4 to %scan3A_6 step %scan3A_7 iter_args(%scan3A_57 = %scan3A) -> (i32)  : i32 {
      %broadcast_in_dim3A_58 = vector.broadcast %scan3A_56 : i32 to vector<16xi32>
      %add3A_59 = arith.constant 0 : i32
      %add3A_60 = vector.broadcast %add3A_59 : i32 to vector<16xi32>
      %add3A_61 = arith.addi %iota3A, %add3A_60 : vector<16xi32>
      tpu.vector_store_idx %arg12[%broadcast_in_dim3A_58, %add3A_61], %broadcast_in_dim3A_3 : memref<5x128xf32, #tpu.memory_space<vmem>>[vector<16xi32>, vector<16xi32>], vector<16xf32>,
      %broadcast_in_dim3A_62 = vector.broadcast %scan3A_56 : i32 to vector<16xi32>
      %add3A_63 = arith.constant 16 : i32
      %add3A_64 = vector.broadcast %add3A_63 : i32 to vector<16xi32>
      %add3A_65 = arith.addi %iota3A, %add3A_64 : vector<16xi32>
      tpu.vector_store_idx %arg12[%broadcast_in_dim3A_62, %add3A_65], %broadcast_in_dim3A_3 : memref<5x128xf32, #tpu.memory_space<vmem>>[vector<16xi32>, vector<16xi32>], vector<16xf32>,
      %broadcast_in_dim3A_66 = vector.broadcast %scan3A_56 : i32 to vector<16xi32>
      %add3A_67 = arith.constant 32 : i32
      %add3A_68 = vector.broadcast %add3A_67 : i32 to vector<16xi32>
      %add3A_69 = arith.addi %iota3A, %add3A_68 : vector<16xi32>
      tpu.vector_store_idx %arg12[%broadcast_in_dim3A_66, %add3A_69], %broadcast_in_dim3A_3 : memref<5x128xf32, #tpu.memory_space<vmem>>[vector<16xi32>, vector<16xi32>], vector<16xf32>,
      %broadcast_in_dim3A_70 = vector.broadcast %scan3A_56 : i32 to vector<16xi32>
      %add3A_71 = arith.constant 48 : i32
      %add3A_72 = vector.broadcast %add3A_71 : i32 to vector<16xi32>
      %add3A_73 = arith.addi %iota3A, %add3A_72 : vector<16xi32>
      tpu.vector_store_idx %arg12[%broadcast_in_dim3A_70, %add3A_73], %broadcast_in_dim3A_3 : memref<5x128xf32, #tpu.memory_space<vmem>>[vector<16xi32>, vector<16xi32>], vector<16xf32>,
      %broadcast_in_dim3A_74 = vector.broadcast %scan3A_56 : i32 to vector<16xi32>
      %add3A_75 = arith.constant 64 : i32
      %add3A_76 = vector.broadcast %add3A_75 : i32 to vector<16xi32>
      %add3A_77 = arith.addi %iota3A, %add3A_76 : vector<16xi32>
      tpu.vector_store_idx %arg12[%broadcast_in_dim3A_74, %add3A_77], %broadcast_in_dim3A_3 : memref<5x128xf32, #tpu.memory_space<vmem>>[vector<16xi32>, vector<16xi32>], vector<16xf32>,
      %broadcast_in_dim3A_78 = vector.broadcast %scan3A_56 : i32 to vector<16xi32>
      %add3A_79 = arith.constant 80 : i32
      %add3A_80 = vector.broadcast %add3A_79 : i32 to vector<16xi32>
      %add3A_81 = arith.addi %iota3A, %add3A_80 : vector<16xi32>
      tpu.vector_store_idx %arg12[%broadcast_in_dim3A_78, %add3A_81], %broadcast_in_dim3A_3 : memref<5x128xf32, #tpu.memory_space<vmem>>[vector<16xi32>, vector<16xi32>], vector<16xf32>,
      %broadcast_in_dim3A_82 = vector.broadcast %scan3A_56 : i32 to vector<16xi32>
      %add3A_83 = arith.constant 96 : i32
      %add3A_84 = vector.broadcast %add3A_83 : i32 to vector<16xi32>
      %add3A_85 = arith.addi %iota3A, %add3A_84 : vector<16xi32>
      tpu.vector_store_idx %arg12[%broadcast_in_dim3A_82, %add3A_85], %broadcast_in_dim3A_3 : memref<5x128xf32, #tpu.memory_space<vmem>>[vector<16xi32>, vector<16xi32>], vector<16xf32>,
      %broadcast_in_dim3A_86 = vector.broadcast %scan3A_56 : i32 to vector<16xi32>
      %add3A_87 = arith.constant 112 : i32
      %add3A_88 = vector.broadcast %add3A_87 : i32 to vector<16xi32>
      %add3A_89 = arith.addi %iota3A, %add3A_88 : vector<16xi32>
      tpu.vector_store_idx %arg12[%broadcast_in_dim3A_86, %add3A_89], %broadcast_in_dim3A_3 : memref<5x128xf32, #tpu.memory_space<vmem>>[vector<16xi32>, vector<16xi32>], vector<16xf32>,
      %scan3A_90 = arith.constant 0 : i32
      scf.yield %scan3A_90 : i32
    }
    %scan3A_9 = arith.constant 5 : i32
    %scan3A_10 = arith.constant 0 : i32
    %scan3A_11 = arith.constant 0 : i32
    %scan3A_12 = arith.constant 128 : i32
    %scan3A_13 = arith.addi %scan3A_11, %scan3A_12 : i32
    %scan3A_14 = arith.constant 1 : i32
    %scan3A_15 = scf.for %scan3A_56 = %scan3A_11 to %scan3A_13 step %scan3A_14 iter_args(%scan3A_57 = %scan3A_10) -> (i32)  : i32 {
      %mul3A_58 = arith.constant 640 : i32
      %mul3A_59 = arith.muli %arg1, %mul3A_58 : i32
      %mul3A_60 = arith.constant 5 : i32
      %mul3A_61 = arith.muli %scan3A_56, %mul3A_60 : i32
      %add3A_62 = arith.addi %mul3A_59, %mul3A_61 : i32
      "tpu.region"() ({
        %run_scoped3A = tpu.sem_alloc : memref<!tpu.dma_semaphore, #tpu.memory_space<semaphore_mem>>
        %dma_start3A = arith.constant 0 : i32
        %dma_start3A_64 = tpu.memref_slice %arg13[%add3A_62, %dma_start3A] : memref<10240x128xf32, #tpu.memory_space<vmem_shared>> -> memref<5x128xf32, #tpu.memory_space<vmem_shared>>
        %dma_start3A_65 = arith.constant 0 : i32
        %dma_start3A_66 = tpu.memref_slice %arg13[%add3A_62, %dma_start3A_65] : memref<10240x128xf32, #tpu.memory_space<vmem_shared>> -> memref<5x128xf32, #tpu.memory_space<vmem_shared>>
        tpu.enqueue_dma source(%arg12 : memref<5x128xf32, #tpu.memory_space<vmem>>) target(%dma_start3A_66 : memref<5x128xf32, #tpu.memory_space<vmem_shared>>) target_semaphore(%run_scoped3A : memref<!tpu.dma_semaphore, #tpu.memory_space<semaphore_mem>>)
        %dma_wait3A = arith.constant 0 : i32
        %dma_wait3A_67 = tpu.memref_slice %arg13[%add3A_62, %dma_wait3A] : memref<10240x128xf32, #tpu.memory_space<vmem_shared>> -> memref<5x128xf32, #tpu.memory_space<vmem_shared>>
        %dma_wait3A_68 = arith.constant 0 : i32
        %dma_wait3A_69 = tpu.memref_slice %arg13[%add3A_62, %dma_wait3A_68] : memref<10240x128xf32, #tpu.memory_space<vmem_shared>> -> memref<5x128xf32, #tpu.memory_space<vmem_shared>>
        tpu.wait_dma2 semaphore(%run_scoped3A : memref<!tpu.dma_semaphore, #tpu.memory_space<semaphore_mem>>) src(%arg12 : memref<5x128xf32, #tpu.memory_space<vmem>>) dst(%dma_wait3A_69 : memref<5x128xf32, #tpu.memory_space<vmem_shared>>)
        tpu.yield
      }) : () -> ()
      %scan3A_63 = arith.constant 0 : i32
      scf.yield %scan3A_63 : i32
    }
    %scan3A_16 = arith.constant 128 : i32
    %barrier3A = arith.constant 0 : index
    tpu.barrier barrier_id(%barrier3A)
    %add3A_17 = arith.constant 0 : i32
    %add3A_18 = vector.broadcast %add3A_17 : i32 to vector<16xi32>
    %add3A_19 = arith.addi %iota3A, %add3A_18 : vector<16xi32>
    %add3A_20 = arith.constant 16 : i32
    %add3A_21 = vector.broadcast %add3A_20 : i32 to vector<16xi32>
    %add3A_22 = arith.addi %iota3A, %add3A_21 : vector<16xi32>
    %add3A_23 = arith.constant 32 : i32
    %add3A_24 = vector.broadcast %add3A_23 : i32 to vector<16xi32>
    %add3A_25 = arith.addi %iota3A, %add3A_24 : vector<16xi32>
    %add3A_26 = arith.constant 48 : i32
    %add3A_27 = vector.broadcast %add3A_26 : i32 to vector<16xi32>
    %add3A_28 = arith.addi %iota3A, %add3A_27 : vector<16xi32>
    %add3A_29 = arith.constant 64 : i32
    %add3A_30 = vector.broadcast %add3A_29 : i32 to vector<16xi32>
    %add3A_31 = arith.addi %iota3A, %add3A_30 : vector<16xi32>
    %add3A_32 = arith.constant 80 : i32
    %add3A_33 = vector.broadcast %add3A_32 : i32 to vector<16xi32>
    %add3A_34 = arith.addi %iota3A, %add3A_33 : vector<16xi32>
    %add3A_35 = arith.constant 96 : i32
    %add3A_36 = vector.broadcast %add3A_35 : i32 to vector<16xi32>
    %add3A_37 = arith.addi %iota3A, %add3A_36 : vector<16xi32>
    %add3A_38 = arith.constant 112 : i32
    %add3A_39 = vector.broadcast %add3A_38 : i32 to vector<16xi32>
    %add3A_40 = arith.addi %iota3A, %add3A_39 : vector<16xi32>
    %scan3A_41 = arith.constant 0 : i32
    %scan3A_42 = arith.constant 0 : i32
    %scan3A_43 = arith.constant 125 : i32
    %scan3A_44 = arith.addi %scan3A_42, %scan3A_43 : i32
    %scan3A_45 = arith.constant 1 : i32
    %scan3A_46 = scf.for %scan3A_56 = %scan3A_42 to %scan3A_44 step %scan3A_45 iter_args(%scan3A_57 = %scan3A_41) -> (i32)  : i32 {
      %mul3A_58 = arith.constant 80 : i32
      %mul3A_59 = arith.muli %scan3A_56, %mul3A_58 : i32
      %add3A_60 = arith.addi %mul3A_2, %mul3A_59 : i32
      "tpu.region"() ({
        %run_scoped3A = tpu.sem_alloc : memref<!tpu.dma_semaphore, #tpu.memory_space<semaphore_mem>>
        %dma_start3A_75 = tpu.memref_slice %arg2[%add3A_60] : memref<320000xi32, #tpu.memory_space<hbm>> -> memref<80xi32, #tpu.memory_space<hbm>>
        %dma_start3A_76 = tpu.memref_slice %arg2[%add3A_60] : memref<320000xi32, #tpu.memory_space<hbm>> -> memref<80xi32, #tpu.memory_space<hbm>>
        tpu.enqueue_dma source(%dma_start3A_76 : memref<80xi32, #tpu.memory_space<hbm>>) target(%arg7 : memref<80xi32, #tpu.memory_space<vmem>>) target_semaphore(%run_scoped3A : memref<!tpu.dma_semaphore, #tpu.memory_space<semaphore_mem>>)
        %dma_wait3A_77 = tpu.memref_slice %arg2[%add3A_60] : memref<320000xi32, #tpu.memory_space<hbm>> -> memref<80xi32, #tpu.memory_space<hbm>>
        %dma_wait3A_78 = tpu.memref_slice %arg2[%add3A_60] : memref<320000xi32, #tpu.memory_space<hbm>> -> memref<80xi32, #tpu.memory_space<hbm>>
        tpu.wait_dma2 semaphore(%run_scoped3A : memref<!tpu.dma_semaphore, #tpu.memory_space<semaphore_mem>>) src(%dma_wait3A_78 : memref<80xi32, #tpu.memory_space<hbm>>) dst(%arg7 : memref<80xi32, #tpu.memory_space<vmem>>)
        tpu.yield
      }) : () -> ()
      "tpu.region"() ({
        %run_scoped3A = tpu.sem_alloc : memref<!tpu.dma_semaphore, #tpu.memory_space<semaphore_mem>>
        %dma_start3A_75 = tpu.memref_slice %arg3[%add3A_60] : memref<320000xi32, #tpu.memory_space<hbm>> -> memref<80xi32, #tpu.memory_space<hbm>>
        %dma_start3A_76 = tpu.memref_slice %arg3[%add3A_60] : memref<320000xi32, #tpu.memory_space<hbm>> -> memref<80xi32, #tpu.memory_space<hbm>>
        tpu.enqueue_dma source(%dma_start3A_76 : memref<80xi32, #tpu.memory_space<hbm>>) target(%arg8 : memref<80xi32, #tpu.memory_space<vmem>>) target_semaphore(%run_scoped3A : memref<!tpu.dma_semaphore, #tpu.memory_space<semaphore_mem>>)
        %dma_wait3A_77 = tpu.memref_slice %arg3[%add3A_60] : memref<320000xi32, #tpu.memory_space<hbm>> -> memref<80xi32, #tpu.memory_space<hbm>>
        %dma_wait3A_78 = tpu.memref_slice %arg3[%add3A_60] : memref<320000xi32, #tpu.memory_space<hbm>> -> memref<80xi32, #tpu.memory_space<hbm>>
        tpu.wait_dma2 semaphore(%run_scoped3A : memref<!tpu.dma_semaphore, #tpu.memory_space<semaphore_mem>>) src(%dma_wait3A_78 : memref<80xi32, #tpu.memory_space<hbm>>) dst(%arg8 : memref<80xi32, #tpu.memory_space<vmem>>)
        tpu.yield
      }) : () -> ()
      %mul3A_61 = arith.constant 3 : i32
      %mul3A_62 = arith.muli %add3A_60, %mul3A_61 : i32
      "tpu.region"() ({
        %run_scoped3A = tpu.sem_alloc : memref<!tpu.dma_semaphore, #tpu.memory_space<semaphore_mem>>
        %dma_start3A_75 = arith.constant 0 : i32
        %dma_start3A_76 = tpu.memref_slice %arg9[%dma_start3A_75] : memref<256xf32, #tpu.memory_space<vmem>> -> memref<240xf32, #tpu.memory_space<vmem>>
        %dma_start3A_77 = tpu.memref_slice %arg4[%mul3A_62] : memref<960000xf32, #tpu.memory_space<hbm>> -> memref<240xf32, #tpu.memory_space<hbm>>
        %dma_start3A_78 = arith.constant 0 : i32
        %dma_start3A_79 = tpu.memref_slice %arg9[%dma_start3A_78] : memref<256xf32, #tpu.memory_space<vmem>> -> memref<240xf32, #tpu.memory_space<vmem>>
        %dma_start3A_80 = tpu.memref_slice %arg4[%mul3A_62] : memref<960000xf32, #tpu.memory_space<hbm>> -> memref<240xf32, #tpu.memory_space<hbm>>
        tpu.enqueue_dma source(%dma_start3A_80 : memref<240xf32, #tpu.memory_space<hbm>>) target(%dma_start3A_79 : memref<240xf32, #tpu.memory_space<vmem>>) target_semaphore(%run_scoped3A : memref<!tpu.dma_semaphore, #tpu.memory_space<semaphore_mem>>)
        %dma_wait3A_81 = arith.constant 0 : i32
        %dma_wait3A_82 = tpu.memref_slice %arg9[%dma_wait3A_81] : memref<256xf32, #tpu.memory_space<vmem>> -> memref<240xf32, #tpu.memory_space<vmem>>
        %dma_wait3A_83 = tpu.memref_slice %arg4[%mul3A_62] : memref<960000xf32, #tpu.memory_space<hbm>> -> memref<240xf32, #tpu.memory_space<hbm>>
        %dma_wait3A_84 = arith.constant 0 : i32
        %dma_wait3A_85 = tpu.memref_slice %arg9[%dma_wait3A_84] : memref<256xf32, #tpu.memory_space<vmem>> -> memref<240xf32, #tpu.memory_space<vmem>>
        %dma_wait3A_86 = tpu.memref_slice %arg4[%mul3A_62] : memref<960000xf32, #tpu.memory_space<hbm>> -> memref<240xf32, #tpu.memory_space<hbm>>
        tpu.wait_dma2 semaphore(%run_scoped3A : memref<!tpu.dma_semaphore, #tpu.memory_space<semaphore_mem>>) src(%dma_wait3A_86 : memref<240xf32, #tpu.memory_space<hbm>>) dst(%dma_wait3A_85 : memref<240xf32, #tpu.memory_space<vmem>>)
        tpu.yield
      }) : () -> ()
      %dma_start3A = arith.constant 0 : i32
      %dma_start3A_63 = arith.constant 0 : i32
      %dma_start3A_64 = tpu.memref_slice %arg5[%dma_start3A, %dma_start3A_63] : memref<10000x384xf32, #tpu.memory_space<hbm>> -> memref<10000x384xf32, #tpu.memory_space<hbm>>
      tpu.enqueue_indirect_dma source(%dma_start3A_64 : memref<10000x384xf32, #tpu.memory_space<hbm>>) target(%arg10 : memref<80x384xf32, #tpu.memory_space<vmem>>) offsets(%arg7 : memref<80xi32, #tpu.memory_space<vmem>>) semaphore(%arg14 : memref<!tpu.dma_semaphore, #tpu.memory_space<semaphore_mem>>)
      %dma_wait3A = arith.constant 0 : i32
      %dma_wait3A_65 = arith.constant 0 : i32
      %dma_wait3A_66 = tpu.memref_slice %arg5[%dma_wait3A, %dma_wait3A_65] : memref<10000x384xf32, #tpu.memory_space<hbm>> -> memref<10000x384xf32, #tpu.memory_space<hbm>>
      tpu.wait_indirect_dma semaphore(%arg14 : memref<!tpu.dma_semaphore, #tpu.memory_space<semaphore_mem>>) src(%dma_wait3A_66 : memref<10000x384xf32, #tpu.memory_space<hbm>>) dst(%arg10 : memref<80x384xf32, #tpu.memory_space<vmem>>)
      %scan3A_67 = arith.constant 0 : i32
      %scan3A_68 = arith.constant 0 : i32
      %scan3A_69 = arith.constant 80 : i32
      %scan3A_70 = arith.addi %scan3A_68, %scan3A_69 : i32
      %scan3A_71 = arith.constant 1 : i32
      %scan3A_72 = scf.for %scan3A_75 = %scan3A_68 to %scan3A_70 step %scan3A_71 iter_args(%scan3A_76 = %scan3A_67) -> (i32)  : i32 {
        %mul3A_77 = arith.constant 3 : i32
        %mul3A_78 = arith.muli %scan3A_75, %mul3A_77 : i32
        %get3A = arith.index_cast %mul3A_78 : i32 to index
        %get3A_79 = tpu.vector_load %arg9[%get3A] {strides = array<i32>} : memref<256xf32, #tpu.memory_space<vmem>>, vector<16xf32>,
        %slice3A = vector.extract_strided_slice %get3A_79 {offsets = [0], sizes = [1], strides = [1]} : vector<16xf32> to vector<1xf32>
        %squeeze3A = vector.extract %slice3A[0] : f32 from vector<1xf32>
        %slice3A_80 = vector.extract_strided_slice %get3A_79 {offsets = [1], sizes = [1], strides = [1]} : vector<16xf32> to vector<1xf32>
        %squeeze3A_81 = vector.extract %slice3A_80[0] : f32 from vector<1xf32>
        %slice3A_82 = vector.extract_strided_slice %get3A_79 {offsets = [2], sizes = [1], strides = [1]} : vector<16xf32> to vector<1xf32>
        %squeeze3A_83 = vector.extract %slice3A_82[0] : f32 from vector<1xf32>
        %broadcast_in_dim3A_84 = vector.broadcast %scan3A_75 : i32 to vector<16xi32>
        %gather3A = tpu.vector_load_idx %arg10[%broadcast_in_dim3A_84, %add3A_19] : memref<80x384xf32, #tpu.memory_space<vmem>>[vector<16xi32>, vector<16xi32>], vector<16xf32>,
        %mul3A_85 = vector.broadcast %squeeze3A : f32 to vector<16xf32>
        %mul3A_86 = arith.mulf %gather3A, %mul3A_85 : vector<16xf32>
        %add3A_87 = arith.constant 128 : i32
        %add3A_88 = vector.broadcast %add3A_87 : i32 to vector<16xi32>
        %add3A_89 = arith.addi %add3A_19, %add3A_88 : vector<16xi32>
        %gather3A_90 = tpu.vector_load_idx %arg10[%broadcast_in_dim3A_84, %add3A_89] : memref<80x384xf32, #tpu.memory_space<vmem>>[vector<16xi32>, vector<16xi32>], vector<16xf32>,
        %mul3A_91 = vector.broadcast %squeeze3A_81 : f32 to vector<16xf32>
        %mul3A_92 = arith.mulf %gather3A_90, %mul3A_91 : vector<16xf32>
        %add3A_93 = arith.addf %mul3A_86, %mul3A_92 : vector<16xf32>
        %add3A_94 = arith.constant 256 : i32
        %add3A_95 = vector.broadcast %add3A_94 : i32 to vector<16xi32>
        %add3A_96 = arith.addi %add3A_19, %add3A_95 : vector<16xi32>
        %gather3A_97 = tpu.vector_load_idx %arg10[%broadcast_in_dim3A_84, %add3A_96] : memref<80x384xf32, #tpu.memory_space<vmem>>[vector<16xi32>, vector<16xi32>], vector<16xf32>,
        %mul3A_98 = vector.broadcast %squeeze3A_83 : f32 to vector<16xf32>
        %mul3A_99 = arith.mulf %gather3A_97, %mul3A_98 : vector<16xf32>
        %add3A_100 = arith.addf %add3A_93, %mul3A_99 : vector<16xf32>
        tpu.vector_store_idx %arg11[%broadcast_in_dim3A_84, %add3A_19], %add3A_100 : memref<80x128xf32, #tpu.memory_space<vmem>>[vector<16xi32>, vector<16xi32>], vector<16xf32>,
        %gather3A_101 = tpu.vector_load_idx %arg10[%broadcast_in_dim3A_84, %add3A_22] : memref<80x384xf32, #tpu.memory_space<vmem>>[vector<16xi32>, vector<16xi32>], vector<16xf32>,
        %mul3A_102 = vector.broadcast %squeeze3A : f32 to vector<16xf32>
        %mul3A_103 = arith.mulf %gather3A_101, %mul3A_102 : vector<16xf32>
        %add3A_104 = arith.constant 128 : i32
        %add3A_105 = vector.broadcast %add3A_104 : i32 to vector<16xi32>
        %add3A_106 = arith.addi %add3A_22, %add3A_105 : vector<16xi32>
        %gather3A_107 = tpu.vector_load_idx %arg10[%broadcast_in_dim3A_84, %add3A_106] : memref<80x384xf32, #tpu.memory_space<vmem>>[vector<16xi32>, vector<16xi32>], vector<16xf32>,
        %mul3A_108 = vector.broadcast %squeeze3A_81 : f32 to vector<16xf32>
        %mul3A_109 = arith.mulf %gather3A_107, %mul3A_108 : vector<16xf32>
        %add3A_110 = arith.addf %mul3A_103, %mul3A_109 : vector<16xf32>
        %add3A_111 = arith.constant 256 : i32
        %add3A_112 = vector.broadcast %add3A_111 : i32 to vector<16xi32>
        %add3A_113 = arith.addi %add3A_22, %add3A_112 : vector<16xi32>
        %gather3A_114 = tpu.vector_load_idx %arg10[%broadcast_in_dim3A_84, %add3A_113] : memref<80x384xf32, #tpu.memory_space<vmem>>[vector<16xi32>, vector<16xi32>], vector<16xf32>,
        %mul3A_115 = vector.broadcast %squeeze3A_83 : f32 to vector<16xf32>
        %mul3A_116 = arith.mulf %gather3A_114, %mul3A_115 : vector<16xf32>
        %add3A_117 = arith.addf %add3A_110, %mul3A_116 : vector<16xf32>
        tpu.vector_store_idx %arg11[%broadcast_in_dim3A_84, %add3A_22], %add3A_117 : memref<80x128xf32, #tpu.memory_space<vmem>>[vector<16xi32>, vector<16xi32>], vector<16xf32>,
        %gather3A_118 = tpu.vector_load_idx %arg10[%broadcast_in_dim3A_84, %add3A_25] : memref<80x384xf32, #tpu.memory_space<vmem>>[vector<16xi32>, vector<16xi32>], vector<16xf32>,
        %mul3A_119 = vector.broadcast %squeeze3A : f32 to vector<16xf32>
        %mul3A_120 = arith.mulf %gather3A_118, %mul3A_119 : vector<16xf32>
        %add3A_121 = arith.constant 128 : i32
        %add3A_122 = vector.broadcast %add3A_121 : i32 to vector<16xi32>
        %add3A_123 = arith.addi %add3A_25, %add3A_122 : vector<16xi32>
        %gather3A_124 = tpu.vector_load_idx %arg10[%broadcast_in_dim3A_84, %add3A_123] : memref<80x384xf32, #tpu.memory_space<vmem>>[vector<16xi32>, vector<16xi32>], vector<16xf32>,
        %mul3A_125 = vector.broadcast %squeeze3A_81 : f32 to vector<16xf32>
        %mul3A_126 = arith.mulf %gather3A_124, %mul3A_125 : vector<16xf32>
        %add3A_127 = arith.addf %mul3A_120, %mul3A_126 : vector<16xf32>
        %add3A_128 = arith.constant 256 : i32
        %add3A_129 = vector.broadcast %add3A_128 : i32 to vector<16xi32>
        %add3A_130 = arith.addi %add3A_25, %add3A_129 : vector<16xi32>
        %gather3A_131 = tpu.vector_load_idx %arg10[%broadcast_in_dim3A_84, %add3A_130] : memref<80x384xf32, #tpu.memory_space<vmem>>[vector<16xi32>, vector<16xi32>], vector<16xf32>,
        %mul3A_132 = vector.broadcast %squeeze3A_83 : f32 to vector<16xf32>
        %mul3A_133 = arith.mulf %gather3A_131, %mul3A_132 : vector<16xf32>
        %add3A_134 = arith.addf %add3A_127, %mul3A_133 : vector<16xf32>
        tpu.vector_store_idx %arg11[%broadcast_in_dim3A_84, %add3A_25], %add3A_134 : memref<80x128xf32, #tpu.memory_space<vmem>>[vector<16xi32>, vector<16xi32>], vector<16xf32>,
        %gather3A_135 = tpu.vector_load_idx %arg10[%broadcast_in_dim3A_84, %add3A_28] : memref<80x384xf32, #tpu.memory_space<vmem>>[vector<16xi32>, vector<16xi32>], vector<16xf32>,
        %mul3A_136 = vector.broadcast %squeeze3A : f32 to vector<16xf32>
        %mul3A_137 = arith.mulf %gather3A_135, %mul3A_136 : vector<16xf32>
        %add3A_138 = arith.constant 128 : i32
        %add3A_139 = vector.broadcast %add3A_138 : i32 to vector<16xi32>
        %add3A_140 = arith.addi %add3A_28, %add3A_139 : vector<16xi32>
        %gather3A_141 = tpu.vector_load_idx %arg10[%broadcast_in_dim3A_84, %add3A_140] : memref<80x384xf32, #tpu.memory_space<vmem>>[vector<16xi32>, vector<16xi32>], vector<16xf32>,
        %mul3A_142 = vector.broadcast %squeeze3A_81 : f32 to vector<16xf32>
        %mul3A_143 = arith.mulf %gather3A_141, %mul3A_142 : vector<16xf32>
        %add3A_144 = arith.addf %mul3A_137, %mul3A_143 : vector<16xf32>
        %add3A_145 = arith.constant 256 : i32
        %add3A_146 = vector.broadcast %add3A_145 : i32 to vector<16xi32>
        %add3A_147 = arith.addi %add3A_28, %add3A_146 : vector<16xi32>
        %gather3A_148 = tpu.vector_load_idx %arg10[%broadcast_in_dim3A_84, %add3A_147] : memref<80x384xf32, #tpu.memory_space<vmem>>[vector<16xi32>, vector<16xi32>], vector<16xf32>,
        %mul3A_149 = vector.broadcast %squeeze3A_83 : f32 to vector<16xf32>
        %mul3A_150 = arith.mulf %gather3A_148, %mul3A_149 : vector<16xf32>
        %add3A_151 = arith.addf %add3A_144, %mul3A_150 : vector<16xf32>
        tpu.vector_store_idx %arg11[%broadcast_in_dim3A_84, %add3A_28], %add3A_151 : memref<80x128xf32, #tpu.memory_space<vmem>>[vector<16xi32>, vector<16xi32>], vector<16xf32>,
        %gather3A_152 = tpu.vector_load_idx %arg10[%broadcast_in_dim3A_84, %add3A_31] : memref<80x384xf32, #tpu.memory_space<vmem>>[vector<16xi32>, vector<16xi32>], vector<16xf32>,
        %mul3A_153 = vector.broadcast %squeeze3A : f32 to vector<16xf32>
        %mul3A_154 = arith.mulf %gather3A_152, %mul3A_153 : vector<16xf32>
        %add3A_155 = arith.constant 128 : i32
        %add3A_156 = vector.broadcast %add3A_155 : i32 to vector<16xi32>
        %add3A_157 = arith.addi %add3A_31, %add3A_156 : vector<16xi32>
        %gather3A_158 = tpu.vector_load_idx %arg10[%broadcast_in_dim3A_84, %add3A_157] : memref<80x384xf32, #tpu.memory_space<vmem>>[vector<16xi32>, vector<16xi32>], vector<16xf32>,
        %mul3A_159 = vector.broadcast %squeeze3A_81 : f32 to vector<16xf32>
        %mul3A_160 = arith.mulf %gather3A_158, %mul3A_159 : vector<16xf32>
        %add3A_161 = arith.addf %mul3A_154, %mul3A_160 : vector<16xf32>
        %add3A_162 = arith.constant 256 : i32
        %add3A_163 = vector.broadcast %add3A_162 : i32 to vector<16xi32>
        %add3A_164 = arith.addi %add3A_31, %add3A_163 : vector<16xi32>
        %gather3A_165 = tpu.vector_load_idx %arg10[%broadcast_in_dim3A_84, %add3A_164] : memref<80x384xf32, #tpu.memory_space<vmem>>[vector<16xi32>, vector<16xi32>], vector<16xf32>,
        %mul3A_166 = vector.broadcast %squeeze3A_83 : f32 to vector<16xf32>
        %mul3A_167 = arith.mulf %gather3A_165, %mul3A_166 : vector<16xf32>
        %add3A_168 = arith.addf %add3A_161, %mul3A_167 : vector<16xf32>
        tpu.vector_store_idx %arg11[%broadcast_in_dim3A_84, %add3A_31], %add3A_168 : memref<80x128xf32, #tpu.memory_space<vmem>>[vector<16xi32>, vector<16xi32>], vector<16xf32>,
        %gather3A_169 = tpu.vector_load_idx %arg10[%broadcast_in_dim3A_84, %add3A_34] : memref<80x384xf32, #tpu.memory_space<vmem>>[vector<16xi32>, vector<16xi32>], vector<16xf32>,
        %mul3A_170 = vector.broadcast %squeeze3A : f32 to vector<16xf32>
        %mul3A_171 = arith.mulf %gather3A_169, %mul3A_170 : vector<16xf32>
        %add3A_172 = arith.constant 128 : i32
        %add3A_173 = vector.broadcast %add3A_172 : i32 to vector<16xi32>
        %add3A_174 = arith.addi %add3A_34, %add3A_173 : vector<16xi32>
        %gather3A_175 = tpu.vector_load_idx %arg10[%broadcast_in_dim3A_84, %add3A_174] : memref<80x384xf32, #tpu.memory_space<vmem>>[vector<16xi32>, vector<16xi32>], vector<16xf32>,
        %mul3A_176 = vector.broadcast %squeeze3A_81 : f32 to vector<16xf32>
        %mul3A_177 = arith.mulf %gather3A_175, %mul3A_176 : vector<16xf32>
        %add3A_178 = arith.addf %mul3A_171, %mul3A_177 : vector<16xf32>
        %add3A_179 = arith.constant 256 : i32
        %add3A_180 = vector.broadcast %add3A_179 : i32 to vector<16xi32>
        %add3A_181 = arith.addi %add3A_34, %add3A_180 : vector<16xi32>
        %gather3A_182 = tpu.vector_load_idx %arg10[%broadcast_in_dim3A_84, %add3A_181] : memref<80x384xf32, #tpu.memory_space<vmem>>[vector<16xi32>, vector<16xi32>], vector<16xf32>,
        %mul3A_183 = vector.broadcast %squeeze3A_83 : f32 to vector<16xf32>
        %mul3A_184 = arith.mulf %gather3A_182, %mul3A_183 : vector<16xf32>
        %add3A_185 = arith.addf %add3A_178, %mul3A_184 : vector<16xf32>
        tpu.vector_store_idx %arg11[%broadcast_in_dim3A_84, %add3A_34], %add3A_185 : memref<80x128xf32, #tpu.memory_space<vmem>>[vector<16xi32>, vector<16xi32>], vector<16xf32>,
        %gather3A_186 = tpu.vector_load_idx %arg10[%broadcast_in_dim3A_84, %add3A_37] : memref<80x384xf32, #tpu.memory_space<vmem>>[vector<16xi32>, vector<16xi32>], vector<16xf32>,
        %mul3A_187 = vector.broadcast %squeeze3A : f32 to vector<16xf32>
        %mul3A_188 = arith.mulf %gather3A_186, %mul3A_187 : vector<16xf32>
        %add3A_189 = arith.constant 128 : i32
        %add3A_190 = vector.broadcast %add3A_189 : i32 to vector<16xi32>
        %add3A_191 = arith.addi %add3A_37, %add3A_190 : vector<16xi32>
        %gather3A_192 = tpu.vector_load_idx %arg10[%broadcast_in_dim3A_84, %add3A_191] : memref<80x384xf32, #tpu.memory_space<vmem>>[vector<16xi32>, vector<16xi32>], vector<16xf32>,
        %mul3A_193 = vector.broadcast %squeeze3A_81 : f32 to vector<16xf32>
        %mul3A_194 = arith.mulf %gather3A_192, %mul3A_193 : vector<16xf32>
        %add3A_195 = arith.addf %mul3A_188, %mul3A_194 : vector<16xf32>
        %add3A_196 = arith.constant 256 : i32
        %add3A_197 = vector.broadcast %add3A_196 : i32 to vector<16xi32>
        %add3A_198 = arith.addi %add3A_37, %add3A_197 : vector<16xi32>
        %gather3A_199 = tpu.vector_load_idx %arg10[%broadcast_in_dim3A_84, %add3A_198] : memref<80x384xf32, #tpu.memory_space<vmem>>[vector<16xi32>, vector<16xi32>], vector<16xf32>,
        %mul3A_200 = vector.broadcast %squeeze3A_83 : f32 to vector<16xf32>
        %mul3A_201 = arith.mulf %gather3A_199, %mul3A_200 : vector<16xf32>
        %add3A_202 = arith.addf %add3A_195, %mul3A_201 : vector<16xf32>
        tpu.vector_store_idx %arg11[%broadcast_in_dim3A_84, %add3A_37], %add3A_202 : memref<80x128xf32, #tpu.memory_space<vmem>>[vector<16xi32>, vector<16xi32>], vector<16xf32>,
        %gather3A_203 = tpu.vector_load_idx %arg10[%broadcast_in_dim3A_84, %add3A_40] : memref<80x384xf32, #tpu.memory_space<vmem>>[vector<16xi32>, vector<16xi32>], vector<16xf32>,
        %mul3A_204 = vector.broadcast %squeeze3A : f32 to vector<16xf32>
        %mul3A_205 = arith.mulf %gather3A_203, %mul3A_204 : vector<16xf32>
        %add3A_206 = arith.constant 128 : i32
        %add3A_207 = vector.broadcast %add3A_206 : i32 to vector<16xi32>
        %add3A_208 = arith.addi %add3A_40, %add3A_207 : vector<16xi32>
        %gather3A_209 = tpu.vector_load_idx %arg10[%broadcast_in_dim3A_84, %add3A_208] : memref<80x384xf32, #tpu.memory_space<vmem>>[vector<16xi32>, vector<16xi32>], vector<16xf32>,
        %mul3A_210 = vector.broadcast %squeeze3A_81 : f32 to vector<16xf32>
        %mul3A_211 = arith.mulf %gather3A_209, %mul3A_210 : vector<16xf32>
        %add3A_212 = arith.addf %mul3A_205, %mul3A_211 : vector<16xf32>
        %add3A_213 = arith.constant 256 : i32
        %add3A_214 = vector.broadcast %add3A_213 : i32 to vector<16xi32>
        %add3A_215 = arith.addi %add3A_40, %add3A_214 : vector<16xi32>
        %gather3A_216 = tpu.vector_load_idx %arg10[%broadcast_in_dim3A_84, %add3A_215] : memref<80x384xf32, #tpu.memory_space<vmem>>[vector<16xi32>, vector<16xi32>], vector<16xf32>,
        %mul3A_217 = vector.broadcast %squeeze3A_83 : f32 to vector<16xf32>
        %mul3A_218 = arith.mulf %gather3A_216, %mul3A_217 : vector<16xf32>
        %add3A_219 = arith.addf %add3A_212, %mul3A_218 : vector<16xf32>
        tpu.vector_store_idx %arg11[%broadcast_in_dim3A_84, %add3A_40], %add3A_219 : memref<80x128xf32, #tpu.memory_space<vmem>>[vector<16xi32>, vector<16xi32>], vector<16xf32>,
        %scan3A_220 = arith.constant 0 : i32
        scf.yield %scan3A_220 : i32
      }
      %scan3A_73 = arith.constant 80 : i32
      "tpu.region"() ({
        %run_scoped3A = tpu.sem_alloc : memref<!tpu.dma_semaphore, #tpu.memory_space<semaphore_mem>>
        %dma_start3A_75 = arith.constant 0 : i32
        %dma_start3A_76 = arith.constant 0 : i32
        %dma_start3A_77 = tpu.memref_slice %arg13[%dma_start3A_75, %dma_start3A_76] : memref<10240x128xf32, #tpu.memory_space<vmem_shared>> -> memref<10240x128xf32, #tpu.memory_space<vmem_shared>>
        tpu.enqueue_indirect_dma source(%arg11 : memref<80x128xf32, #tpu.memory_space<vmem>>) target(%dma_start3A_77 : memref<10240x128xf32, #tpu.memory_space<vmem_shared>>) offsets(%arg8 : memref<80xi32, #tpu.memory_space<vmem>>) semaphore(%run_scoped3A : memref<!tpu.dma_semaphore, #tpu.memory_space<semaphore_mem>>) {add = true}
        %dma_wait3A_78 = arith.constant 0 : i32
        %dma_wait3A_79 = arith.constant 0 : i32
        %dma_wait3A_80 = tpu.memref_slice %arg13[%dma_wait3A_78, %dma_wait3A_79] : memref<10240x128xf32, #tpu.memory_space<vmem_shared>> -> memref<10240x128xf32, #tpu.memory_space<vmem_shared>>
        tpu.wait_indirect_dma semaphore(%run_scoped3A : memref<!tpu.dma_semaphore, #tpu.memory_space<semaphore_mem>>) src(%arg11 : memref<80x128xf32, #tpu.memory_space<vmem>>) dst(%dma_wait3A_80 : memref<10240x128xf32, #tpu.memory_space<vmem_shared>>)
        tpu.yield
      }) : () -> ()
      %scan3A_74 = arith.constant 0 : i32
      scf.yield %scan3A_74 : i32
    }
    %scan3A_47 = arith.constant 125 : i32
    %barrier3A_48 = arith.constant 0 : index
    tpu.barrier barrier_id(%barrier3A_48)
    %scan3A_49 = arith.constant 0 : i32
    %scan3A_50 = arith.constant 0 : i32
    %scan3A_51 = arith.constant 8 : i32
    %scan3A_52 = arith.addi %scan3A_50, %scan3A_51 : i32
    %scan3A_53 = arith.constant 1 : i32
    %scan3A_54 = scf.for %scan3A_56 = %scan3A_50 to %scan3A_52 step %scan3A_53 iter_args(%scan3A_57 = %scan3A_49) -> (i32)  : i32 {
      %mul3A_58 = arith.constant 640 : i32
      %mul3A_59 = arith.muli %arg1, %mul3A_58 : i32
      %mul3A_60 = arith.constant 80 : i32
      %mul3A_61 = arith.muli %scan3A_56, %mul3A_60 : i32
      %add3A_62 = arith.addi %mul3A_59, %mul3A_61 : i32
      "tpu.region"() ({
        %run_scoped3A = tpu.sem_alloc : memref<!tpu.dma_semaphore, #tpu.memory_space<semaphore_mem>>
        %dma_start3A = arith.constant 0 : i32
        %dma_start3A_64 = tpu.memref_slice %arg13[%add3A_62, %dma_start3A] : memref<10240x128xf32, #tpu.memory_space<vmem_shared>> -> memref<80x128xf32, #tpu.memory_space<vmem_shared>>
        %dma_start3A_65 = arith.constant 0 : i32
        %dma_start3A_66 = tpu.memref_slice %arg13[%add3A_62, %dma_start3A_65] : memref<10240x128xf32, #tpu.memory_space<vmem_shared>> -> memref<80x128xf32, #tpu.memory_space<vmem_shared>>
        tpu.enqueue_dma source(%dma_start3A_66 : memref<80x128xf32, #tpu.memory_space<vmem_shared>>) target(%arg11 : memref<80x128xf32, #tpu.memory_space<vmem>>) target_semaphore(%run_scoped3A : memref<!tpu.dma_semaphore, #tpu.memory_space<semaphore_mem>>)
        %dma_wait3A = arith.constant 0 : i32
        %dma_wait3A_67 = tpu.memref_slice %arg13[%add3A_62, %dma_wait3A] : memref<10240x128xf32, #tpu.memory_space<vmem_shared>> -> memref<80x128xf32, #tpu.memory_space<vmem_shared>>
        %dma_wait3A_68 = arith.constant 0 : i32
        %dma_wait3A_69 = tpu.memref_slice %arg13[%add3A_62, %dma_wait3A_68] : memref<10240x128xf32, #tpu.memory_space<vmem_shared>> -> memref<80x128xf32, #tpu.memory_space<vmem_shared>>
        tpu.wait_dma2 semaphore(%run_scoped3A : memref<!tpu.dma_semaphore, #tpu.memory_space<semaphore_mem>>) src(%dma_wait3A_69 : memref<80x128xf32, #tpu.memory_space<vmem_shared>>) dst(%arg11 : memref<80x128xf32, #tpu.memory_space<vmem>>)
        tpu.yield
      }) : () -> ()
      "tpu.region"() ({
        %run_scoped3A = tpu.sem_alloc : memref<!tpu.dma_semaphore, #tpu.memory_space<semaphore_mem>>
        %dma_start3A = arith.constant 0 : i32
        %dma_start3A_64 = tpu.memref_slice %arg6[%arg0, %add3A_62, %dma_start3A] : memref<2x10240x128xf32, #tpu.memory_space<hbm>> -> memref<1x80x128xf32, #tpu.memory_space<hbm>>
        %dma_start3A_65 = tpu.memref_squeeze %dma_start3A_64 : memref<1x80x128xf32, #tpu.memory_space<hbm>> -> memref<80x128xf32, #tpu.memory_space<hbm>>
        %dma_start3A_66 = arith.constant 0 : i32
        %dma_start3A_67 = tpu.memref_slice %arg6[%arg0, %add3A_62, %dma_start3A_66] : memref<2x10240x128xf32, #tpu.memory_space<hbm>> -> memref<1x80x128xf32, #tpu.memory_space<hbm>>
        %dma_start3A_68 = tpu.memref_squeeze %dma_start3A_67 : memref<1x80x128xf32, #tpu.memory_space<hbm>> -> memref<80x128xf32, #tpu.memory_space<hbm>>
        tpu.enqueue_dma source(%arg11 : memref<80x128xf32, #tpu.memory_space<vmem>>) target(%dma_start3A_68 : memref<80x128xf32, #tpu.memory_space<hbm>>) target_semaphore(%run_scoped3A : memref<!tpu.dma_semaphore, #tpu.memory_space<semaphore_mem>>)
        %dma_wait3A = arith.constant 0 : i32
        %dma_wait3A_69 = tpu.memref_slice %arg6[%arg0, %add3A_62, %dma_wait3A] : memref<2x10240x128xf32, #tpu.memory_space<hbm>> -> memref<1x80x128xf32, #tpu.memory_space<hbm>>
        %dma_wait3A_70 = tpu.memref_squeeze %dma_wait3A_69 : memref<1x80x128xf32, #tpu.memory_space<hbm>> -> memref<80x128xf32, #tpu.memory_space<hbm>>
        %dma_wait3A_71 = arith.constant 0 : i32
        %dma_wait3A_72 = tpu.memref_slice %arg6[%arg0, %add3A_62, %dma_wait3A_71] : memref<2x10240x128xf32, #tpu.memory_space<hbm>> -> memref<1x80x128xf32, #tpu.memory_space<hbm>>
        %dma_wait3A_73 = tpu.memref_squeeze %dma_wait3A_72 : memref<1x80x128xf32, #tpu.memory_space<hbm>> -> memref<80x128xf32, #tpu.memory_space<hbm>>
        tpu.wait_dma2 semaphore(%run_scoped3A : memref<!tpu.dma_semaphore, #tpu.memory_space<semaphore_mem>>) src(%arg11 : memref<80x128xf32, #tpu.memory_space<vmem>>) dst(%dma_wait3A_73 : memref<80x128xf32, #tpu.memory_space<hbm>>)
        tpu.yield
      }) : () -> ()
      %scan3A_63 = arith.constant 0 : i32
      scf.yield %scan3A_63 : i32
    }
    %scan3A_55 = arith.constant 8 : i32
    return
  }
}

#map = affine_map<(d0, d1) -> (0)>
#map1 = affine_map<(d0, d1) -> (0, 0)>
module attributes {stable_mosaic.version = 14 : i64} {
  func.func @_sc_pass1_body(%arg0: i32, %arg1: i32, %arg2: memref<320000xi32, #tpu.memory_space<hbm>>, %arg3: memref<320000xi32, #tpu.memory_space<hbm>>, %arg4: memref<960000xf32, #tpu.memory_space<hbm>>, %arg5: memref<30000xf32, #tpu.memory_space<hbm>>, %arg6: memref<30000xf32, #tpu.memory_space<hbm>>, %arg7: memref<960000xf32, #tpu.memory_space<hbm>>, %arg8: memref<2x30720xf32, #tpu.memory_space<hbm>>, %arg9: memref<30000xf32, #tpu.memory_space<vmem>>, %arg10: memref<30000xf32, #tpu.memory_space<vmem>>, %arg11: memref<30720xf32, #tpu.memory_space<vmem>>, %arg12: memref<400xi32, #tpu.memory_space<vmem>>, %arg13: memref<400xi32, #tpu.memory_space<vmem>>, %arg14: memref<1200xf32, #tpu.memory_space<vmem>>, %arg15: memref<1200xf32, #tpu.memory_space<vmem>>, %arg16: memref<16x30720xf32, #tpu.memory_space<vmem_shared>>, %arg17: memref<1920xf32, #tpu.memory_space<vmem>>, %arg18: memref<1920xf32, #tpu.memory_space<vmem>>) attributes {dimension_semantics = [#tpu.dimension_semantics<core_parallel>, #tpu.dimension_semantics<subcore_parallel>], iteration_bounds = array<i64: 2, 16>, scalar_prefetch = 0 : i64, scratch_operands = 10 : i64, tpu.core_type = #tpu.core_type<sc_vector_subcore>, window_params = [{transform_indices = #map}, {transform_indices = #map}, {transform_indices = #map}, {transform_indices = #map}, {transform_indices = #map}, {transform_indices = #map}, {transform_indices = #map1}]} {
    %mul3A = arith.constant 2 : i32
    %mul3A_0 = arith.muli %arg1, %mul3A : i32
    %add3A = arith.addi %mul3A_0, %arg0 : i32
    %mul3A_1 = arith.constant 10000 : i32
    %mul3A_2 = arith.muli %add3A, %mul3A_1 : i32
    "tpu.region"() ({
      %run_scoped3A_27 = tpu.sem_alloc : memref<!tpu.dma_semaphore, #tpu.memory_space<semaphore_mem>>
      tpu.enqueue_dma source(%arg5 : memref<30000xf32, #tpu.memory_space<hbm>>) target(%arg9 : memref<30000xf32, #tpu.memory_space<vmem>>) target_semaphore(%run_scoped3A_27 : memref<!tpu.dma_semaphore, #tpu.memory_space<semaphore_mem>>)
      tpu.wait_dma2 semaphore(%run_scoped3A_27 : memref<!tpu.dma_semaphore, #tpu.memory_space<semaphore_mem>>) src(%arg5 : memref<30000xf32, #tpu.memory_space<hbm>>) dst(%arg9 : memref<30000xf32, #tpu.memory_space<vmem>>)
      tpu.yield
    }) : () -> ()
    "tpu.region"() ({
      %run_scoped3A_27 = tpu.sem_alloc : memref<!tpu.dma_semaphore, #tpu.memory_space<semaphore_mem>>
      tpu.enqueue_dma source(%arg6 : memref<30000xf32, #tpu.memory_space<hbm>>) target(%arg10 : memref<30000xf32, #tpu.memory_space<vmem>>) target_semaphore(%run_scoped3A_27 : memref<!tpu.dma_semaphore, #tpu.memory_space<semaphore_mem>>)
      tpu.wait_dma2 semaphore(%run_scoped3A_27 : memref<!tpu.dma_semaphore, #tpu.memory_space<semaphore_mem>>) src(%arg6 : memref<30000xf32, #tpu.memory_space<hbm>>) dst(%arg10 : memref<30000xf32, #tpu.memory_space<vmem>>)
      tpu.yield
    }) : () -> ()
    %scan3A = arith.constant 0 : i32
    %scan3A_3 = arith.constant 0 : i32
    %scan3A_4 = arith.constant 1920 : i32
    %scan3A_5 = arith.addi %scan3A_3, %scan3A_4 : i32
    %scan3A_6 = arith.constant 1 : i32
    %scan3A_7 = scf.for %scan3A_27 = %scan3A_3 to %scan3A_5 step %scan3A_6 iter_args(%scan3A_28 = %scan3A) -> (i32)  : i32 {
      %broadcast_in_dim3A = arith.constant 0.000000e+00 : f32
      %broadcast_in_dim3A_29 = vector.broadcast %broadcast_in_dim3A : f32 to vector<16xf32>
      %mul3A_30 = arith.constant 16 : i32
      %mul3A_31 = arith.muli %scan3A_27, %mul3A_30 : i32
      %swap3A = arith.index_cast %mul3A_31 : i32 to index
      %swap3A_32 = tpu.vector_load %arg11[%swap3A] {strides = array<i32>} : memref<30720xf32, #tpu.memory_space<vmem>>, vector<16xf32>,
      tpu.vector_store %arg11[%swap3A], %broadcast_in_dim3A_29 {strides = array<i32>} : memref<30720xf32, #tpu.memory_space<vmem>>, vector<16xf32>,
      %scan3A_33 = arith.constant 0 : i32
      scf.yield %scan3A_33 : i32
    }
    %scan3A_8 = arith.constant 1920 : i32
    %iota3A = tpu.iota {dimensions = array<i32: 0>} : vector<16xi32>
    %scan3A_9 = arith.constant 0 : i32
    %scan3A_10 = arith.constant 0 : i32
    %scan3A_11 = arith.constant 25 : i32
    %scan3A_12 = arith.addi %scan3A_10, %scan3A_11 : i32
    %scan3A_13 = arith.constant 1 : i32
    %scan3A_14 = scf.for %scan3A_27 = %scan3A_10 to %scan3A_12 step %scan3A_13 iter_args(%scan3A_28 = %scan3A_9) -> (i32)  : i32 {
      %mul3A_29 = arith.constant 400 : i32
      %mul3A_30 = arith.muli %scan3A_27, %mul3A_29 : i32
      %add3A_31 = arith.addi %mul3A_2, %mul3A_30 : i32
      "tpu.region"() ({
        %run_scoped3A_44 = tpu.sem_alloc : memref<!tpu.dma_semaphore, #tpu.memory_space<semaphore_mem>>
        %dma_start3A = tpu.memref_slice %arg2[%add3A_31] : memref<320000xi32, #tpu.memory_space<hbm>> -> memref<400xi32, #tpu.memory_space<hbm>>
        %dma_start3A_45 = tpu.memref_slice %arg2[%add3A_31] : memref<320000xi32, #tpu.memory_space<hbm>> -> memref<400xi32, #tpu.memory_space<hbm>>
        tpu.enqueue_dma source(%dma_start3A_45 : memref<400xi32, #tpu.memory_space<hbm>>) target(%arg12 : memref<400xi32, #tpu.memory_space<vmem>>) target_semaphore(%run_scoped3A_44 : memref<!tpu.dma_semaphore, #tpu.memory_space<semaphore_mem>>)
        %dma_wait3A = tpu.memref_slice %arg2[%add3A_31] : memref<320000xi32, #tpu.memory_space<hbm>> -> memref<400xi32, #tpu.memory_space<hbm>>
        %dma_wait3A_46 = tpu.memref_slice %arg2[%add3A_31] : memref<320000xi32, #tpu.memory_space<hbm>> -> memref<400xi32, #tpu.memory_space<hbm>>
        tpu.wait_dma2 semaphore(%run_scoped3A_44 : memref<!tpu.dma_semaphore, #tpu.memory_space<semaphore_mem>>) src(%dma_wait3A_46 : memref<400xi32, #tpu.memory_space<hbm>>) dst(%arg12 : memref<400xi32, #tpu.memory_space<vmem>>)
        tpu.yield
      }) : () -> ()
      "tpu.region"() ({
        %run_scoped3A_44 = tpu.sem_alloc : memref<!tpu.dma_semaphore, #tpu.memory_space<semaphore_mem>>
        %dma_start3A = tpu.memref_slice %arg3[%add3A_31] : memref<320000xi32, #tpu.memory_space<hbm>> -> memref<400xi32, #tpu.memory_space<hbm>>
        %dma_start3A_45 = tpu.memref_slice %arg3[%add3A_31] : memref<320000xi32, #tpu.memory_space<hbm>> -> memref<400xi32, #tpu.memory_space<hbm>>
        tpu.enqueue_dma source(%dma_start3A_45 : memref<400xi32, #tpu.memory_space<hbm>>) target(%arg13 : memref<400xi32, #tpu.memory_space<vmem>>) target_semaphore(%run_scoped3A_44 : memref<!tpu.dma_semaphore, #tpu.memory_space<semaphore_mem>>)
        %dma_wait3A = tpu.memref_slice %arg3[%add3A_31] : memref<320000xi32, #tpu.memory_space<hbm>> -> memref<400xi32, #tpu.memory_space<hbm>>
        %dma_wait3A_46 = tpu.memref_slice %arg3[%add3A_31] : memref<320000xi32, #tpu.memory_space<hbm>> -> memref<400xi32, #tpu.memory_space<hbm>>
        tpu.wait_dma2 semaphore(%run_scoped3A_44 : memref<!tpu.dma_semaphore, #tpu.memory_space<semaphore_mem>>) src(%dma_wait3A_46 : memref<400xi32, #tpu.memory_space<hbm>>) dst(%arg13 : memref<400xi32, #tpu.memory_space<vmem>>)
        tpu.yield
      }) : () -> ()
      %mul3A_32 = arith.constant 3 : i32
      %mul3A_33 = arith.muli %add3A_31, %mul3A_32 : i32
      "tpu.region"() ({
        %run_scoped3A_44 = tpu.sem_alloc : memref<!tpu.dma_semaphore, #tpu.memory_space<semaphore_mem>>
        %dma_start3A = tpu.memref_slice %arg4[%mul3A_33] : memref<960000xf32, #tpu.memory_space<hbm>> -> memref<1200xf32, #tpu.memory_space<hbm>>
        %dma_start3A_45 = tpu.memref_slice %arg4[%mul3A_33] : memref<960000xf32, #tpu.memory_space<hbm>> -> memref<1200xf32, #tpu.memory_space<hbm>>
        tpu.enqueue_dma source(%dma_start3A_45 : memref<1200xf32, #tpu.memory_space<hbm>>) target(%arg14 : memref<1200xf32, #tpu.memory_space<vmem>>) target_semaphore(%run_scoped3A_44 : memref<!tpu.dma_semaphore, #tpu.memory_space<semaphore_mem>>)
        %dma_wait3A = tpu.memref_slice %arg4[%mul3A_33] : memref<960000xf32, #tpu.memory_space<hbm>> -> memref<1200xf32, #tpu.memory_space<hbm>>
        %dma_wait3A_46 = tpu.memref_slice %arg4[%mul3A_33] : memref<960000xf32, #tpu.memory_space<hbm>> -> memref<1200xf32, #tpu.memory_space<hbm>>
        tpu.wait_dma2 semaphore(%run_scoped3A_44 : memref<!tpu.dma_semaphore, #tpu.memory_space<semaphore_mem>>) src(%dma_wait3A_46 : memref<1200xf32, #tpu.memory_space<hbm>>) dst(%arg14 : memref<1200xf32, #tpu.memory_space<vmem>>)
        tpu.yield
      }) : () -> ()
      %scan3A_34 = arith.constant 0 : i32
      %scan3A_35 = arith.constant 0 : i32
      %scan3A_36 = arith.constant 25 : i32
      %scan3A_37 = arith.addi %scan3A_35, %scan3A_36 : i32
      %scan3A_38 = arith.constant 1 : i32
      %scan3A_39 = scf.for %scan3A_44 = %scan3A_35 to %scan3A_37 step %scan3A_38 iter_args(%scan3A_45 = %scan3A_34) -> (i32)  : i32 {
        %mul3A_46 = arith.constant 16 : i32
        %mul3A_47 = arith.muli %scan3A_44, %mul3A_46 : i32
        %get3A = arith.index_cast %mul3A_47 : i32 to index
        %get3A_48 = tpu.vector_load %arg12[%get3A] {strides = array<i32>} : memref<400xi32, #tpu.memory_space<vmem>>, vector<16xi32>,
        %get3A_49 = arith.index_cast %mul3A_47 : i32 to index
        %get3A_50 = tpu.vector_load %arg13[%get3A_49] {strides = array<i32>} : memref<400xi32, #tpu.memory_space<vmem>>, vector<16xi32>,
        %mul3A_51 = arith.constant 3 : i32
        %mul3A_52 = vector.broadcast %mul3A_51 : i32 to vector<16xi32>
        %mul3A_53 = arith.muli %get3A_48, %mul3A_52 : vector<16xi32>
        %mul3A_54 = arith.constant 3 : i32
        %mul3A_55 = vector.broadcast %mul3A_54 : i32 to vector<16xi32>
        %mul3A_56 = arith.muli %get3A_50, %mul3A_55 : vector<16xi32>
        %add3A_57 = vector.broadcast %mul3A_47 : i32 to vector<16xi32>
        %add3A_58 = arith.addi %add3A_57, %iota3A : vector<16xi32>
        %mul3A_59 = arith.constant 3 : i32
        %mul3A_60 = vector.broadcast %mul3A_59 : i32 to vector<16xi32>
        %mul3A_61 = arith.muli %add3A_58, %mul3A_60 : vector<16xi32>
        %add3A_62 = arith.constant 0 : i32
        %add3A_63 = vector.broadcast %add3A_62 : i32 to vector<16xi32>
        %add3A_64 = arith.addi %mul3A_53, %add3A_63 : vector<16xi32>
        %gather3A = tpu.vector_load_idx %arg9[%add3A_64] : memref<30000xf32, #tpu.memory_space<vmem>>[vector<16xi32>], vector<16xf32>,
        %add3A_65 = arith.constant 0 : i32
        %add3A_66 = vector.broadcast %add3A_65 : i32 to vector<16xi32>
        %add3A_67 = arith.addi %mul3A_56, %add3A_66 : vector<16xi32>
        %gather3A_68 = tpu.vector_load_idx %arg10[%add3A_67] : memref<30000xf32, #tpu.memory_space<vmem>>[vector<16xi32>], vector<16xf32>,
        %add3A_69 = arith.addf %gather3A, %gather3A_68 : vector<16xf32>
        %add3A_70 = arith.constant 0 : i32
        %add3A_71 = vector.broadcast %add3A_70 : i32 to vector<16xi32>
        %add3A_72 = arith.addi %mul3A_61, %add3A_71 : vector<16xi32>
        %gather3A_73 = tpu.vector_load_idx %arg14[%add3A_72] : memref<1200xf32, #tpu.memory_space<vmem>>[vector<16xi32>], vector<16xf32>,
        %add3A_74 = arith.addf %add3A_69, %gather3A_73 : vector<16xf32>
        %ge3A = arith.constant 0.000000e+00 : f32
        %ge3A_75 = vector.broadcast %ge3A : f32 to vector<16xf32>
        %ge3A_76 = arith.cmpf oge, %add3A_74, %ge3A_75 : vector<16xf32>
        %mul3A_77 = arith.constant 2.000000e-01 : f32
        %mul3A_78 = vector.broadcast %mul3A_77 : f32 to vector<16xf32>
        %mul3A_79 = arith.mulf %add3A_74, %mul3A_78 : vector<16xf32>
        %select_n3A = arith.select %ge3A_76, %add3A_74, %mul3A_79 : vector<16xi1>, vector<16xf32>
        %exp3A = math.exp %select_n3A : vector<16xf32>
        %add3A_80 = arith.constant 0 : i32
        %add3A_81 = vector.broadcast %add3A_80 : i32 to vector<16xi32>
        %add3A_82 = arith.addi %mul3A_61, %add3A_81 : vector<16xi32>
        tpu.vector_store_idx %arg15[%add3A_82], %exp3A : memref<1200xf32, #tpu.memory_space<vmem>>[vector<16xi32>], vector<16xf32>,
        %add3A_83 = arith.constant 0 : i32
        %add3A_84 = vector.broadcast %add3A_83 : i32 to vector<16xi32>
        %add3A_85 = arith.addi %mul3A_56, %add3A_84 : vector<16xi32>
        tpu.vector_store_idx %arg11[%add3A_85], %exp3A {add = true} : memref<30720xf32, #tpu.memory_space<vmem>>[vector<16xi32>], vector<16xf32>,
        %add3A_86 = arith.constant 1 : i32
        %add3A_87 = vector.broadcast %add3A_86 : i32 to vector<16xi32>
        %add3A_88 = arith.addi %mul3A_53, %add3A_87 : vector<16xi32>
        %gather3A_89 = tpu.vector_load_idx %arg9[%add3A_88] : memref<30000xf32, #tpu.memory_space<vmem>>[vector<16xi32>], vector<16xf32>,
        %add3A_90 = arith.constant 1 : i32
        %add3A_91 = vector.broadcast %add3A_90 : i32 to vector<16xi32>
        %add3A_92 = arith.addi %mul3A_56, %add3A_91 : vector<16xi32>
        %gather3A_93 = tpu.vector_load_idx %arg10[%add3A_92] : memref<30000xf32, #tpu.memory_space<vmem>>[vector<16xi32>], vector<16xf32>,
        %add3A_94 = arith.addf %gather3A_89, %gather3A_93 : vector<16xf32>
        %add3A_95 = arith.constant 1 : i32
        %add3A_96 = vector.broadcast %add3A_95 : i32 to vector<16xi32>
        %add3A_97 = arith.addi %mul3A_61, %add3A_96 : vector<16xi32>
        %gather3A_98 = tpu.vector_load_idx %arg14[%add3A_97] : memref<1200xf32, #tpu.memory_space<vmem>>[vector<16xi32>], vector<16xf32>,
        %add3A_99 = arith.addf %add3A_94, %gather3A_98 : vector<16xf32>
        %ge3A_100 = arith.constant 0.000000e+00 : f32
        %ge3A_101 = vector.broadcast %ge3A_100 : f32 to vector<16xf32>
        %ge3A_102 = arith.cmpf oge, %add3A_99, %ge3A_101 : vector<16xf32>
        %mul3A_103 = arith.constant 2.000000e-01 : f32
        %mul3A_104 = vector.broadcast %mul3A_103 : f32 to vector<16xf32>
        %mul3A_105 = arith.mulf %add3A_99, %mul3A_104 : vector<16xf32>
        %select_n3A_106 = arith.select %ge3A_102, %add3A_99, %mul3A_105 : vector<16xi1>, vector<16xf32>
        %exp3A_107 = math.exp %select_n3A_106 : vector<16xf32>
        %add3A_108 = arith.constant 1 : i32
        %add3A_109 = vector.broadcast %add3A_108 : i32 to vector<16xi32>
        %add3A_110 = arith.addi %mul3A_61, %add3A_109 : vector<16xi32>
        tpu.vector_store_idx %arg15[%add3A_110], %exp3A_107 : memref<1200xf32, #tpu.memory_space<vmem>>[vector<16xi32>], vector<16xf32>,
        %add3A_111 = arith.constant 1 : i32
        %add3A_112 = vector.broadcast %add3A_111 : i32 to vector<16xi32>
        %add3A_113 = arith.addi %mul3A_56, %add3A_112 : vector<16xi32>
        tpu.vector_store_idx %arg11[%add3A_113], %exp3A_107 {add = true} : memref<30720xf32, #tpu.memory_space<vmem>>[vector<16xi32>], vector<16xf32>,
        %add3A_114 = arith.constant 2 : i32
        %add3A_115 = vector.broadcast %add3A_114 : i32 to vector<16xi32>
        %add3A_116 = arith.addi %mul3A_53, %add3A_115 : vector<16xi32>
        %gather3A_117 = tpu.vector_load_idx %arg9[%add3A_116] : memref<30000xf32, #tpu.memory_space<vmem>>[vector<16xi32>], vector<16xf32>,
        %add3A_118 = arith.constant 2 : i32
        %add3A_119 = vector.broadcast %add3A_118 : i32 to vector<16xi32>
        %add3A_120 = arith.addi %mul3A_56, %add3A_119 : vector<16xi32>
        %gather3A_121 = tpu.vector_load_idx %arg10[%add3A_120] : memref<30000xf32, #tpu.memory_space<vmem>>[vector<16xi32>], vector<16xf32>,
        %add3A_122 = arith.addf %gather3A_117, %gather3A_121 : vector<16xf32>
        %add3A_123 = arith.constant 2 : i32
        %add3A_124 = vector.broadcast %add3A_123 : i32 to vector<16xi32>
        %add3A_125 = arith.addi %mul3A_61, %add3A_124 : vector<16xi32>
        %gather3A_126 = tpu.vector_load_idx %arg14[%add3A_125] : memref<1200xf32, #tpu.memory_space<vmem>>[vector<16xi32>], vector<16xf32>,
        %add3A_127 = arith.addf %add3A_122, %gather3A_126 : vector<16xf32>
        %ge3A_128 = arith.constant 0.000000e+00 : f32
        %ge3A_129 = vector.broadcast %ge3A_128 : f32 to vector<16xf32>
        %ge3A_130 = arith.cmpf oge, %add3A_127, %ge3A_129 : vector<16xf32>
        %mul3A_131 = arith.constant 2.000000e-01 : f32
        %mul3A_132 = vector.broadcast %mul3A_131 : f32 to vector<16xf32>
        %mul3A_133 = arith.mulf %add3A_127, %mul3A_132 : vector<16xf32>
        %select_n3A_134 = arith.select %ge3A_130, %add3A_127, %mul3A_133 : vector<16xi1>, vector<16xf32>
        %exp3A_135 = math.exp %select_n3A_134 : vector<16xf32>
        %add3A_136 = arith.constant 2 : i32
        %add3A_137 = vector.broadcast %add3A_136 : i32 to vector<16xi32>
        %add3A_138 = arith.addi %mul3A_61, %add3A_137 : vector<16xi32>
        tpu.vector_store_idx %arg15[%add3A_138], %exp3A_135 : memref<1200xf32, #tpu.memory_space<vmem>>[vector<16xi32>], vector<16xf32>,
        %add3A_139 = arith.constant 2 : i32
        %add3A_140 = vector.broadcast %add3A_139 : i32 to vector<16xi32>
        %add3A_141 = arith.addi %mul3A_56, %add3A_140 : vector<16xi32>
        tpu.vector_store_idx %arg11[%add3A_141], %exp3A_135 {add = true} : memref<30720xf32, #tpu.memory_space<vmem>>[vector<16xi32>], vector<16xf32>,
        %scan3A_142 = arith.constant 0 : i32
        scf.yield %scan3A_142 : i32
      }
      %scan3A_40 = arith.constant 25 : i32
      %mul3A_41 = arith.constant 3 : i32
      %mul3A_42 = arith.muli %add3A_31, %mul3A_41 : i32
      "tpu.region"() ({
        %run_scoped3A_44 = tpu.sem_alloc : memref<!tpu.dma_semaphore, #tpu.memory_space<semaphore_mem>>
        %dma_start3A = tpu.memref_slice %arg7[%mul3A_42] : memref<960000xf32, #tpu.memory_space<hbm>> -> memref<1200xf32, #tpu.memory_space<hbm>>
        %dma_start3A_45 = tpu.memref_slice %arg7[%mul3A_42] : memref<960000xf32, #tpu.memory_space<hbm>> -> memref<1200xf32, #tpu.memory_space<hbm>>
        tpu.enqueue_dma source(%arg15 : memref<1200xf32, #tpu.memory_space<vmem>>) target(%dma_start3A_45 : memref<1200xf32, #tpu.memory_space<hbm>>) target_semaphore(%run_scoped3A_44 : memref<!tpu.dma_semaphore, #tpu.memory_space<semaphore_mem>>)
        %dma_wait3A = tpu.memref_slice %arg7[%mul3A_42] : memref<960000xf32, #tpu.memory_space<hbm>> -> memref<1200xf32, #tpu.memory_space<hbm>>
        %dma_wait3A_46 = tpu.memref_slice %arg7[%mul3A_42] : memref<960000xf32, #tpu.memory_space<hbm>> -> memref<1200xf32, #tpu.memory_space<hbm>>
        tpu.wait_dma2 semaphore(%run_scoped3A_44 : memref<!tpu.dma_semaphore, #tpu.memory_space<semaphore_mem>>) src(%arg15 : memref<1200xf32, #tpu.memory_space<vmem>>) dst(%dma_wait3A_46 : memref<1200xf32, #tpu.memory_space<hbm>>)
        tpu.yield
      }) : () -> ()
      %scan3A_43 = arith.constant 0 : i32
      scf.yield %scan3A_43 : i32
    }
    %scan3A_15 = arith.constant 25 : i32
    "tpu.region"() ({
      %run_scoped3A_27 = tpu.sem_alloc : memref<!tpu.dma_semaphore, #tpu.memory_space<semaphore_mem>>
      %dma_start3A = arith.constant 0 : i32
      %dma_start3A_28 = tpu.memref_slice %arg16[%arg1, %dma_start3A] : memref<16x30720xf32, #tpu.memory_space<vmem_shared>> -> memref<1x30720xf32, #tpu.memory_space<vmem_shared>>
      %dma_start3A_29 = tpu.memref_squeeze %dma_start3A_28 : memref<1x30720xf32, #tpu.memory_space<vmem_shared>> -> memref<30720xf32, #tpu.memory_space<vmem_shared>>
      %dma_start3A_30 = arith.constant 0 : i32
      %dma_start3A_31 = tpu.memref_slice %arg16[%arg1, %dma_start3A_30] : memref<16x30720xf32, #tpu.memory_space<vmem_shared>> -> memref<1x30720xf32, #tpu.memory_space<vmem_shared>>
      %dma_start3A_32 = tpu.memref_squeeze %dma_start3A_31 : memref<1x30720xf32, #tpu.memory_space<vmem_shared>> -> memref<30720xf32, #tpu.memory_space<vmem_shared>>
      tpu.enqueue_dma source(%arg11 : memref<30720xf32, #tpu.memory_space<vmem>>) target(%dma_start3A_32 : memref<30720xf32, #tpu.memory_space<vmem_shared>>) target_semaphore(%run_scoped3A_27 : memref<!tpu.dma_semaphore, #tpu.memory_space<semaphore_mem>>)
      %dma_wait3A = arith.constant 0 : i32
      %dma_wait3A_33 = tpu.memref_slice %arg16[%arg1, %dma_wait3A] : memref<16x30720xf32, #tpu.memory_space<vmem_shared>> -> memref<1x30720xf32, #tpu.memory_space<vmem_shared>>
      %dma_wait3A_34 = tpu.memref_squeeze %dma_wait3A_33 : memref<1x30720xf32, #tpu.memory_space<vmem_shared>> -> memref<30720xf32, #tpu.memory_space<vmem_shared>>
      %dma_wait3A_35 = arith.constant 0 : i32
      %dma_wait3A_36 = tpu.memref_slice %arg16[%arg1, %dma_wait3A_35] : memref<16x30720xf32, #tpu.memory_space<vmem_shared>> -> memref<1x30720xf32, #tpu.memory_space<vmem_shared>>
      %dma_wait3A_37 = tpu.memref_squeeze %dma_wait3A_36 : memref<1x30720xf32, #tpu.memory_space<vmem_shared>> -> memref<30720xf32, #tpu.memory_space<vmem_shared>>
      tpu.wait_dma2 semaphore(%run_scoped3A_27 : memref<!tpu.dma_semaphore, #tpu.memory_space<semaphore_mem>>) src(%arg11 : memref<30720xf32, #tpu.memory_space<vmem>>) dst(%dma_wait3A_37 : memref<30720xf32, #tpu.memory_space<vmem_shared>>)
      tpu.yield
    }) : () -> ()
    %barrier3A = arith.constant 0 : index
    tpu.barrier barrier_id(%barrier3A)
    %mul3A_16 = arith.constant 1920 : i32
    %mul3A_17 = arith.muli %arg1, %mul3A_16 : i32
    %run_scoped3A = arith.constant 0 : i32
    "tpu.region"() ({
      %run_scoped3A_27 = tpu.sem_alloc : memref<!tpu.dma_semaphore, #tpu.memory_space<semaphore_mem>>
      %dma_start3A = tpu.memref_slice %arg16[%run_scoped3A, %mul3A_17] : memref<16x30720xf32, #tpu.memory_space<vmem_shared>> -> memref<1x1920xf32, #tpu.memory_space<vmem_shared>>
      %dma_start3A_28 = tpu.memref_squeeze %dma_start3A : memref<1x1920xf32, #tpu.memory_space<vmem_shared>> -> memref<1920xf32, #tpu.memory_space<vmem_shared>>
      %dma_start3A_29 = tpu.memref_slice %arg16[%run_scoped3A, %mul3A_17] : memref<16x30720xf32, #tpu.memory_space<vmem_shared>> -> memref<1x1920xf32, #tpu.memory_space<vmem_shared>>
      %dma_start3A_30 = tpu.memref_squeeze %dma_start3A_29 : memref<1x1920xf32, #tpu.memory_space<vmem_shared>> -> memref<1920xf32, #tpu.memory_space<vmem_shared>>
      tpu.enqueue_dma source(%dma_start3A_30 : memref<1920xf32, #tpu.memory_space<vmem_shared>>) target(%arg18 : memref<1920xf32, #tpu.memory_space<vmem>>) target_semaphore(%run_scoped3A_27 : memref<!tpu.dma_semaphore, #tpu.memory_space<semaphore_mem>>)
      %dma_wait3A = tpu.memref_slice %arg16[%run_scoped3A, %mul3A_17] : memref<16x30720xf32, #tpu.memory_space<vmem_shared>> -> memref<1x1920xf32, #tpu.memory_space<vmem_shared>>
      %dma_wait3A_31 = tpu.memref_squeeze %dma_wait3A : memref<1x1920xf32, #tpu.memory_space<vmem_shared>> -> memref<1920xf32, #tpu.memory_space<vmem_shared>>
      %dma_wait3A_32 = tpu.memref_slice %arg16[%run_scoped3A, %mul3A_17] : memref<16x30720xf32, #tpu.memory_space<vmem_shared>> -> memref<1x1920xf32, #tpu.memory_space<vmem_shared>>
      %dma_wait3A_33 = tpu.memref_squeeze %dma_wait3A_32 : memref<1x1920xf32, #tpu.memory_space<vmem_shared>> -> memref<1920xf32, #tpu.memory_space<vmem_shared>>
      tpu.wait_dma2 semaphore(%run_scoped3A_27 : memref<!tpu.dma_semaphore, #tpu.memory_space<semaphore_mem>>) src(%dma_wait3A_33 : memref<1920xf32, #tpu.memory_space<vmem_shared>>) dst(%arg18 : memref<1920xf32, #tpu.memory_space<vmem>>)
      tpu.yield
    }) : () -> ()
    %scan3A_18 = arith.constant 0 : i32
    %scan3A_19 = arith.constant 1 : i32
    %scan3A_20 = arith.constant 15 : i32
    %scan3A_21 = arith.addi %scan3A_19, %scan3A_20 : i32
    %scan3A_22 = arith.constant 1 : i32
    %scan3A_23 = scf.for %scan3A_27 = %scan3A_19 to %scan3A_21 step %scan3A_22 iter_args(%scan3A_28 = %scan3A_18) -> (i32)  : i32 {
      %mul3A_29 = arith.constant 1920 : i32
      %mul3A_30 = arith.muli %arg1, %mul3A_29 : i32
      "tpu.region"() ({
        %run_scoped3A_39 = tpu.sem_alloc : memref<!tpu.dma_semaphore, #tpu.memory_space<semaphore_mem>>
        %dma_start3A = tpu.memref_slice %arg16[%scan3A_27, %mul3A_30] : memref<16x30720xf32, #tpu.memory_space<vmem_shared>> -> memref<1x1920xf32, #tpu.memory_space<vmem_shared>>
        %dma_start3A_40 = tpu.memref_squeeze %dma_start3A : memref<1x1920xf32, #tpu.memory_space<vmem_shared>> -> memref<1920xf32, #tpu.memory_space<vmem_shared>>
        %dma_start3A_41 = tpu.memref_slice %arg16[%scan3A_27, %mul3A_30] : memref<16x30720xf32, #tpu.memory_space<vmem_shared>> -> memref<1x1920xf32, #tpu.memory_space<vmem_shared>>
        %dma_start3A_42 = tpu.memref_squeeze %dma_start3A_41 : memref<1x1920xf32, #tpu.memory_space<vmem_shared>> -> memref<1920xf32, #tpu.memory_space<vmem_shared>>
        tpu.enqueue_dma source(%dma_start3A_42 : memref<1920xf32, #tpu.memory_space<vmem_shared>>) target(%arg17 : memref<1920xf32, #tpu.memory_space<vmem>>) target_semaphore(%run_scoped3A_39 : memref<!tpu.dma_semaphore, #tpu.memory_space<semaphore_mem>>)
        %dma_wait3A = tpu.memref_slice %arg16[%scan3A_27, %mul3A_30] : memref<16x30720xf32, #tpu.memory_space<vmem_shared>> -> memref<1x1920xf32, #tpu.memory_space<vmem_shared>>
        %dma_wait3A_43 = tpu.memref_squeeze %dma_wait3A : memref<1x1920xf32, #tpu.memory_space<vmem_shared>> -> memref<1920xf32, #tpu.memory_space<vmem_shared>>
        %dma_wait3A_44 = tpu.memref_slice %arg16[%scan3A_27, %mul3A_30] : memref<16x30720xf32, #tpu.memory_space<vmem_shared>> -> memref<1x1920xf32, #tpu.memory_space<vmem_shared>>
        %dma_wait3A_45 = tpu.memref_squeeze %dma_wait3A_44 : memref<1x1920xf32, #tpu.memory_space<vmem_shared>> -> memref<1920xf32, #tpu.memory_space<vmem_shared>>
        tpu.wait_dma2 semaphore(%run_scoped3A_39 : memref<!tpu.dma_semaphore, #tpu.memory_space<semaphore_mem>>) src(%dma_wait3A_45 : memref<1920xf32, #tpu.memory_space<vmem_shared>>) dst(%arg17 : memref<1920xf32, #tpu.memory_space<vmem>>)
        tpu.yield
      }) : () -> ()
      %scan3A_31 = arith.constant 0 : i32
      %scan3A_32 = arith.constant 0 : i32
      %scan3A_33 = arith.constant 120 : i32
      %scan3A_34 = arith.addi %scan3A_32, %scan3A_33 : i32
      %scan3A_35 = arith.constant 1 : i32
      %scan3A_36 = scf.for %scan3A_39 = %scan3A_32 to %scan3A_34 step %scan3A_35 iter_args(%scan3A_40 = %scan3A_31) -> (i32)  : i32 {
        %mul3A_41 = arith.constant 16 : i32
        %mul3A_42 = arith.muli %scan3A_39, %mul3A_41 : i32
        %get3A = arith.index_cast %mul3A_42 : i32 to index
        %get3A_43 = tpu.vector_load %arg18[%get3A] {strides = array<i32>} : memref<1920xf32, #tpu.memory_space<vmem>>, vector<16xf32>,
        %mul3A_44 = arith.constant 16 : i32
        %mul3A_45 = arith.muli %scan3A_39, %mul3A_44 : i32
        %get3A_46 = arith.index_cast %mul3A_45 : i32 to index
        %get3A_47 = tpu.vector_load %arg17[%get3A_46] {strides = array<i32>} : memref<1920xf32, #tpu.memory_space<vmem>>, vector<16xf32>,
        %add3A_48 = arith.addf %get3A_43, %get3A_47 : vector<16xf32>
        %mul3A_49 = arith.constant 16 : i32
        %mul3A_50 = arith.muli %scan3A_39, %mul3A_49 : i32
        %swap3A = arith.index_cast %mul3A_50 : i32 to index
        %swap3A_51 = tpu.vector_load %arg18[%swap3A] {strides = array<i32>} : memref<1920xf32, #tpu.memory_space<vmem>>, vector<16xf32>,
        tpu.vector_store %arg18[%swap3A], %add3A_48 {strides = array<i32>} : memref<1920xf32, #tpu.memory_space<vmem>>, vector<16xf32>,
        %scan3A_52 = arith.constant 0 : i32
        scf.yield %scan3A_52 : i32
      }
      %scan3A_37 = arith.constant 120 : i32
      %scan3A_38 = arith.constant 0 : i32
      scf.yield %scan3A_38 : i32
    }
    %scan3A_24 = arith.constant 15 : i32
    %mul3A_25 = arith.constant 1920 : i32
    %mul3A_26 = arith.muli %arg1, %mul3A_25 : i32
    "tpu.region"() ({
      %run_scoped3A_27 = tpu.sem_alloc : memref<!tpu.dma_semaphore, #tpu.memory_space<semaphore_mem>>
      %dma_start3A = tpu.memref_slice %arg8[%arg0, %mul3A_26] : memref<2x30720xf32, #tpu.memory_space<hbm>> -> memref<1x1920xf32, #tpu.memory_space<hbm>>
      %dma_start3A_28 = tpu.memref_squeeze %dma_start3A : memref<1x1920xf32, #tpu.memory_space<hbm>> -> memref<1920xf32, #tpu.memory_space<hbm>>
      %dma_start3A_29 = tpu.memref_slice %arg8[%arg0, %mul3A_26] : memref<2x30720xf32, #tpu.memory_space<hbm>> -> memref<1x1920xf32, #tpu.memory_space<hbm>>
      %dma_start3A_30 = tpu.memref_squeeze %dma_start3A_29 : memref<1x1920xf32, #tpu.memory_space<hbm>> -> memref<1920xf32, #tpu.memory_space<hbm>>
      tpu.enqueue_dma source(%arg18 : memref<1920xf32, #tpu.memory_space<vmem>>) target(%dma_start3A_30 : memref<1920xf32, #tpu.memory_space<hbm>>) target_semaphore(%run_scoped3A_27 : memref<!tpu.dma_semaphore, #tpu.memory_space<semaphore_mem>>)
      %dma_wait3A = tpu.memref_slice %arg8[%arg0, %mul3A_26] : memref<2x30720xf32, #tpu.memory_space<hbm>> -> memref<1x1920xf32, #tpu.memory_space<hbm>>
      %dma_wait3A_31 = tpu.memref_squeeze %dma_wait3A : memref<1x1920xf32, #tpu.memory_space<hbm>> -> memref<1920xf32, #tpu.memory_space<hbm>>
      %dma_wait3A_32 = tpu.memref_slice %arg8[%arg0, %mul3A_26] : memref<2x30720xf32, #tpu.memory_space<hbm>> -> memref<1x1920xf32, #tpu.memory_space<hbm>>
      %dma_wait3A_33 = tpu.memref_squeeze %dma_wait3A_32 : memref<1x1920xf32, #tpu.memory_space<hbm>> -> memref<1920xf32, #tpu.memory_space<hbm>>
      tpu.wait_dma2 semaphore(%run_scoped3A_27 : memref<!tpu.dma_semaphore, #tpu.memory_space<semaphore_mem>>) src(%arg18 : memref<1920xf32, #tpu.memory_space<vmem>>) dst(%dma_wait3A_33 : memref<1920xf32, #tpu.memory_space<hbm>>)
      tpu.yield
    }) : () -> ()
    return
  }
}

module attributes {stable_mosaic.version = 14 : i64} {
  func.func @_tc_pre_body(%arg0: i32, %arg1: memref<400x128xf32, #tpu.memory_space<vmem>>, %arg2: memref<128x128xf32, #tpu.memory_space<vmem>>, %arg3: memref<1x128xf32, #tpu.memory_space<vmem>>, %arg4: memref<128x384xf32, #tpu.memory_space<vmem>>, %arg5: memref<384x3xf32, #tpu.memory_space<vmem>>, %arg6: memref<128x3xf32, #tpu.memory_space<vmem>>, %arg7: memref<12800x16xf32, #tpu.memory_space<vmem>>, %arg8: memref<16x3xf32, #tpu.memory_space<vmem>>, %arg9: memref<400x128xf32, #tpu.memory_space<vmem>>, %arg10: memref<400x384xf32, #tpu.memory_space<vmem>>, %arg11: memref<400x3xf32, #tpu.memory_space<vmem>>, %arg12: memref<400x3xf32, #tpu.memory_space<vmem>>, %arg13: memref<12800x3xf32, #tpu.memory_space<vmem>>) attributes {dimension_semantics = [#tpu.dimension_semantics<arbitrary>], iteration_bounds = array<i64: 25>, scalar_prefetch = 0 : i64, scratch_operands = 0 : i64, tpu.core_type = #tpu.core_type<tc>, window_params = [{transform_indices = @transform_0, window_bounds = array<i64: 400, 128>}, {pipeline_mode = #tpu.pipeline_mode<synchronous>, transform_indices = @transform_1, window_bounds = array<i64: 128, 128>}, {pipeline_mode = #tpu.pipeline_mode<synchronous>, transform_indices = @transform_2, window_bounds = array<i64: 1, 128>}, {pipeline_mode = #tpu.pipeline_mode<synchronous>, transform_indices = @transform_3, window_bounds = array<i64: 128, 384>}, {pipeline_mode = #tpu.pipeline_mode<synchronous>, transform_indices = @transform_4, window_bounds = array<i64: 384, 3>}, {pipeline_mode = #tpu.pipeline_mode<synchronous>, transform_indices = @transform_5, window_bounds = array<i64: 128, 3>}, {transform_indices = @transform_6, window_bounds = array<i64: 12800, 16>}, {pipeline_mode = #tpu.pipeline_mode<synchronous>, transform_indices = @transform_7, window_bounds = array<i64: 16, 3>}, {transform_indices = @transform_8, window_bounds = array<i64: 400, 128>}, {transform_indices = @transform_9, window_bounds = array<i64: 400, 384>}, {transform_indices = @transform_10, window_bounds = array<i64: 400, 3>}, {transform_indices = @transform_11, window_bounds = array<i64: 400, 3>}, {transform_indices = @transform_12, window_bounds = array<i64: 12800, 3>}]} {
    %get3A = arith.constant 0 : index
    %get3A_0 = arith.constant 0 : index
    %get3A_1 = vector.load %arg1[%get3A, %get3A_0] : memref<400x128xf32, #tpu.memory_space<vmem>>, vector<400x128xf32>
    %get3A_2 = arith.constant 0 : index
    %get3A_3 = arith.constant 0 : index
    %get3A_4 = vector.load %arg2[%get3A_2, %get3A_3] : memref<128x128xf32, #tpu.memory_space<vmem>>, vector<128x128xf32>
    %dot_general3A = arith.constant dense<0.000000e+00> : vector<400x128xf32>
    %dot_general3A_5 = tpu.matmul %get3A_1, %get3A_4, %dot_general3A {dimension_numbers = #tpu.dot_dimension_numbers<[1], [0], [0], [1], [0, 0, 1, 1], [], []>, transpose_lhs_hint = false} : vector<400x128xf32>, vector<128x128xf32>, vector<400x128xf32> -> vector<400x128xf32>
    %get3A_6 = arith.constant 0 : index
    %get3A_7 = arith.constant 0 : index
    %get3A_8 = vector.load %arg3[%get3A_6, %get3A_7] : memref<1x128xf32, #tpu.memory_space<vmem>>, vector<1x128xf32>
    %add3A = vector.broadcast %get3A_8 : vector<1x128xf32> to vector<400x128xf32>
    %add3A_9 = arith.addf %dot_general3A_5, %add3A : vector<400x128xf32>
    %ge3A = arith.constant 0.000000e+00 : f32
    %ge3A_10 = vector.broadcast %ge3A : f32 to vector<400x128xf32>
    %ge3A_11 = arith.cmpf oge, %add3A_9, %ge3A_10 : vector<400x128xf32>
    %mul3A = arith.constant 0.00999999977 : f32
    %mul3A_12 = vector.broadcast %mul3A : f32 to vector<400x128xf32>
    %mul3A_13 = arith.mulf %add3A_9, %mul3A_12 : vector<400x128xf32>
    %select_n3A = arith.select %ge3A_11, %add3A_9, %mul3A_13 : vector<400x128xi1>, vector<400x128xf32>
    %swap3A = arith.constant 0 : index
    %swap3A_14 = arith.constant 0 : index
    %swap3A_15 = vector.load %arg9[%swap3A, %swap3A_14] : memref<400x128xf32, #tpu.memory_space<vmem>>, vector<400x128xf32>
    tpu.vector_store %arg9[%swap3A, %swap3A_14], %select_n3A {strides = array<i32>} : memref<400x128xf32, #tpu.memory_space<vmem>>, vector<400x128xf32>,
    %get3A_16 = arith.constant 0 : index
    %get3A_17 = arith.constant 0 : index
    %get3A_18 = vector.load %arg4[%get3A_16, %get3A_17] : memref<128x384xf32, #tpu.memory_space<vmem>>, vector<128x384xf32>
    %dot_general3A_19 = arith.constant dense<0.000000e+00> : vector<400x384xf32>
    %dot_general3A_20 = tpu.matmul %select_n3A, %get3A_18, %dot_general3A_19 {dimension_numbers = #tpu.dot_dimension_numbers<[1], [0], [0], [1], [0, 0, 1, 1], [], []>, transpose_lhs_hint = false} : vector<400x128xf32>, vector<128x384xf32>, vector<400x384xf32> -> vector<400x384xf32>
    %swap3A_21 = arith.constant 0 : index
    %swap3A_22 = arith.constant 0 : index
    %swap3A_23 = vector.load %arg10[%swap3A_21, %swap3A_22] : memref<400x384xf32, #tpu.memory_space<vmem>>, vector<400x384xf32>
    tpu.vector_store %arg10[%swap3A_21, %swap3A_22], %dot_general3A_20 {strides = array<i32>} : memref<400x384xf32, #tpu.memory_space<vmem>>, vector<400x384xf32>,
    %get3A_24 = arith.constant 0 : index
    %get3A_25 = arith.constant 0 : index
    %get3A_26 = vector.load %arg5[%get3A_24, %get3A_25] : memref<384x3xf32, #tpu.memory_space<vmem>>, vector<384x3xf32>
    %dot_general3A_27 = arith.constant dense<0.000000e+00> : vector<400x3xf32>
    %dot_general3A_28 = tpu.matmul %dot_general3A_20, %get3A_26, %dot_general3A_27 {dimension_numbers = #tpu.dot_dimension_numbers<[1], [0], [0], [1], [0, 0, 1, 1], [], []>, transpose_lhs_hint = false} : vector<400x384xf32>, vector<384x3xf32>, vector<400x3xf32> -> vector<400x3xf32>
    %swap3A_29 = arith.constant 0 : index
    %swap3A_30 = arith.constant 0 : index
    %swap3A_31 = vector.load %arg11[%swap3A_29, %swap3A_30] : memref<400x3xf32, #tpu.memory_space<vmem>>, vector<400x3xf32>
    tpu.vector_store %arg11[%swap3A_29, %swap3A_30], %dot_general3A_28 {strides = array<i32>} : memref<400x3xf32, #tpu.memory_space<vmem>>, vector<400x3xf32>,
    %get3A_32 = arith.constant 0 : index
    %get3A_33 = arith.constant 0 : index
    %get3A_34 = vector.load %arg6[%get3A_32, %get3A_33] : memref<128x3xf32, #tpu.memory_space<vmem>>, vector<128x3xf32>
    %dot_general3A_35 = arith.constant dense<0.000000e+00> : vector<400x3xf32>
    %dot_general3A_36 = tpu.matmul %select_n3A, %get3A_34, %dot_general3A_35 {dimension_numbers = #tpu.dot_dimension_numbers<[1], [0], [0], [1], [0, 0, 1, 1], [], []>, transpose_lhs_hint = false} : vector<400x128xf32>, vector<128x3xf32>, vector<400x3xf32> -> vector<400x3xf32>
    %swap3A_37 = arith.constant 0 : index
    %swap3A_38 = arith.constant 0 : index
    %swap3A_39 = vector.load %arg12[%swap3A_37, %swap3A_38] : memref<400x3xf32, #tpu.memory_space<vmem>>, vector<400x3xf32>
    tpu.vector_store %arg12[%swap3A_37, %swap3A_38], %dot_general3A_36 {strides = array<i32>} : memref<400x3xf32, #tpu.memory_space<vmem>>, vector<400x3xf32>,
    %get3A_40 = arith.constant 0 : index
    %get3A_41 = arith.constant 0 : index
    %get3A_42 = vector.load %arg7[%get3A_40, %get3A_41] : memref<12800x16xf32, #tpu.memory_space<vmem>>, vector<12800x16xf32>
    %get3A_43 = arith.constant 0 : index
    %get3A_44 = arith.constant 0 : index
    %get3A_45 = vector.load %arg8[%get3A_43, %get3A_44] : memref<16x3xf32, #tpu.memory_space<vmem>>, vector<16x3xf32>
    %dot_general3A_46 = arith.constant dense<0.000000e+00> : vector<12800x3xf32>
    %dot_general3A_47 = tpu.matmul %get3A_42, %get3A_45, %dot_general3A_46 {dimension_numbers = #tpu.dot_dimension_numbers<[1], [0], [0], [1], [0, 0, 1, 1], [], []>, transpose_lhs_hint = false} : vector<12800x16xf32>, vector<16x3xf32>, vector<12800x3xf32> -> vector<12800x3xf32>
    %swap3A_48 = arith.constant 0 : index
    %swap3A_49 = arith.constant 0 : index
    %swap3A_50 = vector.load %arg13[%swap3A_48, %swap3A_49] : memref<12800x3xf32, #tpu.memory_space<vmem>>, vector<12800x3xf32>
    tpu.vector_store %arg13[%swap3A_48, %swap3A_49], %dot_general3A_47 {strides = array<i32>} : memref<12800x3xf32, #tpu.memory_space<vmem>>, vector<12800x3xf32>,
    return
  }
  func.func @transform_0(%arg0: i32) -> (i32, i32) {
    %c0_i32 = arith.constant 0 : i32
    %c0_i32_0 = arith.constant 0 : i32
    return %arg0, %c0_i32 : i32, i32
  }
  func.func @transform_1(%arg0: i32) -> (i32, i32) {
    %c0_i32 = arith.constant 0 : i32
    %c0_i32_0 = arith.constant 0 : i32
    %c0_i32_1 = arith.constant 0 : i32
    return %c0_i32, %c0_i32_0 : i32, i32
  }
  func.func @transform_2(%arg0: i32) -> (i32, i32) {
    %c0_i32 = arith.constant 0 : i32
    %c0_i32_0 = arith.constant 0 : i32
    %c0_i32_1 = arith.constant 0 : i32
    return %c0_i32, %c0_i32_0 : i32, i32
  }
  func.func @transform_3(%arg0: i32) -> (i32, i32) {
    %c0_i32 = arith.constant 0 : i32
    %c0_i32_0 = arith.constant 0 : i32
    %c0_i32_1 = arith.constant 0 : i32
    return %c0_i32, %c0_i32_0 : i32, i32
  }
  func.func @transform_4(%arg0: i32) -> (i32, i32) {
    %c0_i32 = arith.constant 0 : i32
    %c0_i32_0 = arith.constant 0 : i32
    %c0_i32_1 = arith.constant 0 : i32
    return %c0_i32, %c0_i32_0 : i32, i32
  }
  func.func @transform_5(%arg0: i32) -> (i32, i32) {
    %c0_i32 = arith.constant 0 : i32
    %c0_i32_0 = arith.constant 0 : i32
    %c0_i32_1 = arith.constant 0 : i32
    return %c0_i32, %c0_i32_0 : i32, i32
  }
  func.func @transform_6(%arg0: i32) -> (i32, i32) {
    %c0_i32 = arith.constant 0 : i32
    %c0_i32_0 = arith.constant 0 : i32
    return %arg0, %c0_i32 : i32, i32
  }
  func.func @transform_7(%arg0: i32) -> (i32, i32) {
    %c0_i32 = arith.constant 0 : i32
    %c0_i32_0 = arith.constant 0 : i32
    %c0_i32_1 = arith.constant 0 : i32
    return %c0_i32, %c0_i32_0 : i32, i32
  }
  func.func @transform_8(%arg0: i32) -> (i32, i32) {
    %c0_i32 = arith.constant 0 : i32
    %c0_i32_0 = arith.constant 0 : i32
    return %arg0, %c0_i32 : i32, i32
  }
  func.func @transform_9(%arg0: i32) -> (i32, i32) {
    %c0_i32 = arith.constant 0 : i32
    %c0_i32_0 = arith.constant 0 : i32
    return %arg0, %c0_i32 : i32, i32
  }
  func.func @transform_10(%arg0: i32) -> (i32, i32) {
    %c0_i32 = arith.constant 0 : i32
    %c0_i32_0 = arith.constant 0 : i32
    return %arg0, %c0_i32 : i32, i32
  }
  func.func @transform_11(%arg0: i32) -> (i32, i32) {
    %c0_i32 = arith.constant 0 : i32
    %c0_i32_0 = arith.constant 0 : i32
    return %arg0, %c0_i32 : i32, i32
  }
  func.func @transform_12(%arg0: i32) -> (i32, i32) {
    %c0_i32 = arith.constant 0 : i32
    %c0_i32_0 = arith.constant 0 : i32
    return %arg0, %c0_i32 : i32, i32
  }
}

module attributes {stable_mosaic.version = 14 : i64} {
  func.func @_tc_combine_body(%arg0: memref<2x240x128xf32, #tpu.memory_space<vmem>>, %arg1: memref<240x128xf32, #tpu.memory_space<vmem>>) attributes {dimension_semantics = [], scalar_prefetch = 0 : i64, scratch_operands = 0 : i64, tpu.core_type = #tpu.core_type<tc>} {
    %get3A = arith.constant 0 : index
    %get3A_0 = arith.constant 0 : index
    %get3A_1 = arith.constant 0 : index
    %get3A_2 = vector.load %arg0[%get3A, %get3A_0, %get3A_1] : memref<2x240x128xf32, #tpu.memory_space<vmem>>, vector<2x240x128xf32>
    %slice3A = vector.extract_strided_slice %get3A_2 {offsets = [0, 0, 0], sizes = [1, 240, 128], strides = [1, 1, 1]} : vector<2x240x128xf32> to vector<1x240x128xf32>
    %squeeze3A = vector.shape_cast %slice3A : vector<1x240x128xf32> to vector<240x128xf32>
    %slice3A_3 = vector.extract_strided_slice %get3A_2 {offsets = [1, 0, 0], sizes = [1, 240, 128], strides = [1, 1, 1]} : vector<2x240x128xf32> to vector<1x240x128xf32>
    %squeeze3A_4 = vector.shape_cast %slice3A_3 : vector<1x240x128xf32> to vector<240x128xf32>
    %add3A = arith.addf %squeeze3A, %squeeze3A_4 : vector<240x128xf32>
    %mul3A = arith.constant 3.000000e+00 : f32
    %mul3A_5 = vector.broadcast %mul3A : f32 to vector<240x128xf32>
    %mul3A_6 = arith.mulf %mul3A_5, %add3A : vector<240x128xf32>
    %add3A_7 = arith.constant 3.000000e-16 : f32
    %add3A_8 = vector.broadcast %add3A_7 : f32 to vector<240x128xf32>
    %add3A_9 = arith.addf %mul3A_6, %add3A_8 : vector<240x128xf32>
    %div3A = arith.constant 1.000000e+00 : f32
    %div3A_10 = vector.broadcast %div3A : f32 to vector<240x128xf32>
    %div3A_11 = arith.divf %div3A_10, %add3A_9 : vector<240x128xf32>
    %swap3A = arith.constant 0 : index
    %swap3A_12 = arith.constant 0 : index
    %swap3A_13 = vector.load %arg1[%swap3A, %swap3A_12] : memref<240x128xf32, #tpu.memory_space<vmem>>, vector<240x128xf32>
    tpu.vector_store %arg1[%swap3A, %swap3A_12], %div3A_11 {strides = array<i32>} : memref<240x128xf32, #tpu.memory_space<vmem>>, vector<240x128xf32>,
    return
  }
}

module attributes {stable_mosaic.version = 14 : i64} {
  func.func @_tc_post_body(%arg0: i32, %arg1: memref<400x128xf32, #tpu.memory_space<vmem>>, %arg2: memref<400x128xf32, #tpu.memory_space<vmem>>, %arg3: memref<400x128xf32, #tpu.memory_space<vmem>>, %arg4: memref<1x128xf32, #tpu.memory_space<vmem>>, %arg5: memref<256x128xf32, #tpu.memory_space<vmem>>, %arg6: memref<1x128xf32, #tpu.memory_space<vmem>>, %arg7: memref<17xi32, #tpu.memory_space<smem>>, %arg8: memref<16x128xf32, #tpu.memory_space<vmem>>) attributes {dimension_semantics = [#tpu.dimension_semantics<arbitrary>], iteration_bounds = array<i64: 25>, scalar_prefetch = 0 : i64, scratch_operands = 0 : i64, tpu.core_type = #tpu.core_type<tc>, window_params = [{transform_indices = @transform_0, window_bounds = array<i64: 400, 128>}, {transform_indices = @transform_1, window_bounds = array<i64: 400, 128>}, {transform_indices = @transform_2, window_bounds = array<i64: 400, 128>}, {pipeline_mode = #tpu.pipeline_mode<synchronous>, transform_indices = @transform_3, window_bounds = array<i64: 1, 128>}, {pipeline_mode = #tpu.pipeline_mode<synchronous>, transform_indices = @transform_4, window_bounds = array<i64: 256, 128>}, {pipeline_mode = #tpu.pipeline_mode<synchronous>, transform_indices = @transform_5, window_bounds = array<i64: 1, 128>}, {transform_indices = @transform_6, window_bounds = array<i64: 17>}, {pipeline_mode = #tpu.pipeline_mode<synchronous>, transform_indices = @transform_7, window_bounds = array<i64: 16, 128>}]} {
    %get3A = arith.constant 0 : index
    %get3A_0 = arith.constant 0 : index
    %get3A_1 = vector.load %arg2[%get3A, %get3A_0] : memref<400x128xf32, #tpu.memory_space<vmem>>, vector<400x128xf32>
    %get3A_2 = arith.constant 0 : index
    %get3A_3 = arith.constant 0 : index
    %get3A_4 = vector.load %arg3[%get3A_2, %get3A_3] : memref<400x128xf32, #tpu.memory_space<vmem>>, vector<400x128xf32>
    %add3A = arith.addf %get3A_1, %get3A_4 : vector<400x128xf32>
    %get3A_5 = arith.constant 0 : index
    %get3A_6 = arith.constant 0 : index
    %get3A_7 = vector.load %arg4[%get3A_5, %get3A_6] : memref<1x128xf32, #tpu.memory_space<vmem>>, vector<1x128xf32>
    %add3A_8 = vector.broadcast %get3A_7 : vector<1x128xf32> to vector<400x128xf32>
    %add3A_9 = arith.addf %add3A, %add3A_8 : vector<400x128xf32>
    %get3A_10 = arith.constant 0 : index
    %get3A_11 = arith.constant 0 : index
    %get3A_12 = vector.load %arg1[%get3A_10, %get3A_11] : memref<400x128xf32, #tpu.memory_space<vmem>>, vector<400x128xf32>
    %concatenate3A = tpu.concatenate %get3A_12, %add3A_9 in 1 : vector<400x128xf32>, vector<400x128xf32> -> vector<400x256xf32>
    %ge3A = arith.constant 0.000000e+00 : f32
    %ge3A_13 = vector.broadcast %ge3A : f32 to vector<400x256xf32>
    %ge3A_14 = arith.cmpf oge, %concatenate3A, %ge3A_13 : vector<400x256xf32>
    %mul3A = arith.constant 0.00999999977 : f32
    %mul3A_15 = vector.broadcast %mul3A : f32 to vector<400x256xf32>
    %mul3A_16 = arith.mulf %concatenate3A, %mul3A_15 : vector<400x256xf32>
    %select_n3A = arith.select %ge3A_14, %concatenate3A, %mul3A_16 : vector<400x256xi1>, vector<400x256xf32>
    %get3A_17 = arith.constant 0 : index
    %get3A_18 = arith.constant 0 : index
    %get3A_19 = vector.load %arg5[%get3A_17, %get3A_18] : memref<256x128xf32, #tpu.memory_space<vmem>>, vector<256x128xf32>
    %dot_general3A = arith.constant dense<0.000000e+00> : vector<400x128xf32>
    %dot_general3A_20 = tpu.matmul %select_n3A, %get3A_19, %dot_general3A {dimension_numbers = #tpu.dot_dimension_numbers<[1], [0], [0], [1], [0, 0, 1, 1], [], []>, transpose_lhs_hint = false} : vector<400x256xf32>, vector<256x128xf32>, vector<400x128xf32> -> vector<400x128xf32>
    %get3A_21 = arith.constant 0 : index
    %get3A_22 = arith.constant 0 : index
    %get3A_23 = vector.load %arg6[%get3A_21, %get3A_22] : memref<1x128xf32, #tpu.memory_space<vmem>>, vector<1x128xf32>
    %add3A_24 = vector.broadcast %get3A_23 : vector<1x128xf32> to vector<400x128xf32>
    %add3A_25 = arith.addf %dot_general3A_20, %add3A_24 : vector<400x128xf32>
    %iota3A = tpu.iota {dimensions = array<i32: 1>} : vector<16x400xi32>
    %mul3A_26 = arith.constant 400 : i32
    %mul3A_27 = arith.muli %arg0, %mul3A_26 : i32
    %add3A_28 = vector.broadcast %mul3A_27 : i32 to vector<16x400xi32>
    %add3A_29 = arith.addi %iota3A, %add3A_28 : vector<16x400xi32>
    %get3A_30 = arith.constant 0 : index
    %get3A_31 = memref.load %arg7[%get3A_30] : memref<17xi32, #tpu.memory_space<smem>>
    %get3A_32 = arith.constant 1 : index
    %get3A_33 = memref.load %arg7[%get3A_32] : memref<17xi32, #tpu.memory_space<smem>>
    %get3A_34 = arith.constant 2 : index
    %get3A_35 = memref.load %arg7[%get3A_34] : memref<17xi32, #tpu.memory_space<smem>>
    %get3A_36 = arith.constant 3 : index
    %get3A_37 = memref.load %arg7[%get3A_36] : memref<17xi32, #tpu.memory_space<smem>>
    %get3A_38 = arith.constant 4 : index
    %get3A_39 = memref.load %arg7[%get3A_38] : memref<17xi32, #tpu.memory_space<smem>>
    %get3A_40 = arith.constant 5 : index
    %get3A_41 = memref.load %arg7[%get3A_40] : memref<17xi32, #tpu.memory_space<smem>>
    %get3A_42 = arith.constant 6 : index
    %get3A_43 = memref.load %arg7[%get3A_42] : memref<17xi32, #tpu.memory_space<smem>>
    %get3A_44 = arith.constant 7 : index
    %get3A_45 = memref.load %arg7[%get3A_44] : memref<17xi32, #tpu.memory_space<smem>>
    %get3A_46 = arith.constant 8 : index
    %get3A_47 = memref.load %arg7[%get3A_46] : memref<17xi32, #tpu.memory_space<smem>>
    %get3A_48 = arith.constant 9 : index
    %get3A_49 = memref.load %arg7[%get3A_48] : memref<17xi32, #tpu.memory_space<smem>>
    %get3A_50 = arith.constant 10 : index
    %get3A_51 = memref.load %arg7[%get3A_50] : memref<17xi32, #tpu.memory_space<smem>>
    %get3A_52 = arith.constant 11 : index
    %get3A_53 = memref.load %arg7[%get3A_52] : memref<17xi32, #tpu.memory_space<smem>>
    %get3A_54 = arith.constant 12 : index
    %get3A_55 = memref.load %arg7[%get3A_54] : memref<17xi32, #tpu.memory_space<smem>>
    %get3A_56 = arith.constant 13 : index
    %get3A_57 = memref.load %arg7[%get3A_56] : memref<17xi32, #tpu.memory_space<smem>>
    %get3A_58 = arith.constant 14 : index
    %get3A_59 = memref.load %arg7[%get3A_58] : memref<17xi32, #tpu.memory_space<smem>>
    %get3A_60 = arith.constant 15 : index
    %get3A_61 = memref.load %arg7[%get3A_60] : memref<17xi32, #tpu.memory_space<smem>>
    %stack3A = vector.broadcast %get3A_31 : i32 to vector<1xi32>
    %stack3A_62 = vector.broadcast %get3A_33 : i32 to vector<1xi32>
    %stack3A_63 = vector.broadcast %get3A_35 : i32 to vector<1xi32>
    %stack3A_64 = vector.broadcast %get3A_37 : i32 to vector<1xi32>
    %stack3A_65 = vector.broadcast %get3A_39 : i32 to vector<1xi32>
    %stack3A_66 = vector.broadcast %get3A_41 : i32 to vector<1xi32>
    %stack3A_67 = vector.broadcast %get3A_43 : i32 to vector<1xi32>
    %stack3A_68 = vector.broadcast %get3A_45 : i32 to vector<1xi32>
    %stack3A_69 = vector.broadcast %get3A_47 : i32 to vector<1xi32>
    %stack3A_70 = vector.broadcast %get3A_49 : i32 to vector<1xi32>
    %stack3A_71 = vector.broadcast %get3A_51 : i32 to vector<1xi32>
    %stack3A_72 = vector.broadcast %get3A_53 : i32 to vector<1xi32>
    %stack3A_73 = vector.broadcast %get3A_55 : i32 to vector<1xi32>
    %stack3A_74 = vector.broadcast %get3A_57 : i32 to vector<1xi32>
    %stack3A_75 = vector.broadcast %get3A_59 : i32 to vector<1xi32>
    %stack3A_76 = vector.broadcast %get3A_61 : i32 to vector<1xi32>
    %stack3A_77 = tpu.concatenate %stack3A, %stack3A_62, %stack3A_63, %stack3A_64, %stack3A_65, %stack3A_66, %stack3A_67, %stack3A_68, %stack3A_69, %stack3A_70, %stack3A_71, %stack3A_72, %stack3A_73, %stack3A_74, %stack3A_75, %stack3A_76 in 0 : vector<1xi32>, vector<1xi32>, vector<1xi32>, vector<1xi32>, vector<1xi32>, vector<1xi32>, vector<1xi32>, vector<1xi32>, vector<1xi32>, vector<1xi32>, vector<1xi32>, vector<1xi32>, vector<1xi32>, vector<1xi32>, vector<1xi32>, vector<1xi32> -> vector<16xi32>
    %get3A_78 = arith.constant 1 : index
    %get3A_79 = memref.load %arg7[%get3A_78] : memref<17xi32, #tpu.memory_space<smem>>
    %get3A_80 = arith.constant 2 : index
    %get3A_81 = memref.load %arg7[%get3A_80] : memref<17xi32, #tpu.memory_space<smem>>
    %get3A_82 = arith.constant 3 : index
    %get3A_83 = memref.load %arg7[%get3A_82] : memref<17xi32, #tpu.memory_space<smem>>
    %get3A_84 = arith.constant 4 : index
    %get3A_85 = memref.load %arg7[%get3A_84] : memref<17xi32, #tpu.memory_space<smem>>
    %get3A_86 = arith.constant 5 : index
    %get3A_87 = memref.load %arg7[%get3A_86] : memref<17xi32, #tpu.memory_space<smem>>
    %get3A_88 = arith.constant 6 : index
    %get3A_89 = memref.load %arg7[%get3A_88] : memref<17xi32, #tpu.memory_space<smem>>
    %get3A_90 = arith.constant 7 : index
    %get3A_91 = memref.load %arg7[%get3A_90] : memref<17xi32, #tpu.memory_space<smem>>
    %get3A_92 = arith.constant 8 : index
    %get3A_93 = memref.load %arg7[%get3A_92] : memref<17xi32, #tpu.memory_space<smem>>
    %get3A_94 = arith.constant 9 : index
    %get3A_95 = memref.load %arg7[%get3A_94] : memref<17xi32, #tpu.memory_space<smem>>
    %get3A_96 = arith.constant 10 : index
    %get3A_97 = memref.load %arg7[%get3A_96] : memref<17xi32, #tpu.memory_space<smem>>
    %get3A_98 = arith.constant 11 : index
    %get3A_99 = memref.load %arg7[%get3A_98] : memref<17xi32, #tpu.memory_space<smem>>
    %get3A_100 = arith.constant 12 : index
    %get3A_101 = memref.load %arg7[%get3A_100] : memref<17xi32, #tpu.memory_space<smem>>
    %get3A_102 = arith.constant 13 : index
    %get3A_103 = memref.load %arg7[%get3A_102] : memref<17xi32, #tpu.memory_space<smem>>
    %get3A_104 = arith.constant 14 : index
    %get3A_105 = memref.load %arg7[%get3A_104] : memref<17xi32, #tpu.memory_space<smem>>
    %get3A_106 = arith.constant 15 : index
    %get3A_107 = memref.load %arg7[%get3A_106] : memref<17xi32, #tpu.memory_space<smem>>
    %get3A_108 = arith.constant 16 : index
    %get3A_109 = memref.load %arg7[%get3A_108] : memref<17xi32, #tpu.memory_space<smem>>
    %stack3A_110 = vector.broadcast %get3A_79 : i32 to vector<1xi32>
    %stack3A_111 = vector.broadcast %get3A_81 : i32 to vector<1xi32>
    %stack3A_112 = vector.broadcast %get3A_83 : i32 to vector<1xi32>
    %stack3A_113 = vector.broadcast %get3A_85 : i32 to vector<1xi32>
    %stack3A_114 = vector.broadcast %get3A_87 : i32 to vector<1xi32>
    %stack3A_115 = vector.broadcast %get3A_89 : i32 to vector<1xi32>
    %stack3A_116 = vector.broadcast %get3A_91 : i32 to vector<1xi32>
    %stack3A_117 = vector.broadcast %get3A_93 : i32 to vector<1xi32>
    %stack3A_118 = vector.broadcast %get3A_95 : i32 to vector<1xi32>
    %stack3A_119 = vector.broadcast %get3A_97 : i32 to vector<1xi32>
    %stack3A_120 = vector.broadcast %get3A_99 : i32 to vector<1xi32>
    %stack3A_121 = vector.broadcast %get3A_101 : i32 to vector<1xi32>
    %stack3A_122 = vector.broadcast %get3A_103 : i32 to vector<1xi32>
    %stack3A_123 = vector.broadcast %get3A_105 : i32 to vector<1xi32>
    %stack3A_124 = vector.broadcast %get3A_107 : i32 to vector<1xi32>
    %stack3A_125 = vector.broadcast %get3A_109 : i32 to vector<1xi32>
    %stack3A_126 = tpu.concatenate %stack3A_110, %stack3A_111, %stack3A_112, %stack3A_113, %stack3A_114, %stack3A_115, %stack3A_116, %stack3A_117, %stack3A_118, %stack3A_119, %stack3A_120, %stack3A_121, %stack3A_122, %stack3A_123, %stack3A_124, %stack3A_125 in 0 : vector<1xi32>, vector<1xi32>, vector<1xi32>, vector<1xi32>, vector<1xi32>, vector<1xi32>, vector<1xi32>, vector<1xi32>, vector<1xi32>, vector<1xi32>, vector<1xi32>, vector<1xi32>, vector<1xi32>, vector<1xi32>, vector<1xi32>, vector<1xi32> -> vector<16xi32>
    %broadcast_in_dim3A = vector.shape_cast %stack3A_77 : vector<16xi32> to vector<16x1xi32>
    %ge3A_127 = vector.broadcast %broadcast_in_dim3A : vector<16x1xi32> to vector<16x400xi32>
    %ge3A_128 = arith.cmpi sge, %add3A_29, %ge3A_127 : vector<16x400xi32>
    %broadcast_in_dim3A_129 = vector.shape_cast %stack3A_126 : vector<16xi32> to vector<16x1xi32>
    %lt3A = vector.broadcast %broadcast_in_dim3A_129 : vector<16x1xi32> to vector<16x400xi32>
    %lt3A_130 = arith.cmpi slt, %add3A_29, %lt3A : vector<16x400xi32>
    %and3A = arith.andi %ge3A_128, %lt3A_130 : vector<16x400xi1>
    %convert_element_type3A = arith.extui %and3A : vector<16x400xi1> to vector<16x400xi32>
    %convert_element_type3A_131 = arith.sitofp %convert_element_type3A : vector<16x400xi32> to vector<16x400xf32>
    %dot_general3A_132 = arith.constant dense<0.000000e+00> : vector<16x128xf32>
    %dot_general3A_133 = tpu.matmul %convert_element_type3A_131, %add3A_25, %dot_general3A_132 {dimension_numbers = #tpu.dot_dimension_numbers<[1], [0], [0], [1], [0, 0, 1, 1], [], []>, transpose_lhs_hint = false} : vector<16x400xf32>, vector<400x128xf32>, vector<16x128xf32> -> vector<16x128xf32>
    %eq3A = arith.constant 0 : i32
    %eq3A_134 = arith.cmpi eq, %arg0, %eq3A : i32
    %convert_element_type3A_135 = arith.extui %eq3A_134 : i1 to i32
    %cond3A = arith.constant 0 : i32
    %cond3A_136 = arith.cmpi ne, %convert_element_type3A_135, %cond3A : i32
    scf.if %cond3A_136 {
      %broadcast_in_dim3A_148 = arith.constant 0.000000e+00 : f32
      %broadcast_in_dim3A_149 = vector.broadcast %broadcast_in_dim3A_148 : f32 to vector<16x128xf32>
      %swap3A_150 = arith.constant 0 : index
      %swap3A_151 = arith.constant 0 : index
      %swap3A_152 = vector.load %arg8[%swap3A_150, %swap3A_151] : memref<16x128xf32, #tpu.memory_space<vmem>>, vector<16x128xf32>
      tpu.vector_store %arg8[%swap3A_150, %swap3A_151], %broadcast_in_dim3A_149 {strides = array<i32>} : memref<16x128xf32, #tpu.memory_space<vmem>>, vector<16x128xf32>,
    } else {
    }
    %get3A_137 = arith.constant 0 : index
    %get3A_138 = arith.constant 0 : index
    %get3A_139 = vector.load %arg8[%get3A_137, %get3A_138] : memref<16x128xf32, #tpu.memory_space<vmem>>, vector<16x128xf32>
    %add3A_140 = arith.addf %get3A_139, %dot_general3A_133 : vector<16x128xf32>
    %swap3A = arith.constant 0 : index
    %swap3A_141 = arith.constant 0 : index
    %swap3A_142 = vector.load %arg8[%swap3A, %swap3A_141] : memref<16x128xf32, #tpu.memory_space<vmem>>, vector<16x128xf32>
    tpu.vector_store %arg8[%swap3A, %swap3A_141], %add3A_140 {strides = array<i32>} : memref<16x128xf32, #tpu.memory_space<vmem>>, vector<16x128xf32>,
    %eq3A_143 = arith.constant 24 : i32
    %eq3A_144 = arith.cmpi eq, %arg0, %eq3A_143 : i32
    %convert_element_type3A_145 = arith.extui %eq3A_144 : i1 to i32
    %cond3A_146 = arith.constant 0 : i32
    %cond3A_147 = arith.cmpi ne, %convert_element_type3A_145, %cond3A_146 : i32
    scf.if %cond3A_147 {
      %sub3A = arith.subi %stack3A_126, %stack3A_77 : vector<16xi32>
      %convert_element_type3A_148 = arith.sitofp %sub3A : vector<16xi32> to vector<16xf32>
      %max3A = arith.constant 1.000000e+00 : f32
      %max3A_149 = vector.broadcast %max3A : f32 to vector<16xf32>
      %max3A_150 = arith.maximumf %convert_element_type3A_148, %max3A_149 : vector<16xf32>
      %get3A_151 = arith.constant 0 : index
      %get3A_152 = arith.constant 0 : index
      %get3A_153 = vector.load %arg8[%get3A_151, %get3A_152] : memref<16x128xf32, #tpu.memory_space<vmem>>, vector<16x128xf32>
      %broadcast_in_dim3A_154 = vector.shape_cast %max3A_150 : vector<16xf32> to vector<16x1xf32>
      %div3A = vector.broadcast %broadcast_in_dim3A_154 : vector<16x1xf32> to vector<16x128xf32>
      %div3A_155 = arith.divf %get3A_153, %div3A : vector<16x128xf32>
      %swap3A_156 = arith.constant 0 : index
      %swap3A_157 = arith.constant 0 : index
      %swap3A_158 = vector.load %arg8[%swap3A_156, %swap3A_157] : memref<16x128xf32, #tpu.memory_space<vmem>>, vector<16x128xf32>
      tpu.vector_store %arg8[%swap3A_156, %swap3A_157], %div3A_155 {strides = array<i32>} : memref<16x128xf32, #tpu.memory_space<vmem>>, vector<16x128xf32>,
    } else {
    }
    return
  }
  func.func @transform_0(%arg0: i32) -> (i32, i32) {
    %c0_i32 = arith.constant 0 : i32
    %c0_i32_0 = arith.constant 0 : i32
    return %arg0, %c0_i32 : i32, i32
  }
  func.func @transform_1(%arg0: i32) -> (i32, i32) {
    %c0_i32 = arith.constant 0 : i32
    %c0_i32_0 = arith.constant 0 : i32
    return %arg0, %c0_i32 : i32, i32
  }
  func.func @transform_2(%arg0: i32) -> (i32, i32) {
    %c0_i32 = arith.constant 0 : i32
    %c0_i32_0 = arith.constant 0 : i32
    return %arg0, %c0_i32 : i32, i32
  }
  func.func @transform_3(%arg0: i32) -> (i32, i32) {
    %c0_i32 = arith.constant 0 : i32
    %c0_i32_0 = arith.constant 0 : i32
    %c0_i32_1 = arith.constant 0 : i32
    return %c0_i32, %c0_i32_0 : i32, i32
  }
  func.func @transform_4(%arg0: i32) -> (i32, i32) {
    %c0_i32 = arith.constant 0 : i32
    %c0_i32_0 = arith.constant 0 : i32
    %c0_i32_1 = arith.constant 0 : i32
    return %c0_i32, %c0_i32_0 : i32, i32
  }
  func.func @transform_5(%arg0: i32) -> (i32, i32) {
    %c0_i32 = arith.constant 0 : i32
    %c0_i32_0 = arith.constant 0 : i32
    %c0_i32_1 = arith.constant 0 : i32
    return %c0_i32, %c0_i32_0 : i32, i32
  }
  func.func @transform_6(%arg0: i32) -> i32 {
    %c0_i32 = arith.constant 0 : i32
    %c0_i32_0 = arith.constant 0 : i32
    return %c0_i32 : i32
  }
  func.func @transform_7(%arg0: i32) -> (i32, i32) {
    %c0_i32 = arith.constant 0 : i32
    %c0_i32_0 = arith.constant 0 : i32
    %c0_i32_1 = arith.constant 0 : i32
    return %c0_i32, %c0_i32_0 : i32, i32
  }
}

</mosaic_0001>

<sc_bundles>
// kernel: kernel.11.cloned.1.call-start
scs
__scs_entry_jumppad:
0x0: {  	(pc) =	sbr.rel $0x88, $3  }
0x1: {  	(tag) =	ssettag $0x0;
	lr =	simm.s32 $0x1  }
0x2: {  	[smem:$0x3F92] =	sst lr;
	_ =	strace $0xD0000000  }
0x3: {  	_ = 	snop  }
0x4: {  	_ = 	snop  }
0x5: {  	_ = 	snop  }
0x6: {  	_ = 	snop  }
0x7: {  	_ = 	snop  }
__scs_overlays_trampoline_lowered:
0x8: {  	[smem:$0x3FA1] =	sst s0  }
0x9: {  	[smem:$0x3FA2] =	sst s1  }
0xa: {  	[smem:$0x3FA3] =	sst s2  }
0xb: {  	[smem:$0x3FA4] =	sst s3  }
0xc: {  	[smem:$0x3FA5] =	sst s4  }
0xd: {  	[smem:$0x3FA6] =	sst s5  }
0xe: {  	[smem:$0x3FA7] =	sst s6  }
0xf: {  	[smem:$0x3FA8] =	sst s7  }
0x10: {  	[smem:$0x3FA9] =	sst s8  }
0x11: {  	[smem:$0x3FAA] =	sst s9;
	s0 =	simm.s32 @!p0 $0x0  }
0x12: {  	s1 =	sld [smem:$0x3F90];
	s0 =	simm.s32 @p0 $0x1  }
0x13: {  	[smem:$0x3FAB] =	sst s0;
	s0 =	simm.s32 @!p1 $0x0  }
0x14: {  	s2 =	sld [smem:$0x3F8F];
	s0 =	simm.s32 @p1 $0x1  }
0x15: {  	[smem:$0x3FAC] =	sst s0;
	s0 =	simm.s32 @!p2 $0x0  }
0x16: {  	s3 =	sld [smem:$0x3FDB];
	s0 =	simm.s32 @p2 $0x1  }
0x17: {  	s4 =	simm.s32 $0x1BF5;
	[smem:$0x3FAE] =	sst s0  }
0x18: {  	s0 =	sld [smem:$0x3F91];
	_ =	swait.ge [sflag:s4], $0x0  }
0x19: {  	s7 =	sld [smem:$0x3F92]  }
0x1a: {  	s8 =	sadd.s32 $0xFFFFE003, lr  }
0x1b: {  	s9 =	sadd.s32 $0xFFFFFEF7, lr;
	s5 =	simm.s32 $0xFFFFFFFF;
	p2 =	slt.u32 s8, $0xFFFFF086  }
0x1c: {  	p1 =	slt.u32 s9, $0xF7A;
	s5 =	simm.s32 @!p2 $0x0  }
0x1d: {  	s5 =	simm.s32 @p1 $0x1;
	p0 =	seq.s32 s7, s2  }
0x1e: {  	s7 =	smul.u32 @!p0 $0xF7A, s2;
	p2 =	seq.s32 @!p0 s5, $0x0  }
0x1f: {  	s9 =	smul.u32 $0xF7A, s1;
	s8 =	simm.s32 @!p0 $0x1BF5;
	p2 =	por !p2, p0  }
0x20: {  	[sflag:s8] =	ssyncset.s32 @!p0 $0xFFFFF086;
	s6 =	sadd.s32 @!p0 s3, s7;
	s7 =	simm.s32 @!p0 $0x108  }
0x21: {  	s3 =	sadd.s32 s3, s9;
	s6 =	sadd.s32 @!p0 $0x88, s6;
	s7 =	simm.s32 @p2 $0x1082  }
0x22: {  	[simem:s7], [sflag:s8] =	dma.local @!p0 [hbm:s6], $0xF7A  }
0x23: {  	s9 =	sor.u32 $0xD0000000, s2;
	s6 =	simm.s32 $0x108;
	_ =	swait.ge @!p0 [sflag:s8], $0x0  }
0x24: {  	s3 =	sadd.s32 $0x88, s3;
	s6 =	simm.s32 @!p1 $0x1082;
	[sflag:s4] =	ssyncset.s32 $0xFFFFF086  }
0x25: {  	[simem:s6], [sflag:s4] =	dma.local [hbm:s3], $0xF7A  }
0x26: {  	[smem:$0x3F92] =	sst s1;
	(tag) =	ssettag s2;
	_ =	strace s9  }
0x27: {  	s1 =	sld [smem:$0x3FA2]  }
0x28: {  	s2 =	sld [smem:$0x3FA3]  }
0x29: {  	s4 =	sld [smem:$0x3FA5]  }
0x2a: {  	p0 =	seq.s32 s5, $0x0;
	s5 =	sld [smem:$0x3FA6]  }
0x2b: {  	s6 =	sld [smem:$0x3FA7]  }
0x2c: {  	s7 =	sld [smem:$0x3FA8]  }
0x2d: {  	s3 =	simm.s32 $0x108;
	s8 =	sld [smem:$0x3FA9]  }
0x2e: {  	s3 =	simm.s32 @!p0 $0x1082;
	s9 =	sld [smem:$0x3FAA]  }
0x2f: {  	lr =	sadd.s32 s0, s3;
	s0 =	sld [smem:$0x3FA1]  }
0x30: {  	s3 =	sld [smem:$0x3FA4]  }
0x31: {  	[smem:$0x3FAD] =	sst s10  }
0x32: {  	s10 =	sld [smem:$0x3FAB];
	_ =	sdelay $0x3  }
0x33: {  	p0 =	seq.s32 s10, $0x1;
	s10 =	sld [smem:$0x3FAD];
	_ =	sdelay $0x3  }
0x34: {  	[smem:$0x3FAD] =	sst s10  }
0x35: {  	s10 =	sld [smem:$0x3FAC];
	_ =	sdelay $0x3  }
0x36: {  	p1 =	seq.s32 s10, $0x1;
	s10 =	sld [smem:$0x3FAD];
	_ =	sdelay $0x3  }
0x37: {  	[smem:$0x3FAD] =	sst s10  }
0x38: {  	s10 =	sld [smem:$0x3FAE]  }
0x39: {  	_ = 	snop;
	(pc) =	sbr.ind lr, $3  }
0x3a: {  	_ = 	snop  }
0x3b: {  	_ = 	snop  }
0x3c: {  	p2 =	seq.s32 s10, $0x1;
	s10 =	sld [smem:$0x3FAD]  }
0x3d: {  	_ =	shalt  }
0x3e: {  	_ =	shalt  }
0x3f: {  	_ =	shalt  }
0x40: {  	_ =	shalt  }
0x41: {  	_ =	shalt  }
0x42: {  	_ =	shalt  }
0x43: {  	_ =	shalt  }
0x44: {  	_ =	shalt  }
0x45: {  	_ =	shalt  }
0x46: {  	_ =	shalt  }
0x47: {  	_ =	shalt  }
0x48: {  	_ =	shalt  }
0x49: {  	_ =	shalt  }
0x4a: {  	_ =	shalt  }
0x4b: {  	_ =	shalt  }
0x4c: {  	_ =	shalt  }
0x4d: {  	_ =	shalt  }
0x4e: {  	_ =	shalt  }
0x4f: {  	_ =	shalt  }
0x50: {  	_ =	shalt  }
0x51: {  	_ =	shalt  }
0x52: {  	_ =	shalt  }
0x53: {  	_ =	shalt  }
0x54: {  	_ =	shalt  }
0x55: {  	_ =	shalt  }
0x56: {  	_ =	shalt  }
0x57: {  	_ =	shalt  }
0x58: {  	_ =	shalt  }
0x59: {  	_ =	shalt  }
0x5a: {  	_ =	shalt  }
0x5b: {  	_ =	shalt  }
0x5c: {  	_ =	shalt  }
0x5d: {  	_ =	shalt  }
0x5e: {  	_ =	shalt  }
0x5f: {  	_ =	shalt  }
0x60: {  	_ =	shalt  }
0x61: {  	_ =	shalt  }
0x62: {  	_ =	shalt  }
0x63: {  	_ =	shalt  }
0x64: {  	_ =	shalt  }
0x65: {  	_ =	shalt  }
0x66: {  	_ =	shalt  }
0x67: {  	_ =	shalt  }
0x68: {  	_ =	shalt  }
0x69: {  	_ =	shalt  }
0x6a: {  	_ =	shalt  }
0x6b: {  	_ =	shalt  }
0x6c: {  	_ =	shalt  }
0x6d: {  	_ =	shalt  }
0x6e: {  	_ =	shalt  }
0x6f: {  	_ =	shalt  }
0x70: {  	_ =	shalt  }
0x71: {  	_ =	shalt  }
0x72: {  	_ =	shalt  }
0x73: {  	_ =	shalt  }
0x74: {  	_ =	shalt  }
0x75: {  	_ =	shalt  }
0x76: {  	_ =	shalt  }
0x77: {  	_ =	shalt  }
0x78: {  	_ =	shalt  }
0x79: {  	_ =	shalt  }
0x7a: {  	_ =	shalt  }
0x7b: {  	_ =	shalt  }
0x7c: {  	_ =	shalt  }
0x7d: {  	_ =	shalt  }
0x7e: {  	_ =	shalt  }
0x7f: {  	_ =	shalt  }
0x80: {  	_ =	shalt  }
0x81: {  	_ =	shalt  }
0x82: {  	_ =	shalt  }
0x83: {  	_ =	shalt  }
0x84: {  	_ =	shalt  }
0x85: {  	_ =	shalt  }
0x86: {  	_ =	shalt  }
0x87: {  	_ =	shalt  }
.Lfunc_end0:
.L_simem_size_0:
called_computation.1_lowered:
.L_overlay_start_0:
0x88: {  	s2 =	sld [smem:$0x3FD9]  }
0x89: {  	s3 =	sld [smem:$0x3FFE];
	_ =	sdelay $0x1  }
0x8a: {  	s1 =	srdreg.scid  }
0x8b: {  	s0 =	sand.u32 $0x1, s1  }
0x8c: {  	s14 =	sshll.u32 s0, $0xA;
	s2 =	sadd.s32 s3, s2  }
0x8d: {  	s2 =	sadd.s32 s2, s14  }
0x8e: {  	[smem:$0x3FB9] =	sst s2  }
0x8f: {  	_ = 	snop  }
0x90: {  	s2 =	sld [smem:$0x3FD0];
	_ =	sdelay $0x2  }
0x91: {  	s15 =	simm.s32 $0xA;
	s4 =	simm.s32 $0x10  }
0x92: {  	[smem:s4], [sflag:s15] =	dma.local [hbm:s2], $0x1  }
0x93: {  	_ =	swait.eq [sflag:s15], $0x1  }
0x94: {  	[sflag:s15] =	ssyncset.done $0x0  }
0x95: {  	[sflag:s15] =	ssyncadd.s32 $0xFFFFFFFF  }
0x96: {  	s16 =	sld [smem:$0x11];
	(tm) =	ssettm $0x1  }
0x97: {  	s17 =	sld [smem:$0x3FFB];
	_ =	sdelay $0x3  }
0x98: {  	_ =	strace s17  }
0x99: {  	s3 =	sld [smem:$0x3FFC];
	_ =	sdelay $0x3  }
0x9a: {  	_ =	strace s3  }
0x9b: {  	s3 =	sld [smem:$0x3FFD];
	_ =	sdelay $0x3  }
0x9c: {  	_ =	strace s3  }
0x9d: {  	_ =	strace $0x8FFFFFFF  }
0x9e: {  	s18 =	sld [smem:$0x3FDB];
	_ =	sdelay $0x1  }
0x9f: {  	s19 =	simm.s32 $_scs_section_size  }
0xa0: {  	s5 =	simm.s32 $_size__tile_overlayer_lowered;
	s6 =	simm.s32 $_tile_overlayer_lowered  }
0xa1: {  	s22 =	simm.s32 $0x1BFF;
	s21 =	sshll.u32 s6, $0x1;
	s3 =	sadd.s32 s19, s18  }
0xa2: {  	s7 =	simm.s32 $0x0;
	s20 =	sshll.u32 s5, $0x1;
	s5 =	sadd.s32 s21, s3  }
0xa3: {  	[timem:s7], [sflag:s22] =	dma.local [hbm:s5], s20  }
0xa4: {  	_ =	swait.ge [sflag:s22], s20  }
0xa5: {  	s4 =	ssub.s32 $0x0, s20;
	[sflag:s22] =	ssyncset.done $0x0  }
0xa6: {  	[sflag:s22] =	ssyncadd.s32 s4;
	_ =	sdelay $0x1  }
0xa7: {  	s23 =	simm.s32 $0x1B8B  }
0xa8: {  	_ =	swait.ge [sflag:s23], $0x1  }
0xa9: {  	[sflag:s23] =	ssyncset.done $0x0  }
0xaa: {  	s25 =	simm.s32 $0x1B8E;
	s24 =	sld [smem:$0x3FFE];
	[sflag:s23] =	ssyncadd.s32 $0xFFFFFFFF  }
0xab: {  	s26 =	simm.s32 $execute0_lowered;
	[smem:$0x3FD2] =	sst s25  }
0xac: {  	s5 =	sshll.u32 s26, $0x1;
	_ =	strace $0x80000049;
	[dreg:$0x1] =	wrdreg $0xFFFFFFFF  }
0xad: {  	s28 =	simm.s32 $_size_execute0_lowered;
	s3 =	sadd.s32 s3, s5;
	[dreg:$0x0] =	wrdreg $0x0  }
0xae: {  	s5 =	sshll.u32 s28, $0x1;
	[dreg:$0x2] =	wrdreg s3  }
0xaf: {  	[dreg:$0x3] =	wrdreg s5  }
0xb0: {  	[dreg:$0x4] =	wrdreg $0xC0  }
0xb1: {  	_ =	task [dreg:s7], $0x5FFFF  }
0xb2: {  	[dreg:$0x1] =	wrdreg $0xFFFFFFFF  }
0xb3: {  	[dreg:$0x0] =	wrdreg $0x60  }
0xb4: {  	[dreg:$0x2] =	wrdreg s24  }
0xb5: {  	[dreg:$0x3] =	wrdreg s16  }
0xb6: {  	[dreg:$0x4] =	wrdreg $0x9  }
0xb7: {  	_ =	task.clear_ibuf [dreg:s7], $0x5FFFF;
	_ =	strace $0x90000049  }
0xb8: {  	s29 =	simm.s32 $0x9;
	_ =	strace $0x8000004B  }
0xb9: {  	_ =	swait.ge [sflag:s29], $0x1  }
0xba: {  	[sflag:s29] =	ssyncadd.s32 $0xFFFFFFFF  }
0xbb: {  	_ =	strace $0x9000004B  }
0xbc: {  	_ =	sfence  }
0xbd: {  	s30 =	sld [smem:$0x0];
	_ =	sdelay $0x2  }
0xbe: {  	s31 =	sshll.u32 s1, $0xD;
	s1 =	sshrl.u32 s1, $0x2  }
0xbf: {  	s3 =	sand.u32 $0x4000, s31;
	s1 =	sadd.s32 s1, s30  }
0xc0: {  	s0 =	sor.u32 s3, s0;
	s1 =	sshll.u32 s1, $0x11  }
0xc1: {  	s0 =	sor.u32 s1, s0  }
0xc2: {  	s0 =	sadd.s32 $0x8F2B, s0  }
0xc3: {  	[sflag:s0] =	ssyncadd.remote.s32 $0x1  }
0xc4: {  	_ =	sfence.sel $0xFFFF  }
0xc5: {  	[dreg:$0x0] =	wrdreg $0xFFFFFFFF;
	(pc) =	sbr.abs _section_cstart, $3  }
0xc6: {  	[dreg:$0x1] =	wrdreg $0xFFFFFFFF  }
0xc7: {  	_ =	task.clear_ibuf [dreg:s7], $0x2FFFF;
	_ =	strace $0x9FFFFFFF  }
0xc8: {  	(tm) =	ssettm $0x7FFFFFFF  }
0xc9: {  	_ =	shalt  }
tec
execute0_lowered:
.L_overlay_start_1:
0x0: {  	(tag) =	ssettag $0x1  }
0x1: {  	s7 =	rddreg [dreg:$0x0]  }
0x2: {  	s1 =	rddreg [dreg:$0x1]  }
0x3: {  	s0 =	rddreg [dreg:$0x2]  }
0x4: {  	s2 =	simm.s32 $0x0;
	s3 =	srdreg.scid;
	s12 =	simm.s32 $0x7F00  }
0x5: {  	s13 =	simm.s32 $0x0;
	[smem:$0x7FF] =	sst s2;
	s4 =	sadd.s32 $0x5000, s7  }
0x6: {  	s8 =	sand.u32 $0x1, s3;
	s5 =	sadd.s32 $0x1AA00, s7;
	s3 =	stileid.u32  }
0x7: {  	s6 =	sadd.s32 $0x38000, s7;
	s7 =	sadd.s32 $0x51A000, s7;
	s9 =	ssub.s32 $0x2, s8  }
0x8: {  	_ =	strace $0x8000004A;
	s11 =	sshll.u32 s3, $0x1;
	s10 =	sshrl.u32 s9, $0x1  }
0x9: {  	s8 =	sor.u32 s8, s11;
	s11 =	simm.s32 $0x7A00;
	s9 =	ssub.s32 s9, s10  }
0xa: {  	v0 =	vlaneseq.u32;
	s8 =	smul.u32 $0x2710, s8;
	s10 =	simm.s32 $0x1;
	s9 =	smax.u32 s9, $0x1  }
.LBB2_1:
0xb: {  	[tilespmem:s2], [sflag:$0x1] =	stream.linear.gather [hbm4b:s1+s2], $0x7800, $0x38;
	[tilespmem:$0x14700] =	vst v63  }
0xc: {  	_ =	swait.ge [sflag:s10], $0x7800  }
0xd: {  	[sflag:s10] =	ssyncset.done $0x0  }
0xe: {  	s14 =	simm.s32 $0x0;
	[sflag:s10] =	ssyncadd.s32 $0xFFFF8800  }
.LBB2_2:
0xf: {  	s15 =	smul.u32 $0x190, s14;
	_ =	sdelay $0x1  }
0x10: {  	s15 =	sadd.s32 s8, s15  }
0x11: {  	s18 =	simm.s32 $0x0;
	s16 =	sshrl.u32 s15, $0x3  }
0x12: {  	s17 =	simm.s32 $0x7800;
	s31 =	smul.u32 $0x3, s15;
	s16 =	sadd.s32 s4, s16  }
0x13: {  	[tilespmem:s17], [sflag:$0x1] =	stream.linear.gather [hbm4b:s16+s18], $0x190, $0x38;
	[tilespmem:$0x14700] =	vst v63  }
0x14: {  	_ =	swait.ge [sflag:s10], $0x190  }
0x15: {  	s16 =	sshrl.u32 s31, $0x3;
	[sflag:s10] =	ssyncset.done $0x0  }
0x16: {  	s19 =	sadd.s32 s5, s16;
	[sflag:s10] =	ssyncadd.s32 $0xFFFFFE70  }
0x17: {  	[tilespmem:s11], [sflag:$0x1] =	stream.linear.gather [hbm4b:s19+s18], $0x4B0, $0x38;
	[tilespmem:$0x14700] =	vst v63  }
0x18: {  	_ =	swait.ge [sflag:s10], $0x4B0  }
0x19: {  	[sflag:s10] =	ssyncset.done $0x0  }
0x1a: {  	[sflag:s10] =	ssyncadd.s32 $0xFFFFFB50  }
0x1b: {  	v1 =	vld [tilespmem:s17+$0x0];
	_ =	sdelay $0x2  }
0x1c: {  	v2 =	vor.u32 s18, v0  }
0x1d: {  	v3 =	vmul.u32 $0x3, v2  }
0x1e: {  	v4 =	vmul.u32 $0x3, v1;
	_ =	sdelay $0x4  }
0x1f: {  	v1 =	vld.idx.msk [tilespmem:v3+s11+$0x0], $0xffff  }
0x20: {  	v5 =	vld.idx.msk [tilespmem:v4+s2+$0x0], $0xffff;
	_ =	sdelay $0x3  }
0x21: {  	v2 =	vshll.u32 v2, $0x7  }
0x22: {  	v1 =	vmul.f32 v5, v1;
	v5 =	vadd.s32 $0x1, v3  }
0x23: {  	v6 =	vadd.s32 $0x1, v4  }
0x24: {  	v7 =	vmul.f32 $3.000000000e+00, v1  }
0x25: {  	[tilespmem:v3+s11+$0x0] =	vst.idx.msk $0xffff, v1  }
0x26: {  	[tilespmem:v2+s12+$0x0] =	vst.idx.msk $0xffff, v7  }
0x27: {  	v1 =	vld.idx.msk [tilespmem:v5+s11+$0x0], $0xffff  }
0x28: {  	v6 =	vld.idx.msk [tilespmem:v6+s2+$0x0], $0xffff;
	_ =	sdelay $0x3  }
0x29: {  	v63 =	vor.u32 $0x1, v2  }
0x2a: {  	v6 =	vmul.f32 v6, v1;
	v1 =	vadd.s32 $0x2, v3  }
0x2b: {  	v3 =	vadd.s32 $0x2, v4  }
0x2c: {  	v4 =	vmul.f32 $3.000000000e+00, v6  }
0x2d: {  	[tilespmem:v5+s11+$0x0] =	vst.idx.msk $0xffff, v6  }
0x2e: {  	[tilespmem:v63+s12+$0x0] =	vst.idx.msk $0xffff, v4  }
0x2f: {  	v4 =	vld.idx.msk [tilespmem:v1+s11+$0x0], $0xffff  }
0x30: {  	v3 =	vld.idx.msk [tilespmem:v3+s2+$0x0], $0xffff;
	_ =	sdelay $0x4  }
0x31: {  	s18 =	simm.s32 $0x10;
	v2 =	vor.u32 $0x2, v2;
	v3 =	vmul.f32 v3, v4  }
.LBB2_3:
0x32: {  	p0 =	sne.s32 s18, $0x180  }
0x33: {  	s17 =	sadd.s32 $0x10, s17;
	s19 =	smov.u32 s18;
	s18 =	sadd.s32 $0x10, s18  }
0x34: {  	[tilespmem:v1+s11+$0x0] =	vst.idx.msk $0xffff, v3;
	v1 =	vmul.f32 $3.000000000e+00, v3;
	_ =	sdelay $0x1  }
0x35: {  	[tilespmem:v2+s12+$0x0] =	vst.idx.msk $0xffff, v1  }
0x36: {  	v1 =	vld [tilespmem:s17+$0x0];
	_ =	sdelay $0x2  }
0x37: {  	v2 =	vor.u32 s19, v0  }
0x38: {  	v3 =	vmul.u32 $0x3, v2  }
0x39: {  	v4 =	vmul.u32 $0x3, v1;
	_ =	sdelay $0x4  }
0x3a: {  	v1 =	vld.idx.msk [tilespmem:v3+s11+$0x0], $0xffff  }
0x3b: {  	v5 =	vld.idx.msk [tilespmem:v4+s2+$0x0], $0xffff;
	_ =	sdelay $0x4  }
0x3c: {  	v2 =	vshll.u32 v2, $0x7  }
0x3d: {  	v1 =	vmul.f32 v5, v1;
	v5 =	vadd.s32 $0x1, v3  }
0x3e: {  	v6 =	vadd.s32 $0x1, v4  }
0x3f: {  	v7 =	vmul.f32 $3.000000000e+00, v1  }
0x40: {  	[tilespmem:v3+s11+$0x0] =	vst.idx.msk $0xffff, v1  }
0x41: {  	[tilespmem:v2+s12+$0x0] =	vst.idx.msk $0xffff, v7  }
0x42: {  	v1 =	vld.idx.msk [tilespmem:v5+s11+$0x0], $0xffff  }
0x43: {  	v6 =	vld.idx.msk [tilespmem:v6+s2+$0x0], $0xffff;
	_ =	sdelay $0x4  }
0x44: {  	v7 =	vor.u32 $0x1, v2  }
0x45: {  	v6 =	vmul.f32 v6, v1;
	v1 =	vadd.s32 $0x2, v3;
	v3 =	vadd.s32 $0x2, v4;
	_ =	sdelay $0x1  }
0x46: {  	v4 =	vmul.f32 $3.000000000e+00, v6;
	[tilespmem:v5+s11+$0x0] =	vst.idx.msk $0xffff, v6;
	_ =	sdelay $0x1  }
0x47: {  	[tilespmem:v7+s12+$0x0] =	vst.idx.msk $0xffff, v4  }
0x48: {  	v4 =	vld.idx.msk [tilespmem:v1+s11+$0x0], $0xffff  }
0x49: {  	v3 =	vld.idx.msk [tilespmem:v3+s2+$0x0], $0xffff;
	_ =	sdelay $0x1  }
.Ltmp0:
0x4a: {  	(pc) =	sbr.rel @p0 .LBB2_3-.Ltmp0, $3  }
0x4b: {  	_ = 	snop  }
0x4c: {  	v2 =	vor.u32 $0x2, v2;
	_ =	sdelay $0x1  }
0x4d: {  	v3 =	vmul.f32 v3, v4  }
0x4e: {  	_ =	sdelay $0x2  }
0x4f: {  	v4 =	vmul.f32 $3.000000000e+00, v3  }
0x50: {  	s15 =	sshll.u32 s15, $0x4;
	[tilespmem:v1+s11+$0x0] =	vst.idx.msk $0xffff, v3  }
0x51: {  	s15 =	sadd.s32 s6, s15;
	[tilespmem:v2+s12+$0x0] =	vst.idx.msk $0xffff, v4  }
0x52: {  	[hbm4b:s15+s2] =	stream.linear.scatter [tilespmem:s12], [sflag:$0x1], $0xC800, $0x38;
	[tilespmem:$0x14700] =	vst v63  }
0x53: {  	s14 =	sadd.s32 $0x1, s14;
	_ =	swait.ge [sflag:s10], $0xC800  }
0x54: {  	p0 =	sne.s32 s14, $0x19;
	[sflag:s10] =	ssyncset.done $0x0  }
.Ltmp1:
0x55: {  	s31 =	sadd.s32 s7, s16;
	[sflag:s10] =	ssyncadd.s32 $0xFFFF3800;
	(pc) =	sbr.rel @p0 .LBB2_2-.Ltmp1, $4  }
0x56: {  	[hbm4b:s31+s2] =	stream.linear.scatter [tilespmem:s11], [sflag:$0x1], $0x4B0, $0x38;
	[tilespmem:$0x14700] =	vst v63  }
0x57: {  	_ =	swait.ge [sflag:s10], $0x4B0  }
0x58: {  	[sflag:s10] =	ssyncset.done $0x0  }
0x59: {  	[sflag:s10] =	ssyncadd.s32 $0xFFFFFB50  }
0x5a: {  	s13 =	sadd.s32 $0x1, s13  }
0x5b: {  	p0 =	sne.s32 s13, s9  }
.Ltmp2:
0x5c: {  	_ = 	snop;
	(pc) =	sbr.rel @p0 .LBB2_1-.Ltmp2, $1  }
0x5d: {  	_ =	sdelay $0x3  }
0x5e: {  	_ =	sfence.sel $0x180000  }
0x5f: {  	[bflag:$0x0] =	sbarrier.arrive $0xFFFF  }
0x60: {  	p0 =	sne.s32 s3, $0x0;
	_ =	strace $0x9000004A  }
0x61: {  	s0 =	sadd.s32 @!p0 $0x100000, s0;
	[bflag:$0x2] =	sbarrier.arrive $0xFFFF  }
0x62: {  	[sflag:s0] =	ssyncadd.tile.s32 @!p0 $0x1;
	_ =	shalt  }
.Lfunc_end2:
_tile_overlayer_lowered:
.L_overlay_start_2:
0x63: {  	(tag) =	ssettag $0x2  }
0x64: {  	s0 =	rddreg [dreg:$0x0];
	s2 =	stileid.u32  }
0x65: {  	s1 =	rddreg [dreg:$0x1];
	p0 =	sne.s32 s2, $0x0  }
0x66: {  	s3 =	rddreg [dreg:$0x2];
	[bflag:$0x3] =	sbarrier.arrive $0xFFFF;
	s2 =	simm.s32 @!p0 $0x1C01  }
0x67: {  	[timem:s3], [sflag:s2] =	dma.local @!p0 [hbm:s0], s1  }
0x68: {  	s0 =	simm.s32 @!p0 $0x1  }
0x69: {  	_ =	swait.ge @!p0 [sflag:s0], s1  }
0x6a: {  	s1 =	ssub.s32 @!p0 $0x0, s1;
	[sflag:s0] =	ssyncset.done @!p0 $0x0  }
0x6b: {  	[sflag:s0] =	ssyncadd.s32 @!p0 s1  }
0x6c: {  	[bflag:$0x3] =	sbarrier.arrive $0xFFFF  }
0x6d: {  	_ =	shalt  }

// kernel: kernel.14.cloned.1.call-start
scs
__scs_entry_jumppad:
0x0: {  	(pc) =	sbr.rel $0x88, $3  }
0x1: {  	(tag) =	ssettag $0x0;
	lr =	simm.s32 $0x1  }
0x2: {  	[smem:$0x3F92] =	sst lr;
	_ =	strace $0xD0000000  }
0x3: {  	_ = 	snop  }
0x4: {  	_ = 	snop  }
0x5: {  	_ = 	snop  }
0x6: {  	_ = 	snop  }
0x7: {  	_ = 	snop  }
__scs_overlays_trampoline_lowered:
0x8: {  	[smem:$0x3FA1] =	sst s0  }
0x9: {  	[smem:$0x3FA2] =	sst s1  }
0xa: {  	[smem:$0x3FA3] =	sst s2  }
0xb: {  	[smem:$0x3FA4] =	sst s3  }
0xc: {  	[smem:$0x3FA5] =	sst s4  }
0xd: {  	[smem:$0x3FA6] =	sst s5  }
0xe: {  	[smem:$0x3FA7] =	sst s6  }
0xf: {  	[smem:$0x3FA8] =	sst s7  }
0x10: {  	[smem:$0x3FA9] =	sst s8  }
0x11: {  	[smem:$0x3FAA] =	sst s9;
	s0 =	simm.s32 @!p0 $0x0  }
0x12: {  	s1 =	sld [smem:$0x3F90];
	s0 =	simm.s32 @p0 $0x1  }
0x13: {  	[smem:$0x3FAB] =	sst s0;
	s0 =	simm.s32 @!p1 $0x0  }
0x14: {  	s2 =	sld [smem:$0x3F8F];
	s0 =	simm.s32 @p1 $0x1  }
0x15: {  	[smem:$0x3FAC] =	sst s0;
	s0 =	simm.s32 @!p2 $0x0  }
0x16: {  	s3 =	sld [smem:$0x3FDB];
	s0 =	simm.s32 @p2 $0x1  }
0x17: {  	s4 =	simm.s32 $0x1BF5;
	[smem:$0x3FAE] =	sst s0  }
0x18: {  	s0 =	sld [smem:$0x3F91];
	_ =	swait.ge [sflag:s4], $0x0  }
0x19: {  	s7 =	sld [smem:$0x3F92]  }
0x1a: {  	s8 =	sadd.s32 $0xFFFFE003, lr  }
0x1b: {  	s9 =	sadd.s32 $0xFFFFFEF7, lr;
	s5 =	simm.s32 $0xFFFFFFFF;
	p2 =	slt.u32 s8, $0xFFFFF086  }
0x1c: {  	p1 =	slt.u32 s9, $0xF7A;
	s5 =	simm.s32 @!p2 $0x0  }
0x1d: {  	s5 =	simm.s32 @p1 $0x1;
	p0 =	seq.s32 s7, s2  }
0x1e: {  	s7 =	smul.u32 @!p0 $0xF7A, s2;
	p2 =	seq.s32 @!p0 s5, $0x0  }
0x1f: {  	s9 =	smul.u32 $0xF7A, s1;
	s8 =	simm.s32 @!p0 $0x1BF5;
	p2 =	por !p2, p0  }
0x20: {  	[sflag:s8] =	ssyncset.s32 @!p0 $0xFFFFF086;
	s6 =	sadd.s32 @!p0 s3, s7;
	s7 =	simm.s32 @!p0 $0x108  }
0x21: {  	s3 =	sadd.s32 s3, s9;
	s6 =	sadd.s32 @!p0 $0x88, s6;
	s7 =	simm.s32 @p2 $0x1082  }
0x22: {  	[simem:s7], [sflag:s8] =	dma.local @!p0 [hbm:s6], $0xF7A  }
0x23: {  	s9 =	sor.u32 $0xD0000000, s2;
	s6 =	simm.s32 $0x108;
	_ =	swait.ge @!p0 [sflag:s8], $0x0  }
0x24: {  	s3 =	sadd.s32 $0x88, s3;
	s6 =	simm.s32 @!p1 $0x1082;
	[sflag:s4] =	ssyncset.s32 $0xFFFFF086  }
0x25: {  	[simem:s6], [sflag:s4] =	dma.local [hbm:s3], $0xF7A  }
0x26: {  	[smem:$0x3F92] =	sst s1;
	(tag) =	ssettag s2;
	_ =	strace s9  }
0x27: {  	s1 =	sld [smem:$0x3FA2]  }
0x28: {  	s2 =	sld [smem:$0x3FA3]  }
0x29: {  	s4 =	sld [smem:$0x3FA5]  }
0x2a: {  	p0 =	seq.s32 s5, $0x0;
	s5 =	sld [smem:$0x3FA6]  }
0x2b: {  	s6 =	sld [smem:$0x3FA7]  }
0x2c: {  	s7 =	sld [smem:$0x3FA8]  }
0x2d: {  	s3 =	simm.s32 $0x108;
	s8 =	sld [smem:$0x3FA9]  }
0x2e: {  	s3 =	simm.s32 @!p0 $0x1082;
	s9 =	sld [smem:$0x3FAA]  }
0x2f: {  	lr =	sadd.s32 s0, s3;
	s0 =	sld [smem:$0x3FA1]  }
0x30: {  	s3 =	sld [smem:$0x3FA4]  }
0x31: {  	[smem:$0x3FAD] =	sst s10  }
0x32: {  	s10 =	sld [smem:$0x3FAB];
	_ =	sdelay $0x3  }
0x33: {  	p0 =	seq.s32 s10, $0x1;
	s10 =	sld [smem:$0x3FAD];
	_ =	sdelay $0x3  }
0x34: {  	[smem:$0x3FAD] =	sst s10  }
0x35: {  	s10 =	sld [smem:$0x3FAC];
	_ =	sdelay $0x3  }
0x36: {  	p1 =	seq.s32 s10, $0x1;
	s10 =	sld [smem:$0x3FAD];
	_ =	sdelay $0x3  }
0x37: {  	[smem:$0x3FAD] =	sst s10  }
0x38: {  	s10 =	sld [smem:$0x3FAE]  }
0x39: {  	_ = 	snop;
	(pc) =	sbr.ind lr, $3  }
0x3a: {  	_ = 	snop  }
0x3b: {  	_ = 	snop  }
0x3c: {  	p2 =	seq.s32 s10, $0x1;
	s10 =	sld [smem:$0x3FAD]  }
0x3d: {  	_ =	shalt  }
0x3e: {  	_ =	shalt  }
0x3f: {  	_ =	shalt  }
0x40: {  	_ =	shalt  }
0x41: {  	_ =	shalt  }
0x42: {  	_ =	shalt  }
0x43: {  	_ =	shalt  }
0x44: {  	_ =	shalt  }
0x45: {  	_ =	shalt  }
0x46: {  	_ =	shalt  }
0x47: {  	_ =	shalt  }
0x48: {  	_ =	shalt  }
0x49: {  	_ =	shalt  }
0x4a: {  	_ =	shalt  }
0x4b: {  	_ =	shalt  }
0x4c: {  	_ =	shalt  }
0x4d: {  	_ =	shalt  }
0x4e: {  	_ =	shalt  }
0x4f: {  	_ =	shalt  }
0x50: {  	_ =	shalt  }
0x51: {  	_ =	shalt  }
0x52: {  	_ =	shalt  }
0x53: {  	_ =	shalt  }
0x54: {  	_ =	shalt  }
0x55: {  	_ =	shalt  }
0x56: {  	_ =	shalt  }
0x57: {  	_ =	shalt  }
0x58: {  	_ =	shalt  }
0x59: {  	_ =	shalt  }
0x5a: {  	_ =	shalt  }
0x5b: {  	_ =	shalt  }
0x5c: {  	_ =	shalt  }
0x5d: {  	_ =	shalt  }
0x5e: {  	_ =	shalt  }
0x5f: {  	_ =	shalt  }
0x60: {  	_ =	shalt  }
0x61: {  	_ =	shalt  }
0x62: {  	_ =	shalt  }
0x63: {  	_ =	shalt  }
0x64: {  	_ =	shalt  }
0x65: {  	_ =	shalt  }
0x66: {  	_ =	shalt  }
0x67: {  	_ =	shalt  }
0x68: {  	_ =	shalt  }
0x69: {  	_ =	shalt  }
0x6a: {  	_ =	shalt  }
0x6b: {  	_ =	shalt  }
0x6c: {  	_ =	shalt  }
0x6d: {  	_ =	shalt  }
0x6e: {  	_ =	shalt  }
0x6f: {  	_ =	shalt  }
0x70: {  	_ =	shalt  }
0x71: {  	_ =	shalt  }
0x72: {  	_ =	shalt  }
0x73: {  	_ =	shalt  }
0x74: {  	_ =	shalt  }
0x75: {  	_ =	shalt  }
0x76: {  	_ =	shalt  }
0x77: {  	_ =	shalt  }
0x78: {  	_ =	shalt  }
0x79: {  	_ =	shalt  }
0x7a: {  	_ =	shalt  }
0x7b: {  	_ =	shalt  }
0x7c: {  	_ =	shalt  }
0x7d: {  	_ =	shalt  }
0x7e: {  	_ =	shalt  }
0x7f: {  	_ =	shalt  }
0x80: {  	_ =	shalt  }
0x81: {  	_ =	shalt  }
0x82: {  	_ =	shalt  }
0x83: {  	_ =	shalt  }
0x84: {  	_ =	shalt  }
0x85: {  	_ =	shalt  }
0x86: {  	_ =	shalt  }
0x87: {  	_ =	shalt  }
.Lfunc_end0:
.L_simem_size_0:
called_computation.2_lowered:
.L_overlay_start_0:
0x88: {  	s2 =	sld [smem:$0x3FD9]  }
0x89: {  	s3 =	sld [smem:$0x3FFE];
	_ =	sdelay $0x1  }
0x8a: {  	s1 =	srdreg.scid  }
0x8b: {  	s0 =	sand.u32 $0x1, s1  }
0x8c: {  	s16 =	sshll.u32 s0, $0xA;
	s2 =	sadd.s32 s3, s2  }
0x8d: {  	s2 =	sadd.s32 s2, s16  }
0x8e: {  	[smem:$0x3FB9] =	sst s2  }
0x8f: {  	_ = 	snop  }
0x90: {  	(tm) =	ssettm $0x1  }
0x91: {  	s17 =	sld [smem:$0x3FFB];
	_ =	sdelay $0x3  }
0x92: {  	_ =	strace s17  }
0x93: {  	s2 =	sld [smem:$0x3FFC];
	_ =	sdelay $0x3  }
0x94: {  	_ =	strace s2  }
0x95: {  	s2 =	sld [smem:$0x3FFD];
	_ =	sdelay $0x3  }
0x96: {  	_ =	strace s2  }
0x97: {  	_ =	strace $0x8FFFFFFF  }
0x98: {  	s18 =	sld [smem:$0x3FDB];
	_ =	sdelay $0x1  }
0x99: {  	s19 =	simm.s32 $_scs_section_size  }
0x9a: {  	s4 =	simm.s32 $_size__tile_overlayer_lowered;
	s5 =	simm.s32 $_tile_overlayer_lowered  }
0x9b: {  	s22 =	simm.s32 $0x1BFF;
	s21 =	sshll.u32 s5, $0x1;
	s2 =	sadd.s32 s19, s18  }
0x9c: {  	s6 =	simm.s32 $0x0;
	s20 =	sshll.u32 s4, $0x1;
	s4 =	sadd.s32 s21, s2  }
0x9d: {  	[timem:s6], [sflag:s22] =	dma.local [hbm:s4], s20  }
0x9e: {  	_ =	swait.ge [sflag:s22], s20  }
0x9f: {  	s3 =	ssub.s32 $0x0, s20;
	[sflag:s22] =	ssyncset.done $0x0  }
0xa0: {  	[sflag:s22] =	ssyncadd.s32 s3;
	_ =	sdelay $0x1  }
0xa1: {  	s23 =	simm.s32 $0x1B8B  }
0xa2: {  	_ =	swait.ge [sflag:s23], $0x1  }
0xa3: {  	[sflag:s23] =	ssyncset.done $0x0  }
0xa4: {  	s25 =	simm.s32 $0x1B8E;
	s24 =	sld [smem:$0x3FFE];
	[sflag:s23] =	ssyncadd.s32 $0xFFFFFFFF  }
0xa5: {  	s26 =	simm.s32 $execute0_lowered;
	[smem:$0x3FD2] =	sst s25  }
0xa6: {  	s4 =	sshll.u32 s26, $0x1;
	_ =	strace $0x8000004C;
	[dreg:$0x1] =	wrdreg $0xFFFFFFFF  }
0xa7: {  	s28 =	simm.s32 $_size_execute0_lowered;
	s2 =	sadd.s32 s2, s4;
	[dreg:$0x0] =	wrdreg $0x0  }
0xa8: {  	s4 =	sshll.u32 s28, $0x1;
	[dreg:$0x2] =	wrdreg s2  }
0xa9: {  	[dreg:$0x3] =	wrdreg s4  }
0xaa: {  	[dreg:$0x4] =	wrdreg $0xC0  }
0xab: {  	_ =	task [dreg:s6], $0x5FFFF  }
0xac: {  	[dreg:$0x1] =	wrdreg $0xFFFFFFFF  }
0xad: {  	[dreg:$0x0] =	wrdreg $0x60  }
0xae: {  	[dreg:$0x2] =	wrdreg s24  }
0xaf: {  	[dreg:$0x3] =	wrdreg $0xA6000  }
0xb0: {  	[dreg:$0x4] =	wrdreg $0x9  }
0xb1: {  	_ =	task.clear_ibuf [dreg:s6], $0x5FFFF;
	_ =	strace $0x9000004C  }
0xb2: {  	s29 =	simm.s32 $0x9;
	_ =	strace $0x8000004E  }
0xb3: {  	_ =	swait.ge [sflag:s29], $0x1  }
0xb4: {  	[sflag:s29] =	ssyncadd.s32 $0xFFFFFFFF  }
0xb5: {  	_ =	strace $0x9000004E  }
0xb6: {  	_ =	sfence  }
0xb7: {  	s30 =	sld [smem:$0x0];
	_ =	sdelay $0x2  }
0xb8: {  	s31 =	sshll.u32 s1, $0xD;
	s1 =	sshrl.u32 s1, $0x2  }
0xb9: {  	s3 =	sand.u32 $0x4000, s31;
	s1 =	sadd.s32 s1, s30  }
0xba: {  	s0 =	sor.u32 s3, s0;
	s1 =	sshll.u32 s1, $0x11  }
0xbb: {  	s0 =	sor.u32 s1, s0  }
0xbc: {  	s0 =	sadd.s32 $0x8F2B, s0  }
0xbd: {  	[sflag:s0] =	ssyncadd.remote.s32 $0x1  }
0xbe: {  	_ =	sfence.sel $0xFFFF  }
0xbf: {  	[dreg:$0x0] =	wrdreg $0xFFFFFFFF;
	(pc) =	sbr.abs _section_cstart, $3  }
0xc0: {  	[dreg:$0x1] =	wrdreg $0xFFFFFFFF  }
0xc1: {  	_ =	task.clear_ibuf [dreg:s6], $0x2FFFF;
	_ =	strace $0x9FFFFFFF  }
0xc2: {  	(tm) =	ssettm $0x7FFFFFFF  }
0xc3: {  	_ =	shalt  }
tec
execute0_lowered:
.L_overlay_start_1:
0x0: {  	(tag) =	ssettag $0x1  }
0x1: {  	s0 =	rddreg [dreg:$0x0]  }
0x2: {  	s20 =	rddreg [dreg:$0x1];
	s1 =	simm.s32 $0x0;
	s15 =	srdreg.scid  }
0x3: {  	s11 =	stileid.u32;
	s28 =	simm.s32 $0xA200;
	s29 =	simm.s32 $0x2  }
0x4: {  	s30 =	simm.s32 $0x80;
	s31 =	simm.s32 $0x200;
	[smem:$0x7FF] =	sst s1  }
0x5: {  	s1 =	sand.u32 $0x1, s15;
	s4 =	sadd.s32 $0xEE00, s0;
	s7 =	smul.u32 $0x14000, s11  }
0x6: {  	s5 =	sadd.s32 $0x5000, s0;
	s8 =	sadd.s32 $0x537600, s0;
	s16 =	sshll.u32 s11, $0x1  }
0x7: {  	s11 =	smul.u32 $0x50000, s11;
	_ =	strace $0x8000004D;
	s2 =	ssub.s32 $0x2, s1  }
0x8: {  	s3 =	smul.u32 $0x140000, s1;
	s1 =	sor.u32 s1, s16;
	s16 =	sadd.s32 $0x9C7000, s0  }
0x9: {  	s6 =	sshrl.u32 s2, $0x1;
	s10 =	sor.u32 $0x2800, s7;
	s21 =	sadd.s32 $0x5000, s7  }
0xa: {  	s24 =	sadd.s32 $0xC800, s7;
	s2 =	ssub.s32 s2, s6;
	s9 =	sadd.s32 s3, s7  }
0xb: {  	s18 =	sadd.s32 s3, s10;
	s12 =	sadd.s32 s3, s21;
	s25 =	sadd.s32 s3, s24  }
0xc: {  	s21 =	sadd.s32 s21, s20;
	s24 =	sadd.s32 s24, s20;
	s17 =	sshrl.u32 s9, $0x3  }
0xd: {  	s19 =	sshrl.u32 s18, $0x3;
	s9 =	sadd.s32 $0x7800, s7;
	[dreg:$0xd] =	wrdreg s21  }
0xe: {  	s12 =	sshrl.u32 s12, $0x3;
	[dreg:$0x10] =	wrdreg s24;
	s21 =	simm.s32 $0x5200  }
0xf: {  	s24 =	simm.s32 $0x6200;
	s6 =	sadd.s32 s8, s17;
	s13 =	sadd.s32 s3, s9  }
0x10: {  	s12 =	sadd.s32 s8, s12;
	s17 =	sadd.s32 $0x9C7100, s0;
	[dreg:$0x3] =	wrdreg s6  }
0x11: {  	s6 =	sadd.s32 s8, s19;
	s19 =	sadd.s32 $0xA000, s7;
	[dreg:$0x5] =	wrdreg s12  }
0x12: {  	s13 =	sshrl.u32 s13, $0x3;
	[dreg:$0x4] =	wrdreg s6;
	s14 =	sadd.s32 s3, s19  }
0x13: {  	s22 =	sadd.s32 s8, s13;
	s13 =	sadd.s32 $0xF000, s7;
	s7 =	sadd.s32 $0x11800, s7  }
0x14: {  	[dreg:$0x6] =	wrdreg s22;
	s23 =	sshrl.u32 s14, $0x3;
	s15 =	sadd.s32 s3, s13  }
0x15: {  	s14 =	sshrl.u32 s25, $0x3;
	s3 =	sadd.s32 s3, s7;
	s22 =	sadd.s32 s9, s20  }
0x16: {  	s25 =	sadd.s32 s13, s20;
	s13 =	simm.s32 $0x3E00;
	s12 =	sadd.s32 s8, s23  }
0x17: {  	s15 =	sshrl.u32 s15, $0x3;
	s14 =	sadd.s32 s8, s14;
	[dreg:$0xe] =	wrdreg s22  }
0x18: {  	s3 =	sshrl.u32 s3, $0x3;
	s23 =	sadd.s32 s19, s20;
	[dreg:$0x11] =	wrdreg s25  }
0x19: {  	s19 =	simm.s32 $0x4600;
	s22 =	simm.s32 $0x5600;
	[dreg:$0x7] =	wrdreg s12  }
0x1a: {  	s25 =	simm.s32 $0x6A00;
	[dreg:$0x8] =	wrdreg s14;
	s26 =	sadd.s32 s8, s15  }
0x1b: {  	s3 =	sadd.s32 s8, s3;
	s14 =	sadd.s32 $0x51A000, s0;
	s15 =	smul.u32 $0x2710, s1  }
0x1c: {  	s8 =	smax.u32 s2, $0x1;
	[dreg:$0xf] =	wrdreg s23;
	s12 =	simm.s32 $0x3A00  }
0x1d: {  	v0 =	vlaneseq.u32;
	v1 =	vimm.f32 $0.0e+00;
	s23 =	simm.s32 $0x5E00;
	s2 =	simm.s32 $0x7600;
	[dreg:$0x9] =	wrdreg s26  }
0x1e: {  	vm0 =	vmmov $0xffff;
	vm1 =	vmmov $0xff;
	v2 =	vor.u32 $0x10, v0;
	s1 =	simm.s32 $0x1;
	s0 =	simm.s32 $0x7A00;
	[dreg:$0xa] =	wrdreg s3  }
0x1f: {  	v3 =	vor.u32 $0x20, v0;
	v4 =	vor.u32 $0x30, v0;
	v5 =	vor.u32 $0x40, v0;
	s3 =	sshrl.u32 s11, $0x2;
	[dreg:$0xb] =	wrdreg s8;
	s11 =	sadd.s32 s10, s20  }
0x20: {  	v6 =	vor.u32 $0x50, v0;
	v7 =	vor.u32 $0x60, v0;
	v8 =	vor.u32 $0x70, v0;
	s26 =	sadd.s32 s7, s20;
	s7 =	simm.s32 $0x0;
	[dreg:$0xc] =	wrdreg s11  }
0x21: {  	v9 =	vand.u32 $0x7, v0;
	v10 =	vshrl.u32 v0, $0x3;
	v11 =	vor.u32 $0x8, v0;
	s18 =	sadd.s32 s3, s20;
	[dreg:$0x12] =	wrdreg s26;
	s11 =	simm.s32 $0x3200  }
0x22: {  	v12 =	vor.u32 $0x400, v0;
	v13 =	vor.u32 $0x800, v0;
	v10 =	vmul.u32 $0x8, v10;
	s20 =	simm.s32 $0x4A00;
	s26 =	simm.s32 $0x6E00;
	s3 =	simm.s32 $0x50  }
.LBB2_1:
0x23: {  	s10 =	simm.s32 $0x0  }
0x24: {  	v17 =	vor.u32 s10, v0;
	_ =	sdelay $0x1  }
0x25: {  	v19 =	vor.u32 s10, v2  }
0x26: {  	v16 =	vor.u32 s10, v3  }
0x27: {  	v15 =	vor.u32 s10, v4  }
0x28: {  	[tilespmem:v17+s28+$0x0] =	vst.idx.msk $0xffff, v1;
	v17 =	vor.u32 s10, v5  }
0x29: {  	v18 =	vor.u32 s10, v6  }
0x2a: {  	[dreg:$0x13] =	wrdreg s7;
	s6 =	simm.s32 $0x1;
	v14 =	vor.u32 s10, v8;
	[tilespmem:v19+s28+$0x0] =	vst.idx.msk $0xffff, v1;
	v19 =	vor.u32 s10, v7  }
.LBB2_2:
0x2b: {  	s7 =	sshll.u32 s6, $0x7;
	p0 =	seq.s32 s6, $0x4;
	s6 =	sadd.s32 $0x1, s6;
	[tilespmem:v16+s28+$0x0] =	vst.idx.msk $0xffff, v1  }
0x2c: {  	v20 =	vor.u32 s7, v0;
	v21 =	vor.u32 s7, v8;
	[tilespmem:v15+s28+$0x0] =	vst.idx.msk $0xffff, v1  }
0x2d: {  	v22 =	vor.u32 s7, v2;
	[tilespmem:v17+s28+$0x0] =	vst.idx.msk $0xffff, v1  }
.Ltmp0:
0x2e: {  	v16 =	vor.u32 s7, v3;
	[tilespmem:v18+s28+$0x0] =	vst.idx.msk $0xffff, v1;
	(pc) =	sbr.rel @!p0 .LBB2_2-.Ltmp0, $4  }
0x2f: {  	v15 =	vor.u32 s7, v4;
	[tilespmem:v19+s28+$0x0] =	vst.idx.msk $0xffff, v1  }
0x30: {  	v17 =	vor.u32 s7, v5;
	[tilespmem:v14+s28+$0x0] =	vst.idx.msk $0xffff, v1;
	v14 =	vmov v21  }
0x31: {  	v18 =	vor.u32 s7, v6;
	[tilespmem:v20+s28+$0x0] =	vst.idx.msk $0xffff, v1  }
0x32: {  	v19 =	vor.u32 s7, v7;
	[tilespmem:v22+s28+$0x0] =	vst.idx.msk $0xffff, v1  }
0x33: {  	_ =	sdelay $0x3  }
0x34: {  	[tilespmem:v16+s28+$0x0] =	vst.idx.msk $0xffff, v1  }
0x35: {  	[tilespmem:v15+s28+$0x0] =	vst.idx.msk $0xffff, v1  }
0x36: {  	[tilespmem:v17+s28+$0x0] =	vst.idx.msk $0xffff, v1  }
0x37: {  	[tilespmem:v18+s28+$0x0] =	vst.idx.msk $0xffff, v1  }
0x38: {  	[tilespmem:v19+s28+$0x0] =	vst.idx.msk $0xffff, v1  }
0x39: {  	s6 =	sadd.s32 $0x0, s18;
	[tilespmem:v14+s28+$0x0] =	vst.idx.msk $0xffff, v1  }
0x3a: {  	[spmem:s6] =	stream.linear.scatter [tilespmem:s28], [sflag:$0x2], $0x280, $0x38;
	[tilespmem:$0x1E600] =	vst v63  }
0x3b: {  	s6 =	simm.s32 $0xA00;
	_ =	swait.ge [sflag:s29], $0x280  }
.LBB2_4:
0x3c: {  	s7 =	sshra.s32 s6, $0x2;
	[sflag:s29] =	ssyncset.done $0x0;
	p0 =	sne.s32 s6, $0x4F600  }
.Ltmp1:
0x3d: {  	s7 =	sadd.s32 s7, s18;
	[sflag:s29] =	ssyncadd.s32 $0xFFFFFD80;
	(pc) =	sbr.rel @p0 .LBB2_4-.Ltmp1, $3  }
0x3e: {  	[spmem:s7] =	stream.linear.scatter [tilespmem:s28], [sflag:$0x2], $0x280, $0x38;
	[tilespmem:$0x1E600] =	vst v63  }
0x3f: {  	s6 =	sadd.s32 $0xA00, s6;
	_ =	sdelay $0x1  }
0x40: {  	_ =	swait.ge [sflag:s29], $0x280  }
0x41: {  	[sflag:s29] =	ssyncset.done $0x0  }
0x42: {  	[sflag:s29] =	ssyncadd.s32 $0xFFFFFD80  }
0x43: {  	s6 =	simm.s32 $0x0;
	s7 =	simm.s32 $0x0;
	[bflag:$0x0] =	sbarrier.arrive $0xFFFF  }
.LBB2_6:
0x44: {  	s8 =	smul.u32 $0x50, s7;
	_ =	sdelay $0x1  }
0x45: {  	s8 =	sadd.s32 s15, s8  }
0x46: {  	s9 =	sshrl.u32 s8, $0x3  }
0x47: {  	s10 =	sadd.s32 s4, s9  }
0x48: {  	[tilespmem:s6], [sflag:$0x2] =	stream.linear.gather [hbm4b:s10+s6], $0x50, $0x38;
	[tilespmem:$0x1E600] =	vst v63  }
0x49: {  	_ =	swait.ge [sflag:s29], $0x50  }
0x4a: {  	[sflag:s29] =	ssyncset.done $0x0  }
0x4b: {  	s8 =	smul.u32 $0x3, s8;
	s9 =	sadd.s32 s5, s9;
	[sflag:s29] =	ssyncadd.s32 $0xFFFFFFB0  }
0x4c: {  	[tilespmem:s30], [sflag:$0x2] =	stream.linear.gather [hbm4b:s9+s6], $0x50, $0x38;
	[tilespmem:$0x1E600] =	vst v63  }
0x4d: {  	_ =	swait.ge [sflag:s29], $0x50  }
0x4e: {  	s8 =	sshrl.u32 s8, $0x3;
	[sflag:s29] =	ssyncset.done $0x0  }
0x4f: {  	s10 =	sadd.s32 s14, s8;
	s8 =	simm.s32 $0x100;
	[sflag:s29] =	ssyncadd.s32 $0xFFFFFFB0  }
0x50: {  	[tilespmem:s8], [sflag:$0x2] =	stream.linear.gather [hbm4b:s10+s6], $0xF0, $0x38;
	[tilespmem:$0x1E600] =	vst v63  }
0x51: {  	_ =	swait.ge [sflag:s29], $0xF0  }
0x52: {  	[sflag:s29] =	ssyncset.done $0x0  }
0x53: {  	[sflag:s29] =	ssyncadd.s32 $0xFFFFFF10  }
0x54: {  	v14 =	vld [tilespmem:$0x0];
	_ =	sdelay $0x4  }
0x55: {  	v15 =	vshrl.u32 v14, $0x3  }
0x56: {  	v15 =	vmul.u32 $0x18, v15  }
0x57: {  	v14 =	vand.u32 $0x7, v14  }
0x58: {  	v14 =	vor.u32 v14, v15  }
0x59: {  	v15 =	vperm.xlane v14, v9;
	_ =	sdelay $0x1  }
0x5a: {  	v15 =	vadd.s32 v10, v15;
	_ =	sdelay $0x1  }
0x5b: {  	v14 =	vperm.xlane v14, v11;
	_ =	sdelay $0x1  }
0x5c: {  	v14 =	vadd.s32 v10, v14  }
0x5d: {  	[tilespmem:s31], [sflag:$0x1] =	stream.indirect_vreg.gather [hbm4b:s16+s6], $0x80, v15, vm0, $0xb8;
	[tilespmem:$0x1E600] =	vst v63  }
0x5e: {  	s10 =	simm.s32 $0xA00  }
0x5f: {  	[tilespmem:s10], [sflag:$0x1] =	stream.indirect_vreg.gather [hbm4b:s17+s6], $0x80, v15, vm1, $0xb8;
	[tilespmem:$0x1E600] =	vst v63  }
0x60: {  	s10 =	simm.s32 $0xE00  }
0x61: {  	[tilespmem:s10], [sflag:$0x1] =	stream.indirect_vreg.gather [hbm4b:s16+s6], $0x80, v14, vm0, $0xb8;
	[tilespmem:$0x1E600] =	vst v63  }
0x62: {  	s10 =	simm.s32 $0x1600  }
0x63: {  	[tilespmem:s10], [sflag:$0x1] =	stream.indirect_vreg.gather [hbm4b:s17+s6], $0x80, v14, vm1, $0xb8;
	[tilespmem:$0x1E600] =	vst v63  }
0x64: {  	v14 =	vld [tilespmem:$0x10];
	_ =	sdelay $0x4  }
0x65: {  	v15 =	vshrl.u32 v14, $0x3  }
0x66: {  	v15 =	vmul.u32 $0x18, v15  }
0x67: {  	v14 =	vand.u32 $0x7, v14  }
0x68: {  	v14 =	vor.u32 v14, v15  }
0x69: {  	v15 =	vperm.xlane v14, v9;
	_ =	sdelay $0x1  }
0x6a: {  	v15 =	vadd.s32 v10, v15;
	_ =	sdelay $0x1  }
0x6b: {  	v14 =	vperm.xlane v14, v11;
	_ =	sdelay $0x1  }
0x6c: {  	s10 =	simm.s32 $0x1A00;
	v14 =	vadd.s32 v10, v14  }
0x6d: {  	[tilespmem:s10], [sflag:$0x1] =	stream.indirect_vreg.gather [hbm4b:s16+s6], $0x80, v15, vm0, $0xb8;
	[tilespmem:$0x1E600] =	vst v63  }
0x6e: {  	s10 =	simm.s32 $0x2200  }
0x6f: {  	[tilespmem:s10], [sflag:$0x1] =	stream.indirect_vreg.gather [hbm4b:s17+s6], $0x80, v15, vm1, $0xb8;
	[tilespmem:$0x1E600] =	vst v63  }
0x70: {  	s10 =	simm.s32 $0x2600  }
0x71: {  	[tilespmem:s10], [sflag:$0x1] =	stream.indirect_vreg.gather [hbm4b:s16+s6], $0x80, v14, vm0, $0xb8;
	[tilespmem:$0x1E600] =	vst v63  }
0x72: {  	s10 =	simm.s32 $0x2E00  }
0x73: {  	[tilespmem:s10], [sflag:$0x1] =	stream.indirect_vreg.gather [hbm4b:s17+s6], $0x80, v14, vm1, $0xb8;
	[tilespmem:$0x1E600] =	vst v63  }
0x74: {  	v14 =	vld [tilespmem:$0x20];
	_ =	sdelay $0x4  }
0x75: {  	v15 =	vshrl.u32 v14, $0x3  }
0x76: {  	v15 =	vmul.u32 $0x18, v15  }
0x77: {  	v14 =	vand.u32 $0x7, v14  }
0x78: {  	v14 =	vor.u32 v14, v15  }
0x79: {  	v15 =	vperm.xlane v14, v9;
	_ =	sdelay $0x1  }
0x7a: {  	v15 =	vadd.s32 v10, v15;
	_ =	sdelay $0x1  }
0x7b: {  	v14 =	vperm.xlane v14, v11;
	_ =	sdelay $0x1  }
0x7c: {  	v14 =	vadd.s32 v10, v14  }
0x7d: {  	[tilespmem:s11], [sflag:$0x1] =	stream.indirect_vreg.gather [hbm4b:s16+s6], $0x80, v15, vm0, $0xb8;
	[tilespmem:$0x1E600] =	vst v63  }
0x7e: {  	_ = 	snop  }
0x7f: {  	[tilespmem:s12], [sflag:$0x1] =	stream.indirect_vreg.gather [hbm4b:s17+s6], $0x80, v15, vm1, $0xb8;
	[tilespmem:$0x1E600] =	vst v63  }
0x80: {  	_ = 	snop  }
0x81: {  	[tilespmem:s13], [sflag:$0x1] =	stream.indirect_vreg.gather [hbm4b:s16+s6], $0x80, v14, vm0, $0xb8;
	[tilespmem:$0x1E600] =	vst v63  }
0x82: {  	_ = 	snop  }
0x83: {  	[tilespmem:s19], [sflag:$0x1] =	stream.indirect_vreg.gather [hbm4b:s17+s6], $0x80, v14, vm1, $0xb8;
	[tilespmem:$0x1E600] =	vst v63  }
0x84: {  	v14 =	vld [tilespmem:$0x30];
	_ =	sdelay $0x4  }
0x85: {  	v15 =	vshrl.u32 v14, $0x3  }
0x86: {  	v15 =	vmul.u32 $0x18, v15  }
0x87: {  	v14 =	vand.u32 $0x7, v14  }
0x88: {  	v14 =	vor.u32 v14, v15  }
0x89: {  	v15 =	vperm.xlane v14, v9;
	_ =	sdelay $0x1  }
0x8a: {  	v15 =	vadd.s32 v10, v15;
	_ =	sdelay $0x1  }
0x8b: {  	v14 =	vperm.xlane v14, v11;
	_ =	sdelay $0x1  }
0x8c: {  	v14 =	vadd.s32 v10, v14  }
0x8d: {  	[tilespmem:s20], [sflag:$0x1] =	stream.indirect_vreg.gather [hbm4b:s16+s6], $0x80, v15, vm0, $0xb8;
	[tilespmem:$0x1E600] =	vst v63  }
0x8e: {  	_ = 	snop  }
0x8f: {  	[tilespmem:s21], [sflag:$0x1] =	stream.indirect_vreg.gather [hbm4b:s17+s6], $0x80, v15, vm1, $0xb8;
	[tilespmem:$0x1E600] =	vst v63  }
0x90: {  	_ = 	snop  }
0x91: {  	[tilespmem:s22], [sflag:$0x1] =	stream.indirect_vreg.gather [hbm4b:s16+s6], $0x80, v14, vm0, $0xb8;
	[tilespmem:$0x1E600] =	vst v63  }
0x92: {  	_ = 	snop  }
0x93: {  	[tilespmem:s23], [sflag:$0x1] =	stream.indirect_vreg.gather [hbm4b:s17+s6], $0x80, v14, vm1, $0xb8;
	[tilespmem:$0x1E600] =	vst v63  }
0x94: {  	v14 =	vld [tilespmem:$0x40];
	_ =	sdelay $0x4  }
0x95: {  	v15 =	vshrl.u32 v14, $0x3  }
0x96: {  	v15 =	vmul.u32 $0x18, v15  }
0x97: {  	v14 =	vand.u32 $0x7, v14  }
0x98: {  	v14 =	vor.u32 v14, v15  }
0x99: {  	v15 =	vperm.xlane v14, v9;
	_ =	sdelay $0x1  }
0x9a: {  	v15 =	vadd.s32 v10, v15;
	_ =	sdelay $0x1  }
0x9b: {  	v14 =	vperm.xlane v14, v11;
	_ =	sdelay $0x1  }
0x9c: {  	v16 =	vadd.s32 v10, v14  }
0x9d: {  	[tilespmem:s24], [sflag:$0x1] =	stream.indirect_vreg.gather [hbm4b:s16+s6], $0x80, v15, vm0, $0xb8;
	[tilespmem:$0x1E600] =	vst v63  }
0x9e: {  	v14 =	vmov s6  }
0x9f: {  	[tilespmem:s25], [sflag:$0x1] =	stream.indirect_vreg.gather [hbm4b:s17+s6], $0x80, v15, vm1, $0xb8;
	v15 =	vshrl.u32 v14, $0x3;
	[tilespmem:$0x1E600] =	vst v63  }
0xa0: {  	v14 =	vshll.u32 v14, $0x7;
	v15 =	vmul.u32 $0xC00, v15  }
0xa1: {  	v17 =	vand.u32 $0x380, v14;
	[tilespmem:s26], [sflag:$0x1] =	stream.indirect_vreg.gather [hbm4b:s16+s6], $0x80, v16, vm0, $0xb8;
	[tilespmem:$0x1E600] =	vst v63  }
0xa2: {  	v18 =	vor.u32 v17, v15  }
0xa3: {  	[tilespmem:s2], [sflag:$0x1] =	stream.indirect_vreg.gather [hbm4b:s17+s6], $0x80, v16, vm1, $0xb8;
	v15 =	vor.u32 v0, v18;
	[tilespmem:$0x1E600] =	vst v63  }
0xa4: {  	v16 =	vadd.s32 v12, v18;
	_ =	swait.ge [sflag:s1], $0x7800  }
0xa5: {  	[sflag:s1] =	ssyncset.done $0x0  }
0xa6: {  	v17 =	vadd.s32 v13, v18;
	[sflag:s1] =	ssyncadd.s32 $0xFFFF8800  }
0xa7: {  	v19 =	vld [tilespmem:s8+$0x0]  }
0xa8: {  	v20 =	vld.idx.msk [tilespmem:v15+s31+$0x0], $0xffff  }
0xa9: {  	v21 =	vld.idx.msk [tilespmem:v16+s31+$0x0], $0xffff;
	_ =	sdelay $0x1  }
0xaa: {  	v22 =	vld.idx.msk [tilespmem:v17+s31+$0x0], $0xffff  }
0xab: {  	v17 =	vbroadcast v19, $0x0;
	v16 =	vbroadcast v19, $0x1  }
0xac: {  	v15 =	vbroadcast v19, $0x2  }
0xad: {  	v19 =	vmul.f32 v17, v20;
	v20 =	vmul.f32 v21, v16  }
0xae: {  	v23 =	vor.u32 v0, v14;
	v21 =	vadd.s32 $0x400, v18  }
0xaf: {  	v19 =	vadd.f32 v20, v19;
	v20 =	vmul.f32 v22, v15;
	v22 =	vor.u32 v2, v18  }
0xb0: {  	v24 =	vor.u32 v2, v21  }
0xb1: {  	v25 =	vadd.s32 $0x800, v18;
	v19 =	vadd.f32 v20, v19  }
0xb2: {  	v20 =	vor.u32 v2, v25  }
0xb3: {  	[tilespmem:v23+s0+$0x0] =	vst.idx.msk $0xffff, v19  }
0xb4: {  	v19 =	vld.idx.msk [tilespmem:v22+s31+$0x0], $0xffff  }
0xb5: {  	v22 =	vld.idx.msk [tilespmem:v24+s31+$0x0], $0xffff;
	_ =	sdelay $0x1  }
0xb6: {  	v20 =	vld.idx.msk [tilespmem:v20+s31+$0x0], $0xffff;
	_ =	sdelay $0x2  }
0xb7: {  	v19 =	vmul.f32 v19, v17;
	v22 =	vmul.f32 v22, v16  }
0xb8: {  	v23 =	vor.u32 v2, v14  }
0xb9: {  	v19 =	vadd.f32 v22, v19;
	v20 =	vmul.f32 v20, v15;
	v22 =	vor.u32 v3, v18  }
0xba: {  	v59 =	vor.u32 v3, v21  }
0xbb: {  	v19 =	vadd.f32 v20, v19  }
0xbc: {  	v20 =	vor.u32 v3, v25  }
0xbd: {  	[tilespmem:v23+s0+$0x0] =	vst.idx.msk $0xffff, v19  }
0xbe: {  	v19 =	vld.idx.msk [tilespmem:v22+s31+$0x0], $0xffff  }
0xbf: {  	v22 =	vld.idx.msk [tilespmem:v59+s31+$0x0], $0xffff;
	_ =	sdelay $0x1  }
0xc0: {  	v20 =	vld.idx.msk [tilespmem:v20+s31+$0x0], $0xffff;
	_ =	sdelay $0x2  }
0xc1: {  	v19 =	vmul.f32 v19, v17;
	v22 =	vmul.f32 v22, v16  }
0xc2: {  	v23 =	vor.u32 v3, v14  }
0xc3: {  	v19 =	vadd.f32 v22, v19;
	v20 =	vmul.f32 v20, v15;
	v22 =	vor.u32 v4, v18  }
0xc4: {  	v60 =	vor.u32 v4, v21  }
0xc5: {  	v19 =	vadd.f32 v20, v19  }
0xc6: {  	v20 =	vor.u32 v4, v25  }
0xc7: {  	[tilespmem:v23+s0+$0x0] =	vst.idx.msk $0xffff, v19  }
0xc8: {  	v19 =	vld.idx.msk [tilespmem:v22+s31+$0x0], $0xffff  }
0xc9: {  	v22 =	vld.idx.msk [tilespmem:v60+s31+$0x0], $0xffff;
	_ =	sdelay $0x1  }
0xca: {  	v20 =	vld.idx.msk [tilespmem:v20+s31+$0x0], $0xffff;
	_ =	sdelay $0x2  }
0xcb: {  	v19 =	vmul.f32 v19, v17;
	v22 =	vmul.f32 v22, v16  }
0xcc: {  	v23 =	vor.u32 v4, v14  }
0xcd: {  	v20 =	vmul.f32 v20, v15;
	v19 =	vadd.f32 v22, v19;
	v22 =	vor.u32 v5, v18  }
0xce: {  	v61 =	vor.u32 v5, v21  }
0xcf: {  	v19 =	vadd.f32 v20, v19  }
0xd0: {  	v20 =	vor.u32 v5, v25  }
0xd1: {  	[tilespmem:v23+s0+$0x0] =	vst.idx.msk $0xffff, v19  }
0xd2: {  	v19 =	vld.idx.msk [tilespmem:v22+s31+$0x0], $0xffff  }
0xd3: {  	v22 =	vld.idx.msk [tilespmem:v61+s31+$0x0], $0xffff;
	_ =	sdelay $0x1  }
0xd4: {  	v20 =	vld.idx.msk [tilespmem:v20+s31+$0x0], $0xffff;
	_ =	sdelay $0x2  }
0xd5: {  	v19 =	vmul.f32 v19, v17;
	v22 =	vmul.f32 v22, v16  }
0xd6: {  	v23 =	vor.u32 v5, v14  }
0xd7: {  	v20 =	vmul.f32 v20, v15;
	v19 =	vadd.f32 v22, v19;
	v22 =	vor.u32 v6, v18  }
0xd8: {  	v62 =	vor.u32 v6, v21  }
0xd9: {  	v19 =	vadd.f32 v20, v19  }
0xda: {  	v20 =	vor.u32 v6, v25  }
0xdb: {  	[tilespmem:v23+s0+$0x0] =	vst.idx.msk $0xffff, v19  }
0xdc: {  	v19 =	vld.idx.msk [tilespmem:v22+s31+$0x0], $0xffff  }
0xdd: {  	v22 =	vld.idx.msk [tilespmem:v62+s31+$0x0], $0xffff;
	_ =	sdelay $0x1  }
0xde: {  	v20 =	vld.idx.msk [tilespmem:v20+s31+$0x0], $0xffff;
	_ =	sdelay $0x2  }
0xdf: {  	v19 =	vmul.f32 v19, v17;
	v22 =	vmul.f32 v22, v16  }
0xe0: {  	v23 =	vor.u32 v6, v14  }
0xe1: {  	v20 =	vmul.f32 v20, v15;
	v19 =	vadd.f32 v22, v19;
	v22 =	vor.u32 v7, v18  }
0xe2: {  	v63 =	vor.u32 v7, v21  }
0xe3: {  	v19 =	vadd.f32 v20, v19  }
0xe4: {  	v20 =	vor.u32 v7, v25  }
0xe5: {  	[tilespmem:v23+s0+$0x0] =	vst.idx.msk $0xffff, v19  }
0xe6: {  	v19 =	vld.idx.msk [tilespmem:v22+s31+$0x0], $0xffff  }
0xe7: {  	v22 =	vld.idx.msk [tilespmem:v63+s31+$0x0], $0xffff;
	_ =	sdelay $0x1  }
0xe8: {  	v20 =	vld.idx.msk [tilespmem:v20+s31+$0x0], $0xffff;
	_ =	sdelay $0x2  }
0xe9: {  	v19 =	vmul.f32 v19, v17;
	v22 =	vmul.f32 v22, v16  }
0xea: {  	v23 =	vor.u32 v7, v14  }
0xeb: {  	v18 =	vor.u32 v8, v18;
	v20 =	vmul.f32 v20, v15;
	v19 =	vadd.f32 v22, v19;
	_ =	sdelay $0x1  }
0xec: {  	v19 =	vadd.f32 v20, v19  }
0xed: {  	v21 =	vor.u32 v8, v21  }
0xee: {  	[tilespmem:v23+s0+$0x0] =	vst.idx.msk $0xffff, v19  }
0xef: {  	v20 =	vld.idx.msk [tilespmem:v18+s31+$0x0], $0xffff;
	v18 =	vor.u32 v8, v25;
	_ =	sdelay $0x2  }
0xf0: {  	s9 =	simm.s32 $0x2;
	s10 =	simm.s32 $0x1;
	v19 =	vld.idx.msk [tilespmem:v21+s31+$0x0], $0xffff  }
.LBB2_7:
0xf1: {  	p0 =	sne.s32 s9, $0x4F  }
0xf2: {  	v21 =	vmov s10;
	v22 =	vld.idx.msk [tilespmem:v18+s31+$0x0], $0xffff;
	s8 =	sadd.s32 $0x3, s8;
	s10 =	smov.u32 s9;
	s9 =	sadd.s32 $0x1, s9  }
0xf3: {  	v18 =	vshrl.u32 v21, $0x3  }
0xf4: {  	v21 =	vshll.u32 v21, $0x7;
	v18 =	vmul.u32 $0xC00, v18  }
0xf5: {  	v23 =	vand.u32 $0x380, v21  }
0xf6: {  	v17 =	vmul.f32 v20, v17;
	v18 =	vor.u32 v23, v18;
	v23 =	vor.u32 v8, v14;
	v14 =	vmovc v21  }
0xf7: {  	v16 =	vmul.f32 v19, v16;
	v21 =	vor.u32 v0, v18;
	v24 =	vadd.s32 v12, v18  }
0xf8: {  	v20 =	vadd.s32 $0x400, v18;
	v19 =	vadd.s32 $0x800, v18;
	v15 =	vmul.f32 v22, v15  }
0xf9: {  	v16 =	vadd.f32 v16, v17;
	_ =	sdelay $0x1  }
0xfa: {  	v15 =	vadd.f32 v15, v16;
	_ =	sdelay $0x1  }
0xfb: {  	v16 =	vadd.s32 v13, v18;
	[tilespmem:v23+s0+$0x0] =	vst.idx.msk $0xffff, v15  }
0xfc: {  	v21 =	vld.idx.msk [tilespmem:v21+s31+$0x0], $0xffff  }
0xfd: {  	v15 =	vld [tilespmem:s8+$0x0]  }
0xfe: {  	v22 =	vld.idx.msk [tilespmem:v24+s31+$0x0], $0xffff;
	_ =	sdelay $0x1  }
0xff: {  	v23 =	vld.idx.msk [tilespmem:v16+s31+$0x0], $0xffff;
	_ =	sdelay $0x1  }
0x100: {  	v17 =	vbroadcast v15, $0x0;
	v16 =	vbroadcast v15, $0x1  }
0x101: {  	v15 =	vbroadcast v15, $0x2  }
0x102: {  	v21 =	vmul.f32 v17, v21;
	v22 =	vmul.f32 v22, v16  }
0x103: {  	v24 =	vor.u32 v0, v14  }
0x104: {  	v21 =	vadd.f32 v22, v21;
	v22 =	vmul.f32 v23, v15;
	v23 =	vor.u32 v2, v18  }
0x105: {  	v25 =	vor.u32 v2, v20  }
0x106: {  	v21 =	vadd.f32 v22, v21  }
0x107: {  	v22 =	vor.u32 v2, v19  }
0x108: {  	[tilespmem:v24+s0+$0x0] =	vst.idx.msk $0xffff, v21  }
0x109: {  	v21 =	vld.idx.msk [tilespmem:v23+s31+$0x0], $0xffff  }
0x10a: {  	v23 =	vld.idx.msk [tilespmem:v25+s31+$0x0], $0xffff;
	_ =	sdelay $0x1  }
0x10b: {  	v22 =	vld.idx.msk [tilespmem:v22+s31+$0x0], $0xffff;
	_ =	sdelay $0x2  }
0x10c: {  	v21 =	vmul.f32 v21, v17  }
0x10d: {  	v23 =	vmul.f32 v23, v16  }
0x10e: {  	v24 =	vor.u32 v2, v14  }
0x10f: {  	v21 =	vadd.f32 v23, v21;
	v22 =	vmul.f32 v22, v15;
	v23 =	vor.u32 v3, v18  }
0x110: {  	v25 =	vor.u32 v3, v20  }
0x111: {  	v21 =	vadd.f32 v22, v21  }
0x112: {  	v22 =	vor.u32 v3, v19  }
0x113: {  	[tilespmem:v24+s0+$0x0] =	vst.idx.msk $0xffff, v21  }
0x114: {  	v21 =	vld.idx.msk [tilespmem:v23+s31+$0x0], $0xffff  }
0x115: {  	v23 =	vld.idx.msk [tilespmem:v25+s31+$0x0], $0xffff;
	_ =	sdelay $0x1  }
0x116: {  	v22 =	vld.idx.msk [tilespmem:v22+s31+$0x0], $0xffff;
	_ =	sdelay $0x2  }
0x117: {  	v21 =	vmul.f32 v21, v17  }
0x118: {  	v23 =	vmul.f32 v23, v16  }
0x119: {  	v24 =	vor.u32 v3, v14  }
0x11a: {  	v21 =	vadd.f32 v23, v21;
	v22 =	vmul.f32 v22, v15;
	v23 =	vor.u32 v4, v18  }
0x11b: {  	v25 =	vor.u32 v4, v20  }
0x11c: {  	v21 =	vadd.f32 v22, v21;
	v22 =	vor.u32 v4, v19;
	_ =	sdelay $0x1  }
0x11d: {  	[tilespmem:v24+s0+$0x0] =	vst.idx.msk $0xffff, v21  }
0x11e: {  	v21 =	vld.idx.msk [tilespmem:v23+s31+$0x0], $0xffff  }
0x11f: {  	v23 =	vld.idx.msk [tilespmem:v25+s31+$0x0], $0xffff  }
0x120: {  	v22 =	vld.idx.msk [tilespmem:v22+s31+$0x0], $0xffff;
	_ =	sdelay $0x3  }
0x121: {  	v21 =	vmul.f32 v21, v17  }
0x122: {  	v23 =	vmul.f32 v23, v16  }
0x123: {  	v24 =	vor.u32 v4, v14;
	v22 =	vmul.f32 v22, v15  }
0x124: {  	v21 =	vadd.f32 v23, v21;
	v23 =	vor.u32 v5, v18  }
0x125: {  	v25 =	vor.u32 v5, v20  }
0x126: {  	v21 =	vadd.f32 v22, v21;
	v22 =	vor.u32 v5, v19;
	_ =	sdelay $0x1  }
0x127: {  	[tilespmem:v24+s0+$0x0] =	vst.idx.msk $0xffff, v21  }
0x128: {  	v21 =	vld.idx.msk [tilespmem:v23+s31+$0x0], $0xffff  }
0x129: {  	v23 =	vld.idx.msk [tilespmem:v25+s31+$0x0], $0xffff  }
0x12a: {  	v22 =	vld.idx.msk [tilespmem:v22+s31+$0x0], $0xffff;
	_ =	sdelay $0x3  }
0x12b: {  	v21 =	vmul.f32 v21, v17  }
0x12c: {  	v23 =	vmul.f32 v23, v16  }
0x12d: {  	v24 =	vor.u32 v5, v14;
	v22 =	vmul.f32 v22, v15  }
0x12e: {  	v21 =	vadd.f32 v23, v21;
	v23 =	vor.u32 v6, v18  }
0x12f: {  	v25 =	vor.u32 v6, v20  }
0x130: {  	v21 =	vadd.f32 v22, v21;
	v22 =	vor.u32 v6, v19;
	_ =	sdelay $0x1  }
0x131: {  	[tilespmem:v24+s0+$0x0] =	vst.idx.msk $0xffff, v21  }
0x132: {  	v21 =	vld.idx.msk [tilespmem:v23+s31+$0x0], $0xffff  }
0x133: {  	v23 =	vld.idx.msk [tilespmem:v25+s31+$0x0], $0xffff  }
0x134: {  	v22 =	vld.idx.msk [tilespmem:v22+s31+$0x0], $0xffff;
	_ =	sdelay $0x3  }
0x135: {  	v21 =	vmul.f32 v21, v17  }
0x136: {  	v23 =	vmul.f32 v23, v16  }
0x137: {  	v24 =	vor.u32 v6, v14;
	v22 =	vmul.f32 v22, v15  }
0x138: {  	v21 =	vadd.f32 v23, v21;
	v23 =	vor.u32 v7, v18  }
0x139: {  	v25 =	vor.u32 v7, v20  }
0x13a: {  	v21 =	vadd.f32 v22, v21;
	v22 =	vor.u32 v7, v19;
	_ =	sdelay $0x1  }
0x13b: {  	[tilespmem:v24+s0+$0x0] =	vst.idx.msk $0xffff, v21  }
0x13c: {  	v21 =	vld.idx.msk [tilespmem:v23+s31+$0x0], $0xffff  }
0x13d: {  	v23 =	vld.idx.msk [tilespmem:v25+s31+$0x0], $0xffff  }
0x13e: {  	v22 =	vld.idx.msk [tilespmem:v22+s31+$0x0], $0xffff;
	_ =	sdelay $0x3  }
0x13f: {  	v21 =	vmul.f32 v21, v17  }
0x140: {  	v23 =	vmul.f32 v23, v16  }
0x141: {  	v24 =	vor.u32 v7, v14;
	v22 =	vmul.f32 v22, v15  }
0x142: {  	v21 =	vadd.f32 v23, v21;
	v23 =	vor.u32 v8, v18  }
0x143: {  	v25 =	vor.u32 v8, v20  }
.Ltmp2:
0x144: {  	v18 =	vor.u32 v8, v19;
	v20 =	vadd.f32 v22, v21;
	(pc) =	sbr.rel @p0 .LBB2_7-.Ltmp2, $4  }
0x145: {  	_ = 	snop  }
0x146: {  	[tilespmem:v24+s0+$0x0] =	vst.idx.msk $0xffff, v20  }
0x147: {  	v20 =	vld.idx.msk [tilespmem:v23+s31+$0x0], $0xffff  }
0x148: {  	v19 =	vld.idx.msk [tilespmem:v25+s31+$0x0], $0xffff  }
0x149: {  	_ =	sdelay $0x3  }
0x14a: {  	v18 =	vld.idx.msk [tilespmem:v18+s31+$0x0], $0xffff  }
0x14b: {  	v21 =	vmov s10  }
0x14c: {  	v22 =	vshrl.u32 v21, $0x3;
	v21 =	vshll.u32 v21, $0x7  }
0x14d: {  	v22 =	vmul.u32 $0xC00, v22;
	v17 =	vmul.f32 v20, v17;
	v16 =	vmul.f32 v19, v16  }
0x14e: {  	v14 =	vor.u32 v8, v14;
	v23 =	vand.u32 $0x380, v21  }
0x14f: {  	v19 =	vor.u32 v23, v22;
	v15 =	vmul.f32 v18, v15;
	v16 =	vadd.f32 v16, v17  }
0x150: {  	v24 =	vor.u32 v0, v19  }
0x151: {  	v25 =	vadd.s32 v12, v19;
	v15 =	vadd.f32 v15, v16;
	_ =	sdelay $0x1  }
0x152: {  	s8 =	sadd.s32 $0x3, s8;
	v26 =	vadd.s32 v13, v19;
	[tilespmem:v14+s0+$0x0] =	vst.idx.msk $0xffff, v15  }
0x153: {  	v14 =	vld [tilespmem:s8+$0x0]  }
0x154: {  	v15 =	vld.idx.msk [tilespmem:v24+s31+$0x0], $0xffff  }
0x155: {  	v27 =	vld.idx.msk [tilespmem:v25+s31+$0x0], $0xffff;
	_ =	sdelay $0x1  }
0x156: {  	v16 =	vld.idx.msk [tilespmem:v26+s31+$0x0], $0xffff  }
0x157: {  	v28 =	vbroadcast v14, $0x0;
	v29 =	vbroadcast v14, $0x1  }
0x158: {  	v14 =	vbroadcast v14, $0x2  }
0x159: {  	v15 =	vmul.f32 v28, v15;
	v17 =	vmul.f32 v27, v29  }
0x15a: {  	v23 =	vor.u32 v0, v21;
	v22 =	vadd.s32 $0x400, v19  }
0x15b: {  	v30 =	vor.u32 v2, v19;
	v16 =	vmul.f32 v16, v14;
	v15 =	vadd.f32 v17, v15  }
0x15c: {  	v24 =	vor.u32 v2, v22  }
0x15d: {  	v25 =	vadd.s32 $0x800, v19;
	v15 =	vadd.f32 v16, v15  }
0x15e: {  	v31 =	vor.u32 v2, v25  }
0x15f: {  	[tilespmem:v23+s0+$0x0] =	vst.idx.msk $0xffff, v15  }
0x160: {  	v15 =	vld.idx.msk [tilespmem:v30+s31+$0x0], $0xffff  }
0x161: {  	v32 =	vld.idx.msk [tilespmem:v24+s31+$0x0], $0xffff;
	_ =	sdelay $0x1  }
0x162: {  	v16 =	vld.idx.msk [tilespmem:v31+s31+$0x0], $0xffff;
	_ =	sdelay $0x2  }
0x163: {  	v15 =	vmul.f32 v15, v28;
	v17 =	vmul.f32 v32, v29  }
0x164: {  	v33 =	vor.u32 v2, v21  }
0x165: {  	v34 =	vor.u32 v3, v19;
	v16 =	vmul.f32 v16, v14;
	v15 =	vadd.f32 v17, v15  }
0x166: {  	v35 =	vor.u32 v3, v22  }
0x167: {  	v15 =	vadd.f32 v16, v15  }
0x168: {  	v36 =	vor.u32 v3, v25  }
0x169: {  	[tilespmem:v33+s0+$0x0] =	vst.idx.msk $0xffff, v15  }
0x16a: {  	v15 =	vld.idx.msk [tilespmem:v34+s31+$0x0], $0xffff  }
0x16b: {  	v37 =	vld.idx.msk [tilespmem:v35+s31+$0x0], $0xffff;
	_ =	sdelay $0x1  }
0x16c: {  	v16 =	vld.idx.msk [tilespmem:v36+s31+$0x0], $0xffff;
	_ =	sdelay $0x2  }
0x16d: {  	v15 =	vmul.f32 v15, v28;
	v17 =	vmul.f32 v37, v29  }
0x16e: {  	v38 =	vor.u32 v3, v21  }
0x16f: {  	v39 =	vor.u32 v4, v19;
	v16 =	vmul.f32 v16, v14;
	v15 =	vadd.f32 v17, v15  }
0x170: {  	v40 =	vor.u32 v4, v22  }
0x171: {  	v15 =	vadd.f32 v16, v15  }
0x172: {  	v41 =	vor.u32 v4, v25  }
0x173: {  	[tilespmem:v38+s0+$0x0] =	vst.idx.msk $0xffff, v15  }
0x174: {  	v15 =	vld.idx.msk [tilespmem:v39+s31+$0x0], $0xffff  }
0x175: {  	v42 =	vld.idx.msk [tilespmem:v40+s31+$0x0], $0xffff;
	_ =	sdelay $0x1  }
0x176: {  	v16 =	vld.idx.msk [tilespmem:v41+s31+$0x0], $0xffff;
	_ =	sdelay $0x2  }
0x177: {  	v15 =	vmul.f32 v15, v28;
	v17 =	vmul.f32 v42, v29  }
0x178: {  	v43 =	vor.u32 v4, v21  }
0x179: {  	v44 =	vor.u32 v5, v19;
	v16 =	vmul.f32 v16, v14;
	v15 =	vadd.f32 v17, v15  }
0x17a: {  	v45 =	vor.u32 v5, v22  }
0x17b: {  	v15 =	vadd.f32 v16, v15  }
0x17c: {  	v46 =	vor.u32 v5, v25  }
0x17d: {  	[tilespmem:v43+s0+$0x0] =	vst.idx.msk $0xffff, v15  }
0x17e: {  	v15 =	vld.idx.msk [tilespmem:v44+s31+$0x0], $0xffff  }
0x17f: {  	v47 =	vld.idx.msk [tilespmem:v45+s31+$0x0], $0xffff;
	_ =	sdelay $0x1  }
0x180: {  	v16 =	vld.idx.msk [tilespmem:v46+s31+$0x0], $0xffff;
	_ =	sdelay $0x2  }
0x181: {  	v15 =	vmul.f32 v15, v28;
	v17 =	vmul.f32 v47, v29  }
0x182: {  	v48 =	vor.u32 v5, v21  }
0x183: {  	v49 =	vor.u32 v6, v19;
	v16 =	vmul.f32 v16, v14;
	v15 =	vadd.f32 v17, v15  }
0x184: {  	v50 =	vor.u32 v6, v22  }
0x185: {  	v15 =	vadd.f32 v16, v15  }
0x186: {  	v51 =	vor.u32 v6, v25  }
0x187: {  	[tilespmem:v48+s0+$0x0] =	vst.idx.msk $0xffff, v15  }
0x188: {  	v15 =	vld.idx.msk [tilespmem:v49+s31+$0x0], $0xffff  }
0x189: {  	v52 =	vld.idx.msk [tilespmem:v50+s31+$0x0], $0xffff;
	_ =	sdelay $0x1  }
0x18a: {  	v16 =	vld.idx.msk [tilespmem:v51+s31+$0x0], $0xffff;
	_ =	sdelay $0x2  }
0x18b: {  	v15 =	vmul.f32 v15, v28;
	v17 =	vmul.f32 v52, v29  }
0x18c: {  	v53 =	vor.u32 v6, v21  }
0x18d: {  	v54 =	vor.u32 v7, v19;
	v16 =	vmul.f32 v16, v14;
	v15 =	vadd.f32 v17, v15  }
0x18e: {  	v55 =	vor.u32 v7, v22  }
0x18f: {  	v15 =	vadd.f32 v16, v15  }
0x190: {  	v56 =	vor.u32 v7, v25  }
0x191: {  	[tilespmem:v53+s0+$0x0] =	vst.idx.msk $0xffff, v15  }
0x192: {  	v15 =	vld.idx.msk [tilespmem:v54+s31+$0x0], $0xffff  }
0x193: {  	v57 =	vld.idx.msk [tilespmem:v55+s31+$0x0], $0xffff;
	_ =	sdelay $0x1  }
0x194: {  	v16 =	vld.idx.msk [tilespmem:v56+s31+$0x0], $0xffff;
	_ =	sdelay $0x2  }
0x195: {  	v15 =	vmul.f32 v15, v28;
	v17 =	vmul.f32 v57, v29  }
0x196: {  	v58 =	vor.u32 v7, v21  }
0x197: {  	v59 =	vor.u32 v8, v19;
	v16 =	vmul.f32 v16, v14;
	v15 =	vadd.f32 v17, v15  }
0x198: {  	v60 =	vor.u32 v8, v22  }
0x199: {  	v15 =	vadd.f32 v16, v15  }
0x19a: {  	v61 =	vor.u32 v8, v25  }
0x19b: {  	[tilespmem:v58+s0+$0x0] =	vst.idx.msk $0xffff, v15  }
0x19c: {  	v15 =	vld.idx.msk [tilespmem:v59+s31+$0x0], $0xffff  }
0x19d: {  	v62 =	vld.idx.msk [tilespmem:v60+s31+$0x0], $0xffff;
	_ =	sdelay $0x1  }
0x19e: {  	v16 =	vld.idx.msk [tilespmem:v61+s31+$0x0], $0xffff;
	_ =	sdelay $0x2  }
0x19f: {  	v15 =	vmul.f32 v15, v28;
	v17 =	vmul.f32 v62, v29  }
0x1a0: {  	v63 =	vor.u32 v8, v21  }
0x1a1: {  	v14 =	vmul.f32 v16, v14;
	v15 =	vadd.f32 v17, v15;
	_ =	sdelay $0x1  }
0x1a2: {  	s7 =	sadd.s32 $0x1, s7;
	v14 =	vadd.f32 v14, v15  }
0x1a3: {  	p0 =	sne.s32 s7, $0x7D  }
.Ltmp3:
0x1a4: {  	s10 =	rddreg [dreg:$0x1];
	[tilespmem:v63+s0+$0x0] =	vst.idx.msk $0xffff, v14;
	(pc) =	sbr.rel @p0 .LBB2_6-.Ltmp3, $4  }
0x1a5: {  	[spmem:s10] =	stream.indirect.scatter.add.f32 [tilespmem:s0], [sflag:$0x2], $0x80, s30, s3, $0xb8;
	[tilespmem:$0x1E600] =	vst v63  }
0x1a6: {  	_ =	swait.ge [sflag:s29], $0x2800  }
0x1a7: {  	[sflag:s29] =	ssyncset.done $0x0  }
0x1a8: {  	[sflag:s29] =	ssyncadd.s32 $0xFFFFD800  }
0x1a9: {  	[bflag:$0x0] =	sbarrier.arrive $0xFFFF  }
0x1aa: {  	[tilespmem:s0], [sflag:$0x2] =	stream.linear.gather [spmem:s18], $0x2800, $0x38;
	[tilespmem:$0x1E600] =	vst v63  }
0x1ab: {  	_ =	swait.ge [sflag:s29], $0x2800  }
0x1ac: {  	[sflag:s29] =	ssyncset.done $0x0  }
0x1ad: {  	s6 =	simm.s32 $0x0;
	s7 =	rddreg [dreg:$0x3];
	[sflag:s29] =	ssyncadd.s32 $0xFFFFD800  }
0x1ae: {  	[hbm4b:s7+s6] =	stream.linear.scatter [tilespmem:s0], [sflag:$0x2], $0x2800, $0x38;
	[tilespmem:$0x1E600] =	vst v63  }
0x1af: {  	_ =	swait.ge [sflag:s29], $0x2800  }
0x1b0: {  	[sflag:s29] =	ssyncset.done $0x0  }
0x1b1: {  	s10 =	rddreg [dreg:$0xc];
	[sflag:s29] =	ssyncadd.s32 $0xFFFFD800  }
0x1b2: {  	[tilespmem:s0], [sflag:$0x2] =	stream.linear.gather [spmem:s10], $0x2800, $0x38;
	[tilespmem:$0x1E600] =	vst v63  }
0x1b3: {  	_ =	swait.ge [sflag:s29], $0x2800  }
0x1b4: {  	[sflag:s29] =	ssyncset.done $0x0  }
0x1b5: {  	s8 =	rddreg [dreg:$0x4];
	[sflag:s29] =	ssyncadd.s32 $0xFFFFD800  }
0x1b6: {  	[hbm4b:s8+s6] =	stream.linear.scatter [tilespmem:s0], [sflag:$0x2], $0x2800, $0x38;
	[tilespmem:$0x1E600] =	vst v63  }
0x1b7: {  	_ =	swait.ge [sflag:s29], $0x2800  }
0x1b8: {  	[sflag:s29] =	ssyncset.done $0x0  }
0x1b9: {  	s9 =	rddreg [dreg:$0xd];
	[sflag:s29] =	ssyncadd.s32 $0xFFFFD800  }
0x1ba: {  	[tilespmem:s0], [sflag:$0x2] =	stream.linear.gather [spmem:s9], $0x2800, $0x38;
	[tilespmem:$0x1E600] =	vst v63  }
0x1bb: {  	_ =	swait.ge [sflag:s29], $0x2800  }
0x1bc: {  	[sflag:s29] =	ssyncset.done $0x0  }
0x1bd: {  	s10 =	rddreg [dreg:$0x5];
	[sflag:s29] =	ssyncadd.s32 $0xFFFFD800  }
0x1be: {  	[hbm4b:s10+s6] =	stream.linear.scatter [tilespmem:s0], [sflag:$0x2], $0x2800, $0x38;
	[tilespmem:$0x1E600] =	vst v63  }
0x1bf: {  	_ =	swait.ge [sflag:s29], $0x2800  }
0x1c0: {  	[sflag:s29] =	ssyncset.done $0x0  }
0x1c1: {  	s8 =	rddreg [dreg:$0xe];
	[sflag:s29] =	ssyncadd.s32 $0xFFFFD800  }
0x1c2: {  	[tilespmem:s0], [sflag:$0x2] =	stream.linear.gather [spmem:s8], $0x2800, $0x38;
	[tilespmem:$0x1E600] =	vst v63  }
0x1c3: {  	_ =	swait.ge [sflag:s29], $0x2800  }
0x1c4: {  	[sflag:s29] =	ssyncset.done $0x0  }
0x1c5: {  	s9 =	rddreg [dreg:$0x6];
	[sflag:s29] =	ssyncadd.s32 $0xFFFFD800  }
0x1c6: {  	[hbm4b:s9+s6] =	stream.linear.scatter [tilespmem:s0], [sflag:$0x2], $0x2800, $0x38;
	[tilespmem:$0x1E600] =	vst v63  }
0x1c7: {  	_ =	swait.ge [sflag:s29], $0x2800  }
0x1c8: {  	[sflag:s29] =	ssyncset.done $0x0  }
0x1c9: {  	s10 =	rddreg [dreg:$0xf];
	[sflag:s29] =	ssyncadd.s32 $0xFFFFD800  }
0x1ca: {  	[tilespmem:s0], [sflag:$0x2] =	stream.linear.gather [spmem:s10], $0x2800, $0x38;
	[tilespmem:$0x1E600] =	vst v63  }
0x1cb: {  	_ =	swait.ge [sflag:s29], $0x2800  }
0x1cc: {  	[sflag:s29] =	ssyncset.done $0x0  }
0x1cd: {  	s8 =	rddreg [dreg:$0x7];
	[sflag:s29] =	ssyncadd.s32 $0xFFFFD800  }
0x1ce: {  	[hbm4b:s8+s6] =	stream.linear.scatter [tilespmem:s0], [sflag:$0x2], $0x2800, $0x38;
	[tilespmem:$0x1E600] =	vst v63  }
0x1cf: {  	_ =	swait.ge [sflag:s29], $0x2800  }
0x1d0: {  	[sflag:s29] =	ssyncset.done $0x0  }
0x1d1: {  	s9 =	rddreg [dreg:$0x10];
	[sflag:s29] =	ssyncadd.s32 $0xFFFFD800  }
0x1d2: {  	[tilespmem:s0], [sflag:$0x2] =	stream.linear.gather [spmem:s9], $0x2800, $0x38;
	[tilespmem:$0x1E600] =	vst v63  }
0x1d3: {  	_ =	swait.ge [sflag:s29], $0x2800  }
0x1d4: {  	[sflag:s29] =	ssyncset.done $0x0  }
0x1d5: {  	s10 =	rddreg [dreg:$0x8];
	[sflag:s29] =	ssyncadd.s32 $0xFFFFD800  }
0x1d6: {  	[hbm4b:s10+s6] =	stream.linear.scatter [tilespmem:s0], [sflag:$0x2], $0x2800, $0x38;
	[tilespmem:$0x1E600] =	vst v63  }
0x1d7: {  	_ =	swait.ge [sflag:s29], $0x2800  }
0x1d8: {  	[sflag:s29] =	ssyncset.done $0x0  }
0x1d9: {  	s8 =	rddreg [dreg:$0x11];
	[sflag:s29] =	ssyncadd.s32 $0xFFFFD800  }
0x1da: {  	[tilespmem:s0], [sflag:$0x2] =	stream.linear.gather [spmem:s8], $0x2800, $0x38;
	[tilespmem:$0x1E600] =	vst v63  }
0x1db: {  	_ =	swait.ge [sflag:s29], $0x2800  }
0x1dc: {  	[sflag:s29] =	ssyncset.done $0x0  }
0x1dd: {  	s9 =	rddreg [dreg:$0x9];
	[sflag:s29] =	ssyncadd.s32 $0xFFFFD800  }
0x1de: {  	[hbm4b:s9+s6] =	stream.linear.scatter [tilespmem:s0], [sflag:$0x2], $0x2800, $0x38;
	[tilespmem:$0x1E600] =	vst v63  }
0x1df: {  	_ =	swait.ge [sflag:s29], $0x2800  }
0x1e0: {  	[sflag:s29] =	ssyncset.done $0x0  }
0x1e1: {  	s10 =	rddreg [dreg:$0x12];
	[sflag:s29] =	ssyncadd.s32 $0xFFFFD800  }
0x1e2: {  	[tilespmem:s0], [sflag:$0x2] =	stream.linear.gather [spmem:s10], $0x2800, $0x38;
	[tilespmem:$0x1E600] =	vst v63  }
0x1e3: {  	_ =	swait.ge [sflag:s29], $0x2800  }
0x1e4: {  	[sflag:s29] =	ssyncset.done $0x0  }
0x1e5: {  	s8 =	rddreg [dreg:$0xa];
	[sflag:s29] =	ssyncadd.s32 $0xFFFFD800  }
0x1e6: {  	[hbm4b:s8+s6] =	stream.linear.scatter [tilespmem:s0], [sflag:$0x2], $0x2800, $0x38;
	[tilespmem:$0x1E600] =	vst v63  }
0x1e7: {  	_ =	swait.ge [sflag:s29], $0x2800  }
0x1e8: {  	s9 =	rddreg [dreg:$0x13]  }
0x1e9: {  	s10 =	rddreg [dreg:$0xb];
	s7 =	sadd.s32 $0x1, s9  }
0x1ea: {  	p0 =	sne.s32 s7, s10  }
.Ltmp4:
0x1eb: {  	_ = 	snop;
	(pc) =	sbr.rel @p0 .LBB2_1-.Ltmp4, $3  }
0x1ec: {  	_ =	sdelay $0x1  }
0x1ed: {  	[sflag:s29] =	ssyncset.done $0x0  }
0x1ee: {  	[sflag:s29] =	ssyncadd.s32 $0xFFFFD800  }
0x1ef: {  	_ =	sfence.sel $0x180000  }
0x1f0: {  	[bflag:$0x0] =	sbarrier.arrive $0xFFFF  }
0x1f1: {  	_ =	strace $0x9000004D  }
0x1f2: {  	s0 =	stileid.u32;
	[bflag:$0x2] =	sbarrier.arrive $0xFFFF  }
0x1f3: {  	p0 =	sne.s32 s0, $0x0;
	s0 =	rddreg [dreg:$0x2]  }
0x1f4: {  	s0 =	sadd.s32 @!p0 $0x100000, s0  }
0x1f5: {  	[sflag:s0] =	ssyncadd.tile.s32 @!p0 $0x1;
	_ =	shalt  }
.Lfunc_end2:
_tile_overlayer_lowered:
.L_overlay_start_2:
0x1f6: {  	(tag) =	ssettag $0x2  }
0x1f7: {  	s0 =	rddreg [dreg:$0x0];
	s2 =	stileid.u32  }
0x1f8: {  	s1 =	rddreg [dreg:$0x1];
	p0 =	sne.s32 s2, $0x0  }
0x1f9: {  	s3 =	rddreg [dreg:$0x2];
	[bflag:$0x3] =	sbarrier.arrive $0xFFFF;
	s2 =	simm.s32 @!p0 $0x1C02  }
0x1fa: {  	[timem:s3], [sflag:s2] =	dma.local @!p0 [hbm:s0], s1  }
0x1fb: {  	s0 =	simm.s32 @!p0 $0x2  }
0x1fc: {  	_ =	swait.ge @!p0 [sflag:s0], s1  }
0x1fd: {  	s1 =	ssub.s32 @!p0 $0x0, s1;
	[sflag:s0] =	ssyncset.done @!p0 $0x0  }
0x1fe: {  	[sflag:s0] =	ssyncadd.s32 @!p0 s1  }
0x1ff: {  	[bflag:$0x3] =	sbarrier.arrive $0xFFFF  }
0x200: {  	_ =	shalt  }

// kernel: kernel.8.cloned.1.call-start
scs
__scs_entry_jumppad:
0x0: {  	(pc) =	sbr.rel $0x88, $3  }
0x1: {  	(tag) =	ssettag $0x0;
	lr =	simm.s32 $0x1  }
0x2: {  	[smem:$0x3F92] =	sst lr;
	_ =	strace $0xD0000000  }
0x3: {  	_ = 	snop  }
0x4: {  	_ = 	snop  }
0x5: {  	_ = 	snop  }
0x6: {  	_ = 	snop  }
0x7: {  	_ = 	snop  }
__scs_overlays_trampoline_lowered:
0x8: {  	[smem:$0x3FA1] =	sst s0  }
0x9: {  	[smem:$0x3FA2] =	sst s1  }
0xa: {  	[smem:$0x3FA3] =	sst s2  }
0xb: {  	[smem:$0x3FA4] =	sst s3  }
0xc: {  	[smem:$0x3FA5] =	sst s4  }
0xd: {  	[smem:$0x3FA6] =	sst s5  }
0xe: {  	[smem:$0x3FA7] =	sst s6  }
0xf: {  	[smem:$0x3FA8] =	sst s7  }
0x10: {  	[smem:$0x3FA9] =	sst s8  }
0x11: {  	[smem:$0x3FAA] =	sst s9;
	s0 =	simm.s32 @!p0 $0x0  }
0x12: {  	s1 =	sld [smem:$0x3F90];
	s0 =	simm.s32 @p0 $0x1  }
0x13: {  	[smem:$0x3FAB] =	sst s0;
	s0 =	simm.s32 @!p1 $0x0  }
0x14: {  	s2 =	sld [smem:$0x3F8F];
	s0 =	simm.s32 @p1 $0x1  }
0x15: {  	[smem:$0x3FAC] =	sst s0;
	s0 =	simm.s32 @!p2 $0x0  }
0x16: {  	s3 =	sld [smem:$0x3FDB];
	s0 =	simm.s32 @p2 $0x1  }
0x17: {  	s4 =	simm.s32 $0x1BF5;
	[smem:$0x3FAE] =	sst s0  }
0x18: {  	s0 =	sld [smem:$0x3F91];
	_ =	swait.ge [sflag:s4], $0x0  }
0x19: {  	s7 =	sld [smem:$0x3F92]  }
0x1a: {  	s8 =	sadd.s32 $0xFFFFE003, lr  }
0x1b: {  	s9 =	sadd.s32 $0xFFFFFEF7, lr;
	s5 =	simm.s32 $0xFFFFFFFF;
	p2 =	slt.u32 s8, $0xFFFFF086  }
0x1c: {  	p1 =	slt.u32 s9, $0xF7A;
	s5 =	simm.s32 @!p2 $0x0  }
0x1d: {  	s5 =	simm.s32 @p1 $0x1;
	p0 =	seq.s32 s7, s2  }
0x1e: {  	s7 =	smul.u32 @!p0 $0xF7A, s2;
	p2 =	seq.s32 @!p0 s5, $0x0  }
0x1f: {  	s9 =	smul.u32 $0xF7A, s1;
	s8 =	simm.s32 @!p0 $0x1BF5;
	p2 =	por !p2, p0  }
0x20: {  	[sflag:s8] =	ssyncset.s32 @!p0 $0xFFFFF086;
	s6 =	sadd.s32 @!p0 s3, s7;
	s7 =	simm.s32 @!p0 $0x108  }
0x21: {  	s3 =	sadd.s32 s3, s9;
	s6 =	sadd.s32 @!p0 $0x88, s6;
	s7 =	simm.s32 @p2 $0x1082  }
0x22: {  	[simem:s7], [sflag:s8] =	dma.local @!p0 [hbm:s6], $0xF7A  }
0x23: {  	s9 =	sor.u32 $0xD0000000, s2;
	s6 =	simm.s32 $0x108;
	_ =	swait.ge @!p0 [sflag:s8], $0x0  }
0x24: {  	s3 =	sadd.s32 $0x88, s3;
	s6 =	simm.s32 @!p1 $0x1082;
	[sflag:s4] =	ssyncset.s32 $0xFFFFF086  }
0x25: {  	[simem:s6], [sflag:s4] =	dma.local [hbm:s3], $0xF7A  }
0x26: {  	[smem:$0x3F92] =	sst s1;
	(tag) =	ssettag s2;
	_ =	strace s9  }
0x27: {  	s1 =	sld [smem:$0x3FA2]  }
0x28: {  	s2 =	sld [smem:$0x3FA3]  }
0x29: {  	s4 =	sld [smem:$0x3FA5]  }
0x2a: {  	p0 =	seq.s32 s5, $0x0;
	s5 =	sld [smem:$0x3FA6]  }
0x2b: {  	s6 =	sld [smem:$0x3FA7]  }
0x2c: {  	s7 =	sld [smem:$0x3FA8]  }
0x2d: {  	s3 =	simm.s32 $0x108;
	s8 =	sld [smem:$0x3FA9]  }
0x2e: {  	s3 =	simm.s32 @!p0 $0x1082;
	s9 =	sld [smem:$0x3FAA]  }
0x2f: {  	lr =	sadd.s32 s0, s3;
	s0 =	sld [smem:$0x3FA1]  }
0x30: {  	s3 =	sld [smem:$0x3FA4]  }
0x31: {  	[smem:$0x3FAD] =	sst s10  }
0x32: {  	s10 =	sld [smem:$0x3FAB];
	_ =	sdelay $0x3  }
0x33: {  	p0 =	seq.s32 s10, $0x1;
	s10 =	sld [smem:$0x3FAD];
	_ =	sdelay $0x3  }
0x34: {  	[smem:$0x3FAD] =	sst s10  }
0x35: {  	s10 =	sld [smem:$0x3FAC];
	_ =	sdelay $0x3  }
0x36: {  	p1 =	seq.s32 s10, $0x1;
	s10 =	sld [smem:$0x3FAD];
	_ =	sdelay $0x3  }
0x37: {  	[smem:$0x3FAD] =	sst s10  }
0x38: {  	s10 =	sld [smem:$0x3FAE]  }
0x39: {  	_ = 	snop;
	(pc) =	sbr.ind lr, $3  }
0x3a: {  	_ = 	snop  }
0x3b: {  	_ = 	snop  }
0x3c: {  	p2 =	seq.s32 s10, $0x1;
	s10 =	sld [smem:$0x3FAD]  }
0x3d: {  	_ =	shalt  }
0x3e: {  	_ =	shalt  }
0x3f: {  	_ =	shalt  }
0x40: {  	_ =	shalt  }
0x41: {  	_ =	shalt  }
0x42: {  	_ =	shalt  }
0x43: {  	_ =	shalt  }
0x44: {  	_ =	shalt  }
0x45: {  	_ =	shalt  }
0x46: {  	_ =	shalt  }
0x47: {  	_ =	shalt  }
0x48: {  	_ =	shalt  }
0x49: {  	_ =	shalt  }
0x4a: {  	_ =	shalt  }
0x4b: {  	_ =	shalt  }
0x4c: {  	_ =	shalt  }
0x4d: {  	_ =	shalt  }
0x4e: {  	_ =	shalt  }
0x4f: {  	_ =	shalt  }
0x50: {  	_ =	shalt  }
0x51: {  	_ =	shalt  }
0x52: {  	_ =	shalt  }
0x53: {  	_ =	shalt  }
0x54: {  	_ =	shalt  }
0x55: {  	_ =	shalt  }
0x56: {  	_ =	shalt  }
0x57: {  	_ =	shalt  }
0x58: {  	_ =	shalt  }
0x59: {  	_ =	shalt  }
0x5a: {  	_ =	shalt  }
0x5b: {  	_ =	shalt  }
0x5c: {  	_ =	shalt  }
0x5d: {  	_ =	shalt  }
0x5e: {  	_ =	shalt  }
0x5f: {  	_ =	shalt  }
0x60: {  	_ =	shalt  }
0x61: {  	_ =	shalt  }
0x62: {  	_ =	shalt  }
0x63: {  	_ =	shalt  }
0x64: {  	_ =	shalt  }
0x65: {  	_ =	shalt  }
0x66: {  	_ =	shalt  }
0x67: {  	_ =	shalt  }
0x68: {  	_ =	shalt  }
0x69: {  	_ =	shalt  }
0x6a: {  	_ =	shalt  }
0x6b: {  	_ =	shalt  }
0x6c: {  	_ =	shalt  }
0x6d: {  	_ =	shalt  }
0x6e: {  	_ =	shalt  }
0x6f: {  	_ =	shalt  }
0x70: {  	_ =	shalt  }
0x71: {  	_ =	shalt  }
0x72: {  	_ =	shalt  }
0x73: {  	_ =	shalt  }
0x74: {  	_ =	shalt  }
0x75: {  	_ =	shalt  }
0x76: {  	_ =	shalt  }
0x77: {  	_ =	shalt  }
0x78: {  	_ =	shalt  }
0x79: {  	_ =	shalt  }
0x7a: {  	_ =	shalt  }
0x7b: {  	_ =	shalt  }
0x7c: {  	_ =	shalt  }
0x7d: {  	_ =	shalt  }
0x7e: {  	_ =	shalt  }
0x7f: {  	_ =	shalt  }
0x80: {  	_ =	shalt  }
0x81: {  	_ =	shalt  }
0x82: {  	_ =	shalt  }
0x83: {  	_ =	shalt  }
0x84: {  	_ =	shalt  }
0x85: {  	_ =	shalt  }
0x86: {  	_ =	shalt  }
0x87: {  	_ =	shalt  }
.Lfunc_end0:
.L_simem_size_0:
called_computation_lowered:
.L_overlay_start_0:
0x88: {  	s2 =	sld [smem:$0x3FD9]  }
0x89: {  	s3 =	sld [smem:$0x3FFE];
	_ =	sdelay $0x1  }
0x8a: {  	s1 =	srdreg.scid  }
0x8b: {  	s0 =	sand.u32 $0x1, s1  }
0x8c: {  	s14 =	sshll.u32 s0, $0xA;
	s2 =	sadd.s32 s3, s2  }
0x8d: {  	s2 =	sadd.s32 s2, s14  }
0x8e: {  	[smem:$0x3FB9] =	sst s2  }
0x8f: {  	_ = 	snop  }
0x90: {  	s2 =	sld [smem:$0x3FD0];
	_ =	sdelay $0x2  }
0x91: {  	s15 =	simm.s32 $0xA;
	s4 =	simm.s32 $0x10  }
0x92: {  	[smem:s4], [sflag:s15] =	dma.local [hbm:s2], $0x1  }
0x93: {  	_ =	swait.eq [sflag:s15], $0x1  }
0x94: {  	[sflag:s15] =	ssyncset.done $0x0  }
0x95: {  	[sflag:s15] =	ssyncadd.s32 $0xFFFFFFFF  }
0x96: {  	s16 =	sld [smem:$0x11];
	(tm) =	ssettm $0x1  }
0x97: {  	s17 =	sld [smem:$0x3FFB];
	_ =	sdelay $0x3  }
0x98: {  	_ =	strace s17  }
0x99: {  	s3 =	sld [smem:$0x3FFC];
	_ =	sdelay $0x3  }
0x9a: {  	_ =	strace s3  }
0x9b: {  	s3 =	sld [smem:$0x3FFD];
	_ =	sdelay $0x3  }
0x9c: {  	_ =	strace s3  }
0x9d: {  	_ =	strace $0x8FFFFFFF  }
0x9e: {  	s18 =	sld [smem:$0x3FDB];
	_ =	sdelay $0x1  }
0x9f: {  	s19 =	simm.s32 $_scs_section_size  }
0xa0: {  	s5 =	simm.s32 $_size__tile_overlayer_lowered;
	s6 =	simm.s32 $_tile_overlayer_lowered  }
0xa1: {  	s22 =	simm.s32 $0x1BFF;
	s21 =	sshll.u32 s6, $0x1;
	s3 =	sadd.s32 s19, s18  }
0xa2: {  	s7 =	simm.s32 $0x0;
	s20 =	sshll.u32 s5, $0x1;
	s5 =	sadd.s32 s21, s3  }
0xa3: {  	[timem:s7], [sflag:s22] =	dma.local [hbm:s5], s20  }
0xa4: {  	_ =	swait.ge [sflag:s22], s20  }
0xa5: {  	s4 =	ssub.s32 $0x0, s20;
	[sflag:s22] =	ssyncset.done $0x0  }
0xa6: {  	[sflag:s22] =	ssyncadd.s32 s4;
	_ =	sdelay $0x1  }
0xa7: {  	s23 =	simm.s32 $0x1B8B  }
0xa8: {  	_ =	swait.ge [sflag:s23], $0x1  }
0xa9: {  	[sflag:s23] =	ssyncset.done $0x0  }
0xaa: {  	s25 =	simm.s32 $0x1B8E;
	s24 =	sld [smem:$0x3FFE];
	[sflag:s23] =	ssyncadd.s32 $0xFFFFFFFF  }
0xab: {  	s26 =	simm.s32 $execute0_lowered;
	[smem:$0x3FD2] =	sst s25  }
0xac: {  	s5 =	sshll.u32 s26, $0x1;
	_ =	strace $0x80000046;
	[dreg:$0x1] =	wrdreg $0xFFFFFFFF  }
0xad: {  	s28 =	simm.s32 $_size_execute0_lowered;
	s3 =	sadd.s32 s3, s5;
	[dreg:$0x0] =	wrdreg $0x0  }
0xae: {  	s5 =	sshll.u32 s28, $0x1;
	[dreg:$0x2] =	wrdreg s3  }
0xaf: {  	[dreg:$0x3] =	wrdreg s5  }
0xb0: {  	[dreg:$0x4] =	wrdreg $0xC0  }
0xb1: {  	_ =	task [dreg:s7], $0x5FFFF  }
0xb2: {  	[dreg:$0x1] =	wrdreg $0xFFFFFFFF  }
0xb3: {  	[dreg:$0x0] =	wrdreg $0x60  }
0xb4: {  	[dreg:$0x2] =	wrdreg s24  }
0xb5: {  	[dreg:$0x3] =	wrdreg s16  }
0xb6: {  	[dreg:$0x4] =	wrdreg $0x171000  }
0xb7: {  	[dreg:$0x5] =	wrdreg $0x9  }
0xb8: {  	_ =	task.clear_ibuf [dreg:s7], $0x6FFFF;
	_ =	strace $0x90000046  }
0xb9: {  	s29 =	simm.s32 $0x9;
	_ =	strace $0x80000048  }
0xba: {  	_ =	swait.ge [sflag:s29], $0x1  }
0xbb: {  	[sflag:s29] =	ssyncadd.s32 $0xFFFFFFFF  }
0xbc: {  	_ =	strace $0x90000048  }
0xbd: {  	_ =	sfence  }
0xbe: {  	s30 =	sld [smem:$0x0];
	_ =	sdelay $0x2  }
0xbf: {  	s31 =	sshll.u32 s1, $0xD;
	s1 =	sshrl.u32 s1, $0x2  }
0xc0: {  	s3 =	sand.u32 $0x4000, s31;
	s1 =	sadd.s32 s1, s30  }
0xc1: {  	s0 =	sor.u32 s3, s0;
	s1 =	sshll.u32 s1, $0x11  }
0xc2: {  	s0 =	sor.u32 s1, s0  }
0xc3: {  	s0 =	sadd.s32 $0x8F2B, s0  }
0xc4: {  	[sflag:s0] =	ssyncadd.remote.s32 $0x1  }
0xc5: {  	_ =	sfence.sel $0xFFFF  }
0xc6: {  	[dreg:$0x0] =	wrdreg $0xFFFFFFFF;
	(pc) =	sbr.abs _section_cstart, $3  }
0xc7: {  	[dreg:$0x1] =	wrdreg $0xFFFFFFFF  }
0xc8: {  	_ =	task.clear_ibuf [dreg:s7], $0x2FFFF;
	_ =	strace $0x9FFFFFFF  }
0xc9: {  	(tm) =	ssettm $0x7FFFFFFF  }
tec
execute0_lowered:
.L_overlay_start_1:
0x0: {  	(tag) =	ssettag $0x1  }
0x1: {  	s0 =	rddreg [dreg:$0x0]  }
0x2: {  	s1 =	rddreg [dreg:$0x1]  }
0x3: {  	s11 =	rddreg [dreg:$0x2]  }
0x4: {  	s3 =	simm.s32 $0x0;
	s4 =	srdreg.scid;
	s2 =	stileid.u32  }
0x5: {  	s16 =	simm.s32 $0x16700;
	s17 =	simm.s32 $0x16C00;
	s18 =	simm.s32 $0xEB00  }
0x6: {  	s19 =	simm.s32 $0x80;
	s20 =	simm.s32 $0x400;
	s21 =	simm.s32 $0x1F080  }
0x7: {  	s22 =	simm.s32 $0x1E900;
	s23 =	simm.s32 $0x100;
	s24 =	simm.s32 $0x0  }
0x8: {  	[smem:$0x7FF] =	sst s3;
	s9 =	sand.u32 $0x1, s4;
	s7 =	smul.u32 $0xF00, s2  }
0x9: {  	s4 =	sadd.s32 $0xEE00, s0;
	s5 =	sadd.s32 $0x5000, s0;
	s6 =	sadd.s32 $0x3000, s0  }
0xa: {  	s12 =	sshrl.u32 s2, $0x3;
	s14 =	sshll.u32 s2, $0x1;
	s30 =	smul.u32 $0xF000, s2  }
0xb: {  	s31 =	sshll.u32 s2, $0x7;
	_ =	strace $0x80000047;
	s8 =	sshll.u32 s9, $0x7  }
0xc: {  	s29 =	ssub.s32 $0x2, s9;
	s12 =	smul.u32 $0xF0000, s12;
	s9 =	sor.u32 s9, s14  }
0xd: {  	s14 =	sand.u32 $0x380, s31;
	s10 =	sor.u32 s8, s7;
	s7 =	sadd.s32 $0x4000, s0  }
0xe: {  	s8 =	sadd.s32 $0x1AA00, s0;
	s13 =	sshrl.u32 s29, $0x1;
	s9 =	smul.u32 $0x2710, s9  }
0xf: {  	v0 =	vlaneseq.u32;
	s15 =	sshrl.u32 s30, $0x2;
	s10 =	sshrl.u32 s10, $0x3;
	s12 =	sshrl.u32 s12, $0x2  }
0x10: {  	v0 =	vmul.u32 $0x3, v0;
	s13 =	ssub.s32 s29, s13;
	s0 =	sadd.s32 s10, s0;
	s12 =	sadd.s32 s12, s11  }
0x11: {  	s11 =	sadd.s32 s15, s11;
	s13 =	smax.u32 s13, $0x1;
	s15 =	simm.s32 $0x7580  }
0x12: {  	v1 =	vimm.f32 $0.0e+00;
	v2 =	vadd.s32 $0x1, v0;
	v3 =	vadd.s32 $0x2, v0;
	s10 =	sadd.s32 s14, s12;
	s12 =	sadd.s32 $0x18C00, s0;
	s14 =	simm.s32 $0x1  }
.LBB2_1:
0x13: {  	[tilespmem:s3], [sflag:$0x1] =	stream.linear.gather [hbm4b:s6+s3], $0x7580, $0x38;
	[tilespmem:$0x1F800] =	vst v63  }
0x14: {  	_ =	swait.ge [sflag:s14], $0x7580  }
0x15: {  	[sflag:s14] =	ssyncset.done $0x0  }
0x16: {  	[sflag:s14] =	ssyncadd.s32 $0xFFFF8A80  }
0x17: {  	[tilespmem:s15], [sflag:$0x1] =	stream.linear.gather [hbm4b:s7+s3], $0x7580, $0x38;
	[tilespmem:$0x1F800] =	vst v63  }
0x18: {  	_ =	swait.ge [sflag:s14], $0x7580  }
0x19: {  	[sflag:s14] =	ssyncset.done $0x0  }
0x1a: {  	s0 =	simm.s32 $0x40;
	s25 =	simm.s32 $0x0;
	[sflag:s14] =	ssyncadd.s32 $0xFFFF8A80  }
.LBB2_2:
0x1b: {  	p0 =	sne.s32 s0, $0x1DFC0;
	[tilespmem:s25+$0xEB00] =	vst v1;
	s25 =	smov.u32 s0;
	s0 =	sadd.s32 $0x40, s0  }
.Ltmp0:
0x1c: {  	(pc) =	sbr.rel @p0 .LBB2_2-.Ltmp0, $2  }
0x1d: {  	_ =	sdelay $0x2  }
0x1e: {  	s25 =	sshra.s32 s25, $0x2  }
0x1f: {  	[tilespmem:s25+$0xEB00] =	vst v1;
	s25 =	simm.s32 $0x0;
	s26 =	simm.s32 $0x0  }
.LBB2_4:
0x20: {  	s0 =	smul.u32 $0x190, s26;
	_ =	sdelay $0x1  }
0x21: {  	s0 =	sadd.s32 s9, s0  }
0x22: {  	s28 =	sshrl.u32 s0, $0x3  }
0x23: {  	s29 =	simm.s32 $0x16300;
	s30 =	sadd.s32 s4, s28  }
0x24: {  	[tilespmem:s29], [sflag:$0x1] =	stream.linear.gather [hbm4b:s30+s25], $0x190, $0x38;
	[tilespmem:$0x1F800] =	vst v63  }
0x25: {  	_ =	swait.ge [sflag:s14], $0x190  }
0x26: {  	s0 =	smul.u32 $0x3, s0;
	[sflag:s14] =	ssyncset.done $0x0  }
0x27: {  	s28 =	sadd.s32 s5, s28;
	s30 =	simm.s32 $0x16500;
	[sflag:s14] =	ssyncadd.s32 $0xFFFFFE70  }
0x28: {  	[tilespmem:s30], [sflag:$0x1] =	stream.linear.gather [hbm4b:s28+s25], $0x190, $0x38;
	[tilespmem:$0x1F800] =	vst v63  }
0x29: {  	_ =	swait.ge [sflag:s14], $0x190  }
0x2a: {  	s28 =	sshrl.u32 s0, $0x3;
	[sflag:s14] =	ssyncset.done $0x0  }
0x2b: {  	s0 =	sadd.s32 s1, s28;
	[sflag:s14] =	ssyncadd.s32 $0xFFFFFE70  }
0x2c: {  	[tilespmem:s16], [sflag:$0x1] =	stream.linear.gather [hbm4b:s0+s25], $0x4B0, $0x38;
	[tilespmem:$0x1F800] =	vst v63  }
0x2d: {  	_ =	swait.ge [sflag:s14], $0x4B0  }
0x2e: {  	[sflag:s14] =	ssyncset.done $0x0  }
0x2f: {  	[sflag:s14] =	ssyncadd.s32 $0xFFFFFB50  }
0x30: {  	v4 =	vld [tilespmem:s30+$0x0]  }
0x31: {  	v5 =	vld [tilespmem:s29+$0x0];
	_ =	sdelay $0x2  }
0x32: {  	v6 =	vmov s25  }
0x33: {  	s31 =	simm.s32 $0x10;
	v6 =	vmul.u32 $0x3, v6;
	v4 =	vmul.u32 $0x3, v4  }
.LBB2_5:
0x34: {  	p0 =	sne.s32 s31, $0x180;
	v5 =	vmul.u32 $0x3, v5;
	s29 =	sadd.s32 $0x10, s29;
	s30 =	sadd.s32 $0x10, s30  }
0x35: {  	s0 =	smov.u32 s31;
	s31 =	sadd.s32 $0x10, s31;
	v6 =	vbroadcast v6, $0x0;
	_ =	sdelay $0x1  }
0x36: {  	v7 =	vadd.s32 v0, v6;
	_ =	sdelay $0x1  }
0x37: {  	v8 =	vld.idx.msk [tilespmem:v4+s15+$0x0], $0xffff  }
0x38: {  	v9 =	vld.idx.msk [tilespmem:v5+s3+$0x0], $0xffff;
	_ =	sdelay $0x1  }
0x39: {  	v10 =	vld.idx.msk [tilespmem:v7+s16+$0x0], $0xffff;
	_ =	sdelay $0x3  }
0x3a: {  	v8 =	vadd.f32 v8, v9;
	_ =	sdelay $0x1  }
0x3b: {  	v8 =	vadd.f32 v10, v8;
	_ =	sdelay $0x1  }
0x3c: {  	v9 =	vmul.f32 $2.000000030e-01, v8  }
0x3d: {  	vm0 =	vge.f32 v8, $0.0e+00  }
0x3e: {  	v8 =	vsel vm0, v8, v9  }
0x3f: {  	v8 =	vmul.f32 $1.442695020e+00, v8;
	_ =	sdelay $0x1  }
0x40: {  	(erf) = vpow2.f32 v8;
	_ =	sdelay $0x6  }
0x41: {  	v8 =	vadd.s32 $0x1, v5  }
0x42: {  	v9 =	vadd.s32 $0x1, v4  }
0x43: {  	v10 =	vpop (erf)  }
0x44: {  	[tilespmem:v7+s17+$0x0] =	vst.idx.msk $0xffff, v10;
	v7 =	vadd.s32 v2, v6  }
0x45: {  	[tilespmem:v4+s18+$0x0] =	vst.idx.add.f32.msk $0xffff, v10  }
0x46: {  	v8 =	vld.idx.msk [tilespmem:v8+s3+$0x0], $0xffff  }
0x47: {  	v10 =	vld.idx.msk [tilespmem:v9+s15+$0x0], $0xffff;
	_ =	sdelay $0x1  }
0x48: {  	v11 =	vld.idx.msk [tilespmem:v7+s16+$0x0], $0xffff;
	_ =	sdelay $0x3  }
0x49: {  	v8 =	vadd.f32 v10, v8;
	_ =	sdelay $0x1  }
0x4a: {  	v8 =	vadd.f32 v11, v8;
	_ =	sdelay $0x1  }
0x4b: {  	v10 =	vmul.f32 $2.000000030e-01, v8  }
0x4c: {  	vm0 =	vge.f32 v8, $0.0e+00  }
0x4d: {  	v8 =	vsel vm0, v8, v10  }
0x4e: {  	v8 =	vmul.f32 $1.442695020e+00, v8;
	_ =	sdelay $0x1  }
0x4f: {  	(erf) = vpow2.f32 v8;
	_ =	sdelay $0x6  }
0x50: {  	v5 =	vadd.s32 $0x2, v5  }
0x51: {  	v4 =	vadd.s32 $0x2, v4  }
0x52: {  	v6 =	vadd.s32 v3, v6;
	v8 =	vpop (erf)  }
0x53: {  	[tilespmem:v7+s17+$0x0] =	vst.idx.msk $0xffff, v8  }
0x54: {  	[tilespmem:v9+s18+$0x0] =	vst.idx.add.f32.msk $0xffff, v8  }
0x55: {  	v5 =	vld.idx.msk [tilespmem:v5+s3+$0x0], $0xffff  }
0x56: {  	v7 =	vld.idx.msk [tilespmem:v4+s15+$0x0], $0xffff  }
0x57: {  	v8 =	vld.idx.msk [tilespmem:v6+s16+$0x0], $0xffff;
	_ =	sdelay $0x4  }
0x58: {  	v5 =	vadd.f32 v7, v5;
	_ =	sdelay $0x1  }
0x59: {  	v5 =	vadd.f32 v8, v5;
	_ =	sdelay $0x1  }
0x5a: {  	vm0 =	vge.f32 v5, $0.0e+00;
	v7 =	vmul.f32 $2.000000030e-01, v5;
	_ =	sdelay $0x1  }
0x5b: {  	v5 =	vsel vm0, v5, v7  }
0x5c: {  	v5 =	vmul.f32 $1.442695020e+00, v5;
	_ =	sdelay $0x1  }
0x5d: {  	(erf) = vpow2.f32 v5;
	_ =	sdelay $0x8  }
0x5e: {  	v5 =	vpop (erf)  }
0x5f: {  	[tilespmem:v6+s17+$0x0] =	vst.idx.msk $0xffff, v5  }
0x60: {  	[tilespmem:v4+s18+$0x0] =	vst.idx.add.f32.msk $0xffff, v5  }
0x61: {  	v4 =	vld [tilespmem:s30+$0x0]  }
.Ltmp1:
0x62: {  	v5 =	vld [tilespmem:s29+$0x0];
	(pc) =	sbr.rel @p0 .LBB2_5-.Ltmp1, $3  }
0x63: {  	_ =	sdelay $0x1  }
0x64: {  	v6 =	vmov s0  }
0x65: {  	v6 =	vmul.u32 $0x3, v6;
	v4 =	vmul.u32 $0x3, v4  }
0x66: {  	v5 =	vmul.u32 $0x3, v5  }
0x67: {  	v6 =	vbroadcast v6, $0x0;
	_ =	sdelay $0x1  }
0x68: {  	v7 =	vadd.s32 v0, v6;
	_ =	sdelay $0x1  }
0x69: {  	v8 =	vld.idx.msk [tilespmem:v4+s15+$0x0], $0xffff  }
0x6a: {  	v9 =	vld.idx.msk [tilespmem:v5+s3+$0x0], $0xffff;
	_ =	sdelay $0x1  }
0x6b: {  	v10 =	vld.idx.msk [tilespmem:v7+s16+$0x0], $0xffff;
	_ =	sdelay $0x2  }
0x6c: {  	v8 =	vadd.f32 v8, v9;
	_ =	sdelay $0x1  }
0x6d: {  	v8 =	vadd.f32 v10, v8;
	_ =	sdelay $0x1  }
0x6e: {  	v57 =	vmul.f32 $2.000000030e-01, v8  }
0x6f: {  	vm0 =	vge.f32 v8, $0.0e+00  }
0x70: {  	v8 =	vsel vm0, v8, v57  }
0x71: {  	v8 =	vmul.f32 $1.442695020e+00, v8;
	_ =	sdelay $0x1  }
0x72: {  	(erf) = vpow2.f32 v8;
	_ =	sdelay $0x6  }
0x73: {  	v58 =	vadd.s32 $0x1, v5  }
0x74: {  	v59 =	vadd.s32 $0x1, v4  }
0x75: {  	v60 =	vpop (erf)  }
0x76: {  	v61 =	vadd.s32 v2, v6;
	[tilespmem:v7+s17+$0x0] =	vst.idx.msk $0xffff, v60  }
0x77: {  	[tilespmem:v4+s18+$0x0] =	vst.idx.add.f32.msk $0xffff, v60  }
0x78: {  	v8 =	vld.idx.msk [tilespmem:v58+s3+$0x0], $0xffff  }
0x79: {  	v10 =	vld.idx.msk [tilespmem:v59+s15+$0x0], $0xffff;
	_ =	sdelay $0x1  }
0x7a: {  	v11 =	vld.idx.msk [tilespmem:v61+s16+$0x0], $0xffff;
	_ =	sdelay $0x2  }
0x7b: {  	v8 =	vadd.f32 v10, v8;
	_ =	sdelay $0x1  }
0x7c: {  	v8 =	vadd.f32 v11, v8;
	_ =	sdelay $0x1  }
0x7d: {  	v62 =	vmul.f32 $2.000000030e-01, v8  }
0x7e: {  	vm14 =	vge.f32 v8, $0.0e+00  }
0x7f: {  	v8 =	vsel vm14, v8, v62  }
0x80: {  	v8 =	vmul.f32 $1.442695020e+00, v8;
	_ =	sdelay $0x1  }
0x81: {  	(erf) = vpow2.f32 v8;
	_ =	sdelay $0x6  }
0x82: {  	v5 =	vadd.s32 $0x2, v5  }
0x83: {  	v4 =	vadd.s32 $0x2, v4  }
0x84: {  	v8 =	vpop (erf)  }
0x85: {  	v6 =	vadd.s32 v3, v6;
	[tilespmem:v61+s17+$0x0] =	vst.idx.msk $0xffff, v8  }
0x86: {  	[tilespmem:v59+s18+$0x0] =	vst.idx.add.f32.msk $0xffff, v8  }
0x87: {  	v5 =	vld.idx.msk [tilespmem:v5+s3+$0x0], $0xffff  }
0x88: {  	v7 =	vld.idx.msk [tilespmem:v4+s15+$0x0], $0xffff;
	_ =	sdelay $0x1  }
0x89: {  	v8 =	vld.idx.msk [tilespmem:v6+s16+$0x0], $0xffff;
	_ =	sdelay $0x2  }
0x8a: {  	v5 =	vadd.f32 v7, v5;
	_ =	sdelay $0x1  }
0x8b: {  	v5 =	vadd.f32 v8, v5;
	_ =	sdelay $0x1  }
0x8c: {  	v63 =	vmul.f32 $2.000000030e-01, v5  }
0x8d: {  	vm15 =	vge.f32 v5, $0.0e+00  }
0x8e: {  	v5 =	vsel vm15, v5, v63  }
0x8f: {  	v5 =	vmul.f32 $1.442695020e+00, v5;
	_ =	sdelay $0x1  }
0x90: {  	(erf) = vpow2.f32 v5;
	_ =	sdelay $0x8  }
0x91: {  	s26 =	sadd.s32 $0x1, s26;
	v5 =	vpop (erf)  }
0x92: {  	p0 =	sne.s32 s26, $0x19;
	[tilespmem:v6+s17+$0x0] =	vst.idx.msk $0xffff, v5  }
.Ltmp2:
0x93: {  	s0 =	sadd.s32 s8, s28;
	[tilespmem:v4+s18+$0x0] =	vst.idx.add.f32.msk $0xffff, v5;
	(pc) =	sbr.rel @p0 .LBB2_4-.Ltmp2, $4  }
0x94: {  	[hbm4b:s0+s3] =	stream.linear.scatter [tilespmem:s17], [sflag:$0x1], $0x4B0, $0x38;
	[tilespmem:$0x1F800] =	vst v63  }
0x95: {  	_ =	swait.ge [sflag:s14], $0x4B0  }
0x96: {  	[sflag:s14] =	ssyncset.done $0x0  }
0x97: {  	[sflag:s14] =	ssyncadd.s32 $0xFFFFFB50  }
0x98: {  	[spmem:s10] =	stream.strided.scatter [tilespmem:s18], [sflag:$0x1], $0x7800, s20, s19, $0x38;
	[tilespmem:$0x1F800] =	vst v63  }
0x99: {  	s0 =	simm.s32 $0x1  }
0x9a: {  	_ =	swait.ge [sflag:s0], $0x7800  }
0x9b: {  	[sflag:s0] =	ssyncset.done $0x0  }
0x9c: {  	[sflag:s0] =	ssyncadd.s32 $0xFFFF8800  }
0x9d: {  	[bflag:$0x0] =	sbarrier.arrive $0xFFFF  }
0x9e: {  	[tilespmem:s21], [sflag:$0x1] =	stream.strided.gather [spmem:s11], $0x780, s20, s19, $0x38;
	[tilespmem:$0x1F800] =	vst v63  }
0x9f: {  	_ =	swait.ge [sflag:s0], $0x780  }
0xa0: {  	[sflag:s0] =	ssyncset.done $0x0  }
0xa1: {  	[sflag:s0] =	ssyncadd.s32 $0xFFFFF880  }
.LBB2_8:
0xa2: {  	s25 =	sshrl.u32 s0, $0x3  }
0xa3: {  	s25 =	smul.u32 $0xF0000, s25;
	_ =	sdelay $0x1  }
0xa4: {  	s26 =	sshll.u32 s0, $0x7;
	s25 =	sshra.s32 s25, $0x2  }
0xa5: {  	s26 =	sand.u32 $0x380, s26;
	s25 =	sadd.s32 s25, s11  }
0xa6: {  	s25 =	sadd.s32 s26, s25  }
0xa7: {  	[tilespmem:s22], [sflag:$0x1] =	stream.strided.gather [spmem:s25], $0x780, s20, s19, $0x38;
	[tilespmem:$0x1F800] =	vst v63  }
0xa8: {  	_ =	swait.ge [sflag:s14], $0x780  }
0xa9: {  	[sflag:s14] =	ssyncset.done $0x0  }
0xaa: {  	s25 =	simm.s32 $0x0;
	[sflag:s14] =	ssyncadd.s32 $0xFFFFF880  }
0xab: {  	s26 =	simm.s32 $0x40;
	v4 =	vld [tilespmem:s25+$0x1E900]  }
.LBB2_9:
0xac: {  	p0 =	sne.s32 s26, $0x1DC0;
	v5 =	vld [tilespmem:s25+$0x1F080];
	_ =	sdelay $0x2  }
.Ltmp3:
0xad: {  	(pc) =	sbr.rel @p0 .LBB2_9-.Ltmp3, $4  }
0xae: {  	_ = 	snop  }
0xaf: {  	v5 =	vadd.f32 v4, v5  }
0xb0: {  	s28 =	sshra.s32 s26, $0x2  }
0xb1: {  	s26 =	sadd.s32 $0x40, s26;
	v4 =	vld [tilespmem:s28+$0x1E900];
	[tilespmem:s25+$0x1F080] =	vst v5;
	s25 =	smov.u32 s28  }
0xb2: {  	v5 =	vld [tilespmem:s25+$0x1F080]  }
0xb3: {  	s0 =	sadd.s32 $0x1, s0  }
0xb4: {  	p0 =	sne.s32 s0, $0x10  }
.Ltmp4:
0xb5: {  	_ = 	snop;
	(pc) =	sbr.rel @p0 .LBB2_8-.Ltmp4, $3  }
0xb6: {  	_ = 	snop  }
0xb7: {  	v4 =	vadd.f32 v4, v5;
	_ =	sdelay $0x1  }
0xb8: {  	[tilespmem:s25+$0x1F080] =	vst v4  }
0xb9: {  	s24 =	sadd.s32 $0x1, s24  }
0xba: {  	p0 =	sne.s32 s24, s13  }
.Ltmp5:
0xbb: {  	_ = 	snop;
	(pc) =	sbr.rel @p0 .LBB2_1-.Ltmp5, $4  }
0xbc: {  	[hbm4b:s12+s19] =	stream.strided.scatter [tilespmem:s21], [sflag:$0x1], $0x780, s23, s19, $0x38;
	[tilespmem:$0x1F800] =	vst v63  }
0xbd: {  	_ =	swait.ge [sflag:s14], $0x780  }
0xbe: {  	[sflag:s14] =	ssyncset.done $0x0  }
0xbf: {  	[sflag:s14] =	ssyncadd.s32 $0xFFFFF880  }
0xc0: {  	_ =	sfence.sel $0x180000  }
0xc1: {  	[bflag:$0x0] =	sbarrier.arrive $0xFFFF  }
0xc2: {  	_ =	strace $0x90000047  }
0xc3: {  	[bflag:$0x2] =	sbarrier.arrive $0xFFFF  }
0xc4: {  	p0 =	sne.s32 s2, $0x0;
	s0 =	rddreg [dreg:$0x3]  }
0xc5: {  	s0 =	sadd.s32 @!p0 $0x100000, s0  }
0xc6: {  	[sflag:s0] =	ssyncadd.tile.s32 @!p0 $0x1;
	_ =	shalt  }
.Lfunc_end2:
_tile_overlayer_lowered:
.L_overlay_start_2:
0xc7: {  	(tag) =	ssettag $0x2  }
0xc8: {  	s0 =	rddreg [dreg:$0x0];
	s2 =	stileid.u32  }
0xc9: {  	s1 =	rddreg [dreg:$0x1];
	p0 =	sne.s32 s2, $0x0  }
0xca: {  	s3 =	rddreg [dreg:$0x2];
	[bflag:$0x3] =	sbarrier.arrive $0xFFFF;
	s2 =	simm.s32 @!p0 $0x1C01  }
0xcb: {  	[timem:s3], [sflag:s2] =	dma.local @!p0 [hbm:s0], s1  }
0xcc: {  	s0 =	simm.s32 @!p0 $0x1  }
0xcd: {  	_ =	swait.ge @!p0 [sflag:s0], s1  }
0xce: {  	s1 =	ssub.s32 @!p0 $0x0, s1;
	[sflag:s0] =	ssyncset.done @!p0 $0x0  }
0xcf: {  	[sflag:s0] =	ssyncadd.s32 @!p0 s1  }
0xd0: {  	[bflag:$0x3] =	sbarrier.arrive $0xFFFF  }
0xd1: {  	_ =	shalt  }

</sc_bundles>
